<compile_context>
chip_gen: v7x
topology: tpu7x:2x2x1
jax: 0.10.2.dev20260603
libtpu: 0.0.44.dev20260713+nightly
codegen_flags: <defaults>
</compile_context>

<pallas_src>
import functools

import jax
import jax.numpy as jnp
from jax import lax
from jax.experimental import pallas as pl
from jax.experimental.pallas import tpu as pltpu
from jax.experimental.pallas import tpu_sc as plsc

N = 100000
E = 3200000
D = 128

NC = 2
NS = 16
NW = NC * NS
CHUNK = 512
SUB = 512
NCHUNKS = E // CHUNK
TRIP_LO = NCHUNKS // NW
EXTRA = NCHUNKS - TRIP_LO * NW
PAIRS = (TRIP_LO - 1) // 2
ROWS = 6256
ROWS_LAST = N - 15 * ROWS


def _sc_segment_sums(receivers2d, cols9, zeros16, pre16):
    mesh = plsc.VectorSubcoreMesh(core_axis_name="c", subcore_axis_name="s",
                                  num_cores=NC, num_subcores=NS)

    @functools.partial(
        pl.kernel,
        out_type=jax.ShapeDtypeStruct((NC, N, 16), jnp.float32),
        mesh=mesh,
        compiler_params=pltpu.CompilerParams(use_tc_tiling_on_sc=False),
        scratch_types=[
            pltpu.VMEM_SHARED((N, 16), jnp.float32),
            pltpu.VMEM((1, SUB), jnp.int32),
            pltpu.VMEM((1, SUB), jnp.int32),
            pltpu.VMEM((CHUNK, 16), jnp.float32),
            pltpu.VMEM((CHUNK, 16), jnp.float32),
            pltpu.SemaphoreType.DMA,
            pltpu.SemaphoreType.DMA,
        ],
    )
    def k(recv_hbm, c0, c1, c2, c3, c4, c5, c6, c7, c8, z16_hbm, pre_hbm,
          out_hbm, acc, idxA, idxB, vvA, vvB, sem_in, sem_sc):
        cols = (c0, c1, c2, c3, c4, c5, c6, c7, c8)
        c = lax.axis_index("c")
        s = lax.axis_index("s")
        wid = s * NC + c
        r0 = s * ROWS

        @pl.when(s < NS - 1)
        def _():
            pltpu.sync_copy(z16_hbm, acc.at[pl.ds(r0, ROWS)])

        @pl.when(s == NS - 1)
        def _():
            pltpu.sync_copy(z16_hbm.at[pl.ds(0, ROWS_LAST)],
                            acc.at[pl.ds(r0, ROWS_LAST)])

        pltpu.sync_copy(pre_hbm, vvA)
        pltpu.sync_copy(pre_hbm, vvB)
        plsc.subcore_barrier()

        DSTS = (0, 1, 2, 3, 4, 5, 8, 9, 10)

        def stage_start(g, idx_r, vv_r):
            pltpu.async_copy(recv_hbm.at[pl.ds(g, 1)], idx_r, sem_in)
            for col, dst in zip(cols, DSTS):
                pltpu.async_copy(col.at[pl.ds(g * CHUNK, CHUNK)],
                                 vv_r.at[:, pl.ds(dst, 1)], sem_in)

        def stage_wait():
            pltpu.make_async_copy(recv_hbm.at[pl.ds(0, 1)], idxA,
                                  sem_in).wait()
            for col, dst in zip(cols, DSTS):
                pltpu.make_async_copy(col.at[pl.ds(0, CHUNK)],
                                      vvA.at[:, pl.ds(dst, 1)], sem_in).wait()

        def fire(idx_r, vv_r):
            pltpu.async_copy(vv_r, acc.at[idx_r.at[0]], sem_sc, add=True)

        def drain():
            pltpu.make_async_copy(vvA, acc.at[idxA.at[0]], sem_sc).wait()

        stage_start(wid, idxA, vvA)

        def body(m, carry):
            k1 = 2 * m + 1
            stage_wait()

            @pl.when(m > 0)
            def _():
                drain()

            stage_start(wid + NW * k1, idxB, vvB)
            fire(idxA, vvA)
            stage_wait()
            drain()
            stage_start(wid + NW * (k1 + 1), idxA, vvA)
            fire(idxB, vvB)
            return carry

        lax.fori_loop(0, PAIRS, body, 0)

        stage_wait()
        drain()

        @pl.when(wid < EXTRA)
        def _():
            stage_start(wid + NW * TRIP_LO, idxB, vvB)

        fire(idxA, vvA)

        @pl.when(wid < EXTRA)
        def _():
            stage_wait()
            drain()
            fire(idxB, vvB)
            drain()

        @pl.when(wid >= EXTRA)
        def _():
            drain()

        plsc.subcore_barrier()

        @pl.when(s < NS - 1)
        def _():
            pltpu.sync_copy(acc.at[pl.ds(r0, ROWS)],
                            out_hbm.at[c, pl.ds(r0, ROWS)])

        @pl.when(s == NS - 1)
        def _():
            pltpu.sync_copy(acc.at[pl.ds(r0, ROWS_LAST)],
                            out_hbm.at[c, pl.ds(r0, ROWS_LAST)])

    return k(receivers2d, *cols9, zeros16, pre16)


BT = 2000


def _tc_body(x_ref, cv_ref, p_ref,
             mw1, mb1, mw2, mb2, iw1, ib1, iw2, ib2,
             ew1, eb1, ew2, eb2, vw1, vb1, vw2, vb2,
             dv_ref, dav_ref, disp_ref):
    x = x_ref[...]

    def mlp(w1, b1, w2, b2):
        h = jnp.maximum(
            jnp.dot(x, w1[...], preferred_element_type=jnp.float32) + b1[...],
            0.0)
        return jnp.dot(h, w2[...], preferred_element_type=jnp.float32) + b2[...]

    inv_mass = mlp(mw1, mb1, mw2, mb2)
    inv_inertia = mlp(iw1, ib1, iw2, ib2)
    dv_ext = mlp(ew1, eb1, ew2, eb2)
    vel_scale = mlp(vw1, vb1, vw2, vb2)

    p = p_ref[0] + p_ref[1]
    net_f = p[:, 0:3]
    net_t = p[:, 3:6]
    cnt = p[:, 6:7]
    sums = p[:, 8:11]

    dv_ref[...] = inv_mass * net_f
    dav_ref[...] = inv_inertia * net_t
    corr = sums / jnp.maximum(cnt, 1.0)
    disp_ref[...] = (cv_ref[...] + dv_ext) * vel_scale + corr


def _tc_decode(node_latent, cur_vel, p16, weights):
    nblk = N // BT
    full = lambda i: (0, 0)
    specs = [
        pl.BlockSpec((BT, D), lambda i: (i, 0)),
        pl.BlockSpec((BT, 3), lambda i: (i, 0)),
        pl.BlockSpec((NC, BT, 16), lambda i: (0, i, 0)),
    ]
    for od in (1, 1, 3, 1):
        specs += [
            pl.BlockSpec((D, D), full),
            pl.BlockSpec((1, D), full),
            pl.BlockSpec((D, od), full),
            pl.BlockSpec((1, od), full),
        ]
    out3 = jax.ShapeDtypeStruct((N, 3), jnp.float32)
    return pl.pallas_call(
        _tc_body,
        grid=(nblk,),
        in_specs=specs,
        out_specs=[pl.BlockSpec((BT, 3), lambda i: (i, 0))] * 3,
        out_shape=[out3, out3, out3],
    )(node_latent, cur_vel, p16, *weights)


def kernel(edge_index, node_latent, current_velocity, edge_forces,
           edge_torques, edge_constraints, mass_W1, mass_b1, mass_W2, mass_b2,
           inertia_W1, inertia_b1, inertia_W2, inertia_b2, ext_W1, ext_b1,
           ext_W2, ext_b2, vel_W1, vel_b1, vel_W2, vel_b2):
    receivers2d = edge_index[1].reshape(E // SUB, SUB)
    zeros16 = jnp.zeros((ROWS, 16), jnp.float32)
    pre16 = jnp.zeros((CHUNK, 16), jnp.float32).at[:, 6].set(1.0)
    cols9 = tuple(a[:, i:i + 1] for a in (edge_forces, edge_torques,
                                          edge_constraints) for i in range(3))

    p16 = _sc_segment_sums(receivers2d, cols9, zeros16, pre16)

    weights = (
        mass_W1, mass_b1.reshape(1, D), mass_W2, mass_b2.reshape(1, 1),
        inertia_W1, inertia_b1.reshape(1, D), inertia_W2,
        inertia_b2.reshape(1, 1),
        ext_W1, ext_b1.reshape(1, D), ext_W2, ext_b2.reshape(1, 3),
        vel_W1, vel_b1.reshape(1, D), vel_W2, vel_b2.reshape(1, 1),
    )
    return tuple(_tc_decode(node_latent, current_velocity, p16, weights))

# --- scband reference (transcript-rebuilt; emitter-appended) ---
"""Pipeline reference for scband-node-internal-dv-decoder-82429012345238 (READ-ONLY COPY).

The authoritative reference and input builder live on the scoring server;
editing this copy changes nothing except your own understanding.
"""

import jax, jax.numpy as jnp
import numpy as np

N = 100000
E = 3200000
D = 128

def _mlp(x, W1, b1, W2, b2):
    h = jax.nn.relu(x @ W1 + b1)
    return h @ W2 + b2

def setup_inputs(seed: int = 0):
    key = jax.random.key(seed)
    ks = jax.random.split(key, 16)
    s = 1.0 / np.sqrt(D)
    inp = {
        "edge_index": jax.random.randint(ks[0], (2, E), 0, N, dtype=jnp.int32),
        "node_latent": jax.random.normal(ks[1], (N, D), dtype=jnp.float32),
        "current_velocity": jax.random.normal(ks[2], (N, 3), dtype=jnp.float32),
        "edge_forces": jax.random.normal(ks[3], (E, 3), dtype=jnp.float32),
        "edge_torques": jax.random.normal(ks[4], (E, 3), dtype=jnp.float32),
        "edge_constraints": jax.random.normal(ks[5], (E, 3), dtype=jnp.float32),
    }
    names = ["mass", "inertia", "ext", "vel"]
    outs = [1, 1, 3, 1]
    i = 6
    for name, od in zip(names, outs):
        inp[name + "_W1"] = jax.random.normal(ks[i], (D, D), dtype=jnp.float32) * s; i += 1
        inp[name + "_b1"] = jnp.zeros((D,), dtype=jnp.float32)
        inp[name + "_W2"] = jax.random.normal(ks[i], (D, od), dtype=jnp.float32) * s; i += 1
        inp[name + "_b2"] = jnp.zeros((od,), dtype=jnp.float32)
    return inp

def reference(edge_index, node_latent, current_velocity, edge_forces, edge_torques, edge_constraints, mass_W1, mass_b1, mass_W2, mass_b2, inertia_W1, inertia_b1, inertia_W2, inertia_b2, ext_W1, ext_b1, ext_W2, ext_b2, vel_W1, vel_b1, vel_W2, vel_b2):
    receivers = edge_index[1]
    num_nodes = node_latent.shape[0]
    inverse_mass = _mlp(node_latent, mass_W1, mass_b1, mass_W2, mass_b2)
    inverse_inertia = _mlp(node_latent, inertia_W1, inertia_b1, inertia_W2, inertia_b2)
    net_force = jax.ops.segment_sum(edge_forces, receivers, num_segments=num_nodes)
    net_torque = jax.ops.segment_sum(edge_torques, receivers, num_segments=num_nodes)
    sums = jax.ops.segment_sum(edge_constraints, receivers, num_segments=num_nodes)
    counts = jax.ops.segment_sum(jnp.ones((receivers.shape[0],), dtype=jnp.float32), receivers, num_segments=num_nodes)
    net_static_correction = sums / jnp.maximum(counts, 1.0)[:, None]
    delta_velocity = inverse_mass * net_force
    delta_velocity_ext = _mlp(node_latent, ext_W1, ext_b1, ext_W2, ext_b2)
    delta_angular_velocity = inverse_inertia * net_torque
    displacement = (current_velocity + delta_velocity_ext) * _mlp(node_latent, vel_W1, vel_b1, vel_W2, vel_b2) + net_static_correction
    return (delta_velocity, delta_angular_velocity, displacement)

if __name__ == "__main__":
    import jax
    _d = setup_inputs()
    print(jax.jit(kernel)(*tuple(_d.values())))

</pallas_src>

<mosaic_0001>
#map = affine_map<(d0, d1) -> (0, 0)>
#map1 = affine_map<(d0, d1) -> (0, 0, 0)>
module attributes {stable_mosaic.version = 14 : i64} {
  func.func @k(%arg0: i32, %arg1: i32, %arg2: memref<6250x512xi32, #tpu.memory_space<hbm>>, %arg3: memref<3200000x1xf32, #tpu.memory_space<hbm>>, %arg4: memref<3200000x1xf32, #tpu.memory_space<hbm>>, %arg5: memref<3200000x1xf32, #tpu.memory_space<hbm>>, %arg6: memref<3200000x1xf32, #tpu.memory_space<hbm>>, %arg7: memref<3200000x1xf32, #tpu.memory_space<hbm>>, %arg8: memref<3200000x1xf32, #tpu.memory_space<hbm>>, %arg9: memref<3200000x1xf32, #tpu.memory_space<hbm>>, %arg10: memref<3200000x1xf32, #tpu.memory_space<hbm>>, %arg11: memref<3200000x1xf32, #tpu.memory_space<hbm>>, %arg12: memref<6256x16xf32, #tpu.memory_space<hbm>>, %arg13: memref<512x16xf32, #tpu.memory_space<hbm>>, %arg14: memref<2x100000x16xf32, #tpu.memory_space<hbm>>, %arg15: memref<100000x16xf32, #tpu.memory_space<vmem_shared>>, %arg16: memref<1x512xi32, #tpu.memory_space<vmem>>, %arg17: memref<1x512xi32, #tpu.memory_space<vmem>>, %arg18: memref<512x16xf32, #tpu.memory_space<vmem>>, %arg19: memref<512x16xf32, #tpu.memory_space<vmem>>, %arg20: memref<!tpu.dma_semaphore, #tpu.memory_space<semaphore_mem>>, %arg21: memref<!tpu.dma_semaphore, #tpu.memory_space<semaphore_mem>>) attributes {dimension_semantics = [#tpu.dimension_semantics<core_parallel>, #tpu.dimension_semantics<subcore_parallel>], iteration_bounds = array<i64: 2, 16>, scalar_prefetch = 0 : i64, scratch_operands = 7 : i64, tpu.core_type = #tpu.core_type<sc_vector_subcore>, window_params = [{transform_indices = #map}, {transform_indices = #map}, {transform_indices = #map}, {transform_indices = #map}, {transform_indices = #map}, {transform_indices = #map}, {transform_indices = #map}, {transform_indices = #map}, {transform_indices = #map}, {transform_indices = #map}, {transform_indices = #map}, {transform_indices = #map}, {transform_indices = #map1}]} {
    %mul3A = arith.constant 2 : i32
    %mul3A_0 = arith.muli %arg1, %mul3A : i32
    %add3A = arith.addi %mul3A_0, %arg0 : i32
    %mul3A_1 = arith.constant 6256 : i32
    %mul3A_2 = arith.muli %arg1, %mul3A_1 : i32
    %lt3A = arith.constant 15 : i32
    %lt3A_3 = arith.cmpi slt, %arg1, %lt3A : i32
    %convert_element_type3A = arith.extui %lt3A_3 : i1 to i32
    %cond3A = arith.constant 0 : i32
    %cond3A_4 = arith.cmpi ne, %convert_element_type3A, %cond3A : i32
    scf.if %cond3A_4 {
      "tpu.region"() ({
        %run_scoped3A = tpu.sem_alloc : memref<!tpu.dma_semaphore, #tpu.memory_space<semaphore_mem>>
        %dma_start3A_277 = arith.constant 0 : i32
        %dma_start3A_278 = tpu.memref_slice %arg15[%mul3A_2, %dma_start3A_277] : memref<100000x16xf32, #tpu.memory_space<vmem_shared>> -> memref<6256x16xf32, #tpu.memory_space<vmem_shared>>
        tpu.enqueue_dma source(%arg12 : memref<6256x16xf32, #tpu.memory_space<hbm>>) target(%dma_start3A_278 : memref<6256x16xf32, #tpu.memory_space<vmem_shared>>) target_semaphore(%run_scoped3A : memref<!tpu.dma_semaphore, #tpu.memory_space<semaphore_mem>>)
        %dma_wait3A_279 = arith.constant 0 : i32
        %dma_wait3A_280 = tpu.memref_slice %arg15[%mul3A_2, %dma_wait3A_279] : memref<100000x16xf32, #tpu.memory_space<vmem_shared>> -> memref<6256x16xf32, #tpu.memory_space<vmem_shared>>
        tpu.wait_dma2 semaphore(%run_scoped3A : memref<!tpu.dma_semaphore, #tpu.memory_space<semaphore_mem>>) src(%arg12 : memref<6256x16xf32, #tpu.memory_space<hbm>>) dst(%dma_wait3A_280 : memref<6256x16xf32, #tpu.memory_space<vmem_shared>>)
        tpu.yield
      }) : () -> ()
    } else {
    }
    %eq3A = arith.constant 15 : i32
    %eq3A_5 = arith.cmpi eq, %arg1, %eq3A : i32
    %convert_element_type3A_6 = arith.extui %eq3A_5 : i1 to i32
    %cond3A_7 = arith.constant 0 : i32
    %cond3A_8 = arith.cmpi ne, %convert_element_type3A_6, %cond3A_7 : i32
    scf.if %cond3A_8 {
      "tpu.region"() ({
        %run_scoped3A = tpu.sem_alloc : memref<!tpu.dma_semaphore, #tpu.memory_space<semaphore_mem>>
        %dma_start3A_277 = arith.constant 0 : i32
        %dma_start3A_278 = tpu.memref_slice %arg15[%mul3A_2, %dma_start3A_277] : memref<100000x16xf32, #tpu.memory_space<vmem_shared>> -> memref<6160x16xf32, #tpu.memory_space<vmem_shared>>
        %dma_start3A_279 = arith.constant 0 : i32
        %dma_start3A_280 = arith.constant 0 : i32
        %dma_start3A_281 = tpu.memref_slice %arg12[%dma_start3A_279, %dma_start3A_280] : memref<6256x16xf32, #tpu.memory_space<hbm>> -> memref<6160x16xf32, #tpu.memory_space<hbm>>
        tpu.enqueue_dma source(%dma_start3A_281 : memref<6160x16xf32, #tpu.memory_space<hbm>>) target(%dma_start3A_278 : memref<6160x16xf32, #tpu.memory_space<vmem_shared>>) target_semaphore(%run_scoped3A : memref<!tpu.dma_semaphore, #tpu.memory_space<semaphore_mem>>)
        %dma_wait3A_282 = arith.constant 0 : i32
        %dma_wait3A_283 = tpu.memref_slice %arg15[%mul3A_2, %dma_wait3A_282] : memref<100000x16xf32, #tpu.memory_space<vmem_shared>> -> memref<6160x16xf32, #tpu.memory_space<vmem_shared>>
        %dma_wait3A_284 = arith.constant 0 : i32
        %dma_wait3A_285 = arith.constant 0 : i32
        %dma_wait3A_286 = tpu.memref_slice %arg12[%dma_wait3A_284, %dma_wait3A_285] : memref<6256x16xf32, #tpu.memory_space<hbm>> -> memref<6160x16xf32, #tpu.memory_space<hbm>>
        tpu.wait_dma2 semaphore(%run_scoped3A : memref<!tpu.dma_semaphore, #tpu.memory_space<semaphore_mem>>) src(%dma_wait3A_286 : memref<6160x16xf32, #tpu.memory_space<hbm>>) dst(%dma_wait3A_283 : memref<6160x16xf32, #tpu.memory_space<vmem_shared>>)
        tpu.yield
      }) : () -> ()
    } else {
    }
    "tpu.region"() ({
      %run_scoped3A = tpu.sem_alloc : memref<!tpu.dma_semaphore, #tpu.memory_space<semaphore_mem>>
      tpu.enqueue_dma source(%arg13 : memref<512x16xf32, #tpu.memory_space<hbm>>) target(%arg18 : memref<512x16xf32, #tpu.memory_space<vmem>>) target_semaphore(%run_scoped3A : memref<!tpu.dma_semaphore, #tpu.memory_space<semaphore_mem>>)
      tpu.wait_dma2 semaphore(%run_scoped3A : memref<!tpu.dma_semaphore, #tpu.memory_space<semaphore_mem>>) src(%arg13 : memref<512x16xf32, #tpu.memory_space<hbm>>) dst(%arg18 : memref<512x16xf32, #tpu.memory_space<vmem>>)
      tpu.yield
    }) : () -> ()
    "tpu.region"() ({
      %run_scoped3A = tpu.sem_alloc : memref<!tpu.dma_semaphore, #tpu.memory_space<semaphore_mem>>
      tpu.enqueue_dma source(%arg13 : memref<512x16xf32, #tpu.memory_space<hbm>>) target(%arg19 : memref<512x16xf32, #tpu.memory_space<vmem>>) target_semaphore(%run_scoped3A : memref<!tpu.dma_semaphore, #tpu.memory_space<semaphore_mem>>)
      tpu.wait_dma2 semaphore(%run_scoped3A : memref<!tpu.dma_semaphore, #tpu.memory_space<semaphore_mem>>) src(%arg13 : memref<512x16xf32, #tpu.memory_space<hbm>>) dst(%arg19 : memref<512x16xf32, #tpu.memory_space<vmem>>)
      tpu.yield
    }) : () -> ()
    %barrier3A = arith.constant 0 : index
    tpu.barrier barrier_id(%barrier3A)
    %dma_start3A = arith.constant 0 : i32
    %dma_start3A_9 = tpu.memref_slice %arg2[%add3A, %dma_start3A] : memref<6250x512xi32, #tpu.memory_space<hbm>> -> memref<1x512xi32, #tpu.memory_space<hbm>>
    %dma_start3A_10 = arith.constant 0 : i32
    %dma_start3A_11 = tpu.memref_slice %arg2[%add3A, %dma_start3A_10] : memref<6250x512xi32, #tpu.memory_space<hbm>> -> memref<1x512xi32, #tpu.memory_space<hbm>>
    tpu.enqueue_dma source(%dma_start3A_11 : memref<1x512xi32, #tpu.memory_space<hbm>>) target(%arg16 : memref<1x512xi32, #tpu.memory_space<vmem>>) target_semaphore(%arg20 : memref<!tpu.dma_semaphore, #tpu.memory_space<semaphore_mem>>)
    %mul3A_12 = arith.constant 512 : i32
    %mul3A_13 = arith.muli %add3A, %mul3A_12 : i32
    %dma_start3A_14 = arith.constant 0 : i32
    %dma_start3A_15 = arith.constant 0 : i32
    %dma_start3A_16 = tpu.memref_slice %arg18[%dma_start3A_14, %dma_start3A_15] : memref<512x16xf32, #tpu.memory_space<vmem>> -> memref<512x1xf32, #tpu.memory_space<vmem>>
    %dma_start3A_17 = arith.constant 0 : i32
    %dma_start3A_18 = tpu.memref_slice %arg3[%mul3A_13, %dma_start3A_17] : memref<3200000x1xf32, #tpu.memory_space<hbm>> -> memref<512x1xf32, #tpu.memory_space<hbm>>
    %dma_start3A_19 = arith.constant 0 : i32
    %dma_start3A_20 = arith.constant 0 : i32
    %dma_start3A_21 = tpu.memref_slice %arg18[%dma_start3A_19, %dma_start3A_20] : memref<512x16xf32, #tpu.memory_space<vmem>> -> memref<512x1xf32, #tpu.memory_space<vmem>>
    %dma_start3A_22 = arith.constant 0 : i32
    %dma_start3A_23 = tpu.memref_slice %arg3[%mul3A_13, %dma_start3A_22] : memref<3200000x1xf32, #tpu.memory_space<hbm>> -> memref<512x1xf32, #tpu.memory_space<hbm>>
    tpu.enqueue_dma source(%dma_start3A_23 : memref<512x1xf32, #tpu.memory_space<hbm>>) target(%dma_start3A_21 : memref<512x1xf32, #tpu.memory_space<vmem>>) target_semaphore(%arg20 : memref<!tpu.dma_semaphore, #tpu.memory_space<semaphore_mem>>)
    %mul3A_24 = arith.constant 512 : i32
    %mul3A_25 = arith.muli %add3A, %mul3A_24 : i32
    %dma_start3A_26 = arith.constant 0 : i32
    %dma_start3A_27 = arith.constant 1 : i32
    %dma_start3A_28 = tpu.memref_slice %arg18[%dma_start3A_26, %dma_start3A_27] : memref<512x16xf32, #tpu.memory_space<vmem>> -> memref<512x1xf32, #tpu.memory_space<vmem>>
    %dma_start3A_29 = arith.constant 0 : i32
    %dma_start3A_30 = tpu.memref_slice %arg4[%mul3A_25, %dma_start3A_29] : memref<3200000x1xf32, #tpu.memory_space<hbm>> -> memref<512x1xf32, #tpu.memory_space<hbm>>
    %dma_start3A_31 = arith.constant 0 : i32
    %dma_start3A_32 = arith.constant 1 : i32
    %dma_start3A_33 = tpu.memref_slice %arg18[%dma_start3A_31, %dma_start3A_32] : memref<512x16xf32, #tpu.memory_space<vmem>> -> memref<512x1xf32, #tpu.memory_space<vmem>>
    %dma_start3A_34 = arith.constant 0 : i32
    %dma_start3A_35 = tpu.memref_slice %arg4[%mul3A_25, %dma_start3A_34] : memref<3200000x1xf32, #tpu.memory_space<hbm>> -> memref<512x1xf32, #tpu.memory_space<hbm>>
    tpu.enqueue_dma source(%dma_start3A_35 : memref<512x1xf32, #tpu.memory_space<hbm>>) target(%dma_start3A_33 : memref<512x1xf32, #tpu.memory_space<vmem>>) target_semaphore(%arg20 : memref<!tpu.dma_semaphore, #tpu.memory_space<semaphore_mem>>)
    %mul3A_36 = arith.constant 512 : i32
    %mul3A_37 = arith.muli %add3A, %mul3A_36 : i32
    %dma_start3A_38 = arith.constant 0 : i32
    %dma_start3A_39 = arith.constant 2 : i32
    %dma_start3A_40 = tpu.memref_slice %arg18[%dma_start3A_38, %dma_start3A_39] : memref<512x16xf32, #tpu.memory_space<vmem>> -> memref<512x1xf32, #tpu.memory_space<vmem>>
    %dma_start3A_41 = arith.constant 0 : i32
    %dma_start3A_42 = tpu.memref_slice %arg5[%mul3A_37, %dma_start3A_41] : memref<3200000x1xf32, #tpu.memory_space<hbm>> -> memref<512x1xf32, #tpu.memory_space<hbm>>
    %dma_start3A_43 = arith.constant 0 : i32
    %dma_start3A_44 = arith.constant 2 : i32
    %dma_start3A_45 = tpu.memref_slice %arg18[%dma_start3A_43, %dma_start3A_44] : memref<512x16xf32, #tpu.memory_space<vmem>> -> memref<512x1xf32, #tpu.memory_space<vmem>>
    %dma_start3A_46 = arith.constant 0 : i32
    %dma_start3A_47 = tpu.memref_slice %arg5[%mul3A_37, %dma_start3A_46] : memref<3200000x1xf32, #tpu.memory_space<hbm>> -> memref<512x1xf32, #tpu.memory_space<hbm>>
    tpu.enqueue_dma source(%dma_start3A_47 : memref<512x1xf32, #tpu.memory_space<hbm>>) target(%dma_start3A_45 : memref<512x1xf32, #tpu.memory_space<vmem>>) target_semaphore(%arg20 : memref<!tpu.dma_semaphore, #tpu.memory_space<semaphore_mem>>)
    %mul3A_48 = arith.constant 512 : i32
    %mul3A_49 = arith.muli %add3A, %mul3A_48 : i32
    %dma_start3A_50 = arith.constant 0 : i32
    %dma_start3A_51 = arith.constant 3 : i32
    %dma_start3A_52 = tpu.memref_slice %arg18[%dma_start3A_50, %dma_start3A_51] : memref<512x16xf32, #tpu.memory_space<vmem>> -> memref<512x1xf32, #tpu.memory_space<vmem>>
    %dma_start3A_53 = arith.constant 0 : i32
    %dma_start3A_54 = tpu.memref_slice %arg6[%mul3A_49, %dma_start3A_53] : memref<3200000x1xf32, #tpu.memory_space<hbm>> -> memref<512x1xf32, #tpu.memory_space<hbm>>
    %dma_start3A_55 = arith.constant 0 : i32
    %dma_start3A_56 = arith.constant 3 : i32
    %dma_start3A_57 = tpu.memref_slice %arg18[%dma_start3A_55, %dma_start3A_56] : memref<512x16xf32, #tpu.memory_space<vmem>> -> memref<512x1xf32, #tpu.memory_space<vmem>>
    %dma_start3A_58 = arith.constant 0 : i32
    %dma_start3A_59 = tpu.memref_slice %arg6[%mul3A_49, %dma_start3A_58] : memref<3200000x1xf32, #tpu.memory_space<hbm>> -> memref<512x1xf32, #tpu.memory_space<hbm>>
    tpu.enqueue_dma source(%dma_start3A_59 : memref<512x1xf32, #tpu.memory_space<hbm>>) target(%dma_start3A_57 : memref<512x1xf32, #tpu.memory_space<vmem>>) target_semaphore(%arg20 : memref<!tpu.dma_semaphore, #tpu.memory_space<semaphore_mem>>)
    %mul3A_60 = arith.constant 512 : i32
    %mul3A_61 = arith.muli %add3A, %mul3A_60 : i32
    %dma_start3A_62 = arith.constant 0 : i32
    %dma_start3A_63 = arith.constant 4 : i32
    %dma_start3A_64 = tpu.memref_slice %arg18[%dma_start3A_62, %dma_start3A_63] : memref<512x16xf32, #tpu.memory_space<vmem>> -> memref<512x1xf32, #tpu.memory_space<vmem>>
    %dma_start3A_65 = arith.constant 0 : i32
    %dma_start3A_66 = tpu.memref_slice %arg7[%mul3A_61, %dma_start3A_65] : memref<3200000x1xf32, #tpu.memory_space<hbm>> -> memref<512x1xf32, #tpu.memory_space<hbm>>
    %dma_start3A_67 = arith.constant 0 : i32
    %dma_start3A_68 = arith.constant 4 : i32
    %dma_start3A_69 = tpu.memref_slice %arg18[%dma_start3A_67, %dma_start3A_68] : memref<512x16xf32, #tpu.memory_space<vmem>> -> memref<512x1xf32, #tpu.memory_space<vmem>>
    %dma_start3A_70 = arith.constant 0 : i32
    %dma_start3A_71 = tpu.memref_slice %arg7[%mul3A_61, %dma_start3A_70] : memref<3200000x1xf32, #tpu.memory_space<hbm>> -> memref<512x1xf32, #tpu.memory_space<hbm>>
    tpu.enqueue_dma source(%dma_start3A_71 : memref<512x1xf32, #tpu.memory_space<hbm>>) target(%dma_start3A_69 : memref<512x1xf32, #tpu.memory_space<vmem>>) target_semaphore(%arg20 : memref<!tpu.dma_semaphore, #tpu.memory_space<semaphore_mem>>)
    %mul3A_72 = arith.constant 512 : i32
    %mul3A_73 = arith.muli %add3A, %mul3A_72 : i32
    %dma_start3A_74 = arith.constant 0 : i32
    %dma_start3A_75 = arith.constant 5 : i32
    %dma_start3A_76 = tpu.memref_slice %arg18[%dma_start3A_74, %dma_start3A_75] : memref<512x16xf32, #tpu.memory_space<vmem>> -> memref<512x1xf32, #tpu.memory_space<vmem>>
    %dma_start3A_77 = arith.constant 0 : i32
    %dma_start3A_78 = tpu.memref_slice %arg8[%mul3A_73, %dma_start3A_77] : memref<3200000x1xf32, #tpu.memory_space<hbm>> -> memref<512x1xf32, #tpu.memory_space<hbm>>
    %dma_start3A_79 = arith.constant 0 : i32
    %dma_start3A_80 = arith.constant 5 : i32
    %dma_start3A_81 = tpu.memref_slice %arg18[%dma_start3A_79, %dma_start3A_80] : memref<512x16xf32, #tpu.memory_space<vmem>> -> memref<512x1xf32, #tpu.memory_space<vmem>>
    %dma_start3A_82 = arith.constant 0 : i32
    %dma_start3A_83 = tpu.memref_slice %arg8[%mul3A_73, %dma_start3A_82] : memref<3200000x1xf32, #tpu.memory_space<hbm>> -> memref<512x1xf32, #tpu.memory_space<hbm>>
    tpu.enqueue_dma source(%dma_start3A_83 : memref<512x1xf32, #tpu.memory_space<hbm>>) target(%dma_start3A_81 : memref<512x1xf32, #tpu.memory_space<vmem>>) target_semaphore(%arg20 : memref<!tpu.dma_semaphore, #tpu.memory_space<semaphore_mem>>)
    %mul3A_84 = arith.constant 512 : i32
    %mul3A_85 = arith.muli %add3A, %mul3A_84 : i32
    %dma_start3A_86 = arith.constant 0 : i32
    %dma_start3A_87 = arith.constant 8 : i32
    %dma_start3A_88 = tpu.memref_slice %arg18[%dma_start3A_86, %dma_start3A_87] : memref<512x16xf32, #tpu.memory_space<vmem>> -> memref<512x1xf32, #tpu.memory_space<vmem>>
    %dma_start3A_89 = arith.constant 0 : i32
    %dma_start3A_90 = tpu.memref_slice %arg9[%mul3A_85, %dma_start3A_89] : memref<3200000x1xf32, #tpu.memory_space<hbm>> -> memref<512x1xf32, #tpu.memory_space<hbm>>
    %dma_start3A_91 = arith.constant 0 : i32
    %dma_start3A_92 = arith.constant 8 : i32
    %dma_start3A_93 = tpu.memref_slice %arg18[%dma_start3A_91, %dma_start3A_92] : memref<512x16xf32, #tpu.memory_space<vmem>> -> memref<512x1xf32, #tpu.memory_space<vmem>>
    %dma_start3A_94 = arith.constant 0 : i32
    %dma_start3A_95 = tpu.memref_slice %arg9[%mul3A_85, %dma_start3A_94] : memref<3200000x1xf32, #tpu.memory_space<hbm>> -> memref<512x1xf32, #tpu.memory_space<hbm>>
    tpu.enqueue_dma source(%dma_start3A_95 : memref<512x1xf32, #tpu.memory_space<hbm>>) target(%dma_start3A_93 : memref<512x1xf32, #tpu.memory_space<vmem>>) target_semaphore(%arg20 : memref<!tpu.dma_semaphore, #tpu.memory_space<semaphore_mem>>)
    %mul3A_96 = arith.constant 512 : i32
    %mul3A_97 = arith.muli %add3A, %mul3A_96 : i32
    %dma_start3A_98 = arith.constant 0 : i32
    %dma_start3A_99 = arith.constant 9 : i32
    %dma_start3A_100 = tpu.memref_slice %arg18[%dma_start3A_98, %dma_start3A_99] : memref<512x16xf32, #tpu.memory_space<vmem>> -> memref<512x1xf32, #tpu.memory_space<vmem>>
    %dma_start3A_101 = arith.constant 0 : i32
    %dma_start3A_102 = tpu.memref_slice %arg10[%mul3A_97, %dma_start3A_101] : memref<3200000x1xf32, #tpu.memory_space<hbm>> -> memref<512x1xf32, #tpu.memory_space<hbm>>
    %dma_start3A_103 = arith.constant 0 : i32
    %dma_start3A_104 = arith.constant 9 : i32
    %dma_start3A_105 = tpu.memref_slice %arg18[%dma_start3A_103, %dma_start3A_104] : memref<512x16xf32, #tpu.memory_space<vmem>> -> memref<512x1xf32, #tpu.memory_space<vmem>>
    %dma_start3A_106 = arith.constant 0 : i32
    %dma_start3A_107 = tpu.memref_slice %arg10[%mul3A_97, %dma_start3A_106] : memref<3200000x1xf32, #tpu.memory_space<hbm>> -> memref<512x1xf32, #tpu.memory_space<hbm>>
    tpu.enqueue_dma source(%dma_start3A_107 : memref<512x1xf32, #tpu.memory_space<hbm>>) target(%dma_start3A_105 : memref<512x1xf32, #tpu.memory_space<vmem>>) target_semaphore(%arg20 : memref<!tpu.dma_semaphore, #tpu.memory_space<semaphore_mem>>)
    %mul3A_108 = arith.constant 512 : i32
    %mul3A_109 = arith.muli %add3A, %mul3A_108 : i32
    %dma_start3A_110 = arith.constant 0 : i32
    %dma_start3A_111 = arith.constant 10 : i32
    %dma_start3A_112 = tpu.memref_slice %arg18[%dma_start3A_110, %dma_start3A_111] : memref<512x16xf32, #tpu.memory_space<vmem>> -> memref<512x1xf32, #tpu.memory_space<vmem>>
    %dma_start3A_113 = arith.constant 0 : i32
    %dma_start3A_114 = tpu.memref_slice %arg11[%mul3A_109, %dma_start3A_113] : memref<3200000x1xf32, #tpu.memory_space<hbm>> -> memref<512x1xf32, #tpu.memory_space<hbm>>
    %dma_start3A_115 = arith.constant 0 : i32
    %dma_start3A_116 = arith.constant 10 : i32
    %dma_start3A_117 = tpu.memref_slice %arg18[%dma_start3A_115, %dma_start3A_116] : memref<512x16xf32, #tpu.memory_space<vmem>> -> memref<512x1xf32, #tpu.memory_space<vmem>>
    %dma_start3A_118 = arith.constant 0 : i32
    %dma_start3A_119 = tpu.memref_slice %arg11[%mul3A_109, %dma_start3A_118] : memref<3200000x1xf32, #tpu.memory_space<hbm>> -> memref<512x1xf32, #tpu.memory_space<hbm>>
    tpu.enqueue_dma source(%dma_start3A_119 : memref<512x1xf32, #tpu.memory_space<hbm>>) target(%dma_start3A_117 : memref<512x1xf32, #tpu.memory_space<vmem>>) target_semaphore(%arg20 : memref<!tpu.dma_semaphore, #tpu.memory_space<semaphore_mem>>)
    %scan3A = arith.constant 0 : i32
    %scan3A_120 = arith.constant 0 : i32
    %scan3A_121 = arith.constant 97 : i32
    %scan3A_122 = arith.addi %scan3A_120, %scan3A_121 : i32
    %scan3A_123 = arith.constant 1 : i32
    scf.for %scan3A_277 = %scan3A_120 to %scan3A_122 step %scan3A_123  : i32 {
      %mul3A_278 = arith.constant 2 : i32
      %mul3A_279 = arith.muli %mul3A_278, %scan3A_277 : i32
      %add3A_280 = arith.constant 1 : i32
      %add3A_281 = arith.addi %mul3A_279, %add3A_280 : i32
      %dma_wait3A_282 = arith.constant 0 : i32
      %dma_wait3A_283 = arith.constant 0 : i32
      %dma_wait3A_284 = tpu.memref_slice %arg2[%dma_wait3A_282, %dma_wait3A_283] : memref<6250x512xi32, #tpu.memory_space<hbm>> -> memref<1x512xi32, #tpu.memory_space<hbm>>
      %dma_wait3A_285 = arith.constant 0 : i32
      %dma_wait3A_286 = arith.constant 0 : i32
      %dma_wait3A_287 = tpu.memref_slice %arg2[%dma_wait3A_285, %dma_wait3A_286] : memref<6250x512xi32, #tpu.memory_space<hbm>> -> memref<1x512xi32, #tpu.memory_space<hbm>>
      tpu.wait_dma2 semaphore(%arg20 : memref<!tpu.dma_semaphore, #tpu.memory_space<semaphore_mem>>) src(%dma_wait3A_287 : memref<1x512xi32, #tpu.memory_space<hbm>>) dst(%arg16 : memref<1x512xi32, #tpu.memory_space<vmem>>)
      %dma_wait3A_288 = arith.constant 0 : i32
      %dma_wait3A_289 = arith.constant 0 : i32
      %dma_wait3A_290 = tpu.memref_slice %arg18[%dma_wait3A_288, %dma_wait3A_289] : memref<512x16xf32, #tpu.memory_space<vmem>> -> memref<512x1xf32, #tpu.memory_space<vmem>>
      %dma_wait3A_291 = arith.constant 0 : i32
      %dma_wait3A_292 = arith.constant 0 : i32
      %dma_wait3A_293 = tpu.memref_slice %arg3[%dma_wait3A_291, %dma_wait3A_292] : memref<3200000x1xf32, #tpu.memory_space<hbm>> -> memref<512x1xf32, #tpu.memory_space<hbm>>
      %dma_wait3A_294 = arith.constant 0 : i32
      %dma_wait3A_295 = arith.constant 0 : i32
      %dma_wait3A_296 = tpu.memref_slice %arg18[%dma_wait3A_294, %dma_wait3A_295] : memref<512x16xf32, #tpu.memory_space<vmem>> -> memref<512x1xf32, #tpu.memory_space<vmem>>
      %dma_wait3A_297 = arith.constant 0 : i32
      %dma_wait3A_298 = arith.constant 0 : i32
      %dma_wait3A_299 = tpu.memref_slice %arg3[%dma_wait3A_297, %dma_wait3A_298] : memref<3200000x1xf32, #tpu.memory_space<hbm>> -> memref<512x1xf32, #tpu.memory_space<hbm>>
      tpu.wait_dma2 semaphore(%arg20 : memref<!tpu.dma_semaphore, #tpu.memory_space<semaphore_mem>>) src(%dma_wait3A_299 : memref<512x1xf32, #tpu.memory_space<hbm>>) dst(%dma_wait3A_296 : memref<512x1xf32, #tpu.memory_space<vmem>>)
      %dma_wait3A_300 = arith.constant 0 : i32
      %dma_wait3A_301 = arith.constant 1 : i32
      %dma_wait3A_302 = tpu.memref_slice %arg18[%dma_wait3A_300, %dma_wait3A_301] : memref<512x16xf32, #tpu.memory_space<vmem>> -> memref<512x1xf32, #tpu.memory_space<vmem>>
      %dma_wait3A_303 = arith.constant 0 : i32
      %dma_wait3A_304 = arith.constant 0 : i32
      %dma_wait3A_305 = tpu.memref_slice %arg4[%dma_wait3A_303, %dma_wait3A_304] : memref<3200000x1xf32, #tpu.memory_space<hbm>> -> memref<512x1xf32, #tpu.memory_space<hbm>>
      %dma_wait3A_306 = arith.constant 0 : i32
      %dma_wait3A_307 = arith.constant 1 : i32
      %dma_wait3A_308 = tpu.memref_slice %arg18[%dma_wait3A_306, %dma_wait3A_307] : memref<512x16xf32, #tpu.memory_space<vmem>> -> memref<512x1xf32, #tpu.memory_space<vmem>>
      %dma_wait3A_309 = arith.constant 0 : i32
      %dma_wait3A_310 = arith.constant 0 : i32
      %dma_wait3A_311 = tpu.memref_slice %arg4[%dma_wait3A_309, %dma_wait3A_310] : memref<3200000x1xf32, #tpu.memory_space<hbm>> -> memref<512x1xf32, #tpu.memory_space<hbm>>
      tpu.wait_dma2 semaphore(%arg20 : memref<!tpu.dma_semaphore, #tpu.memory_space<semaphore_mem>>) src(%dma_wait3A_311 : memref<512x1xf32, #tpu.memory_space<hbm>>) dst(%dma_wait3A_308 : memref<512x1xf32, #tpu.memory_space<vmem>>)
      %dma_wait3A_312 = arith.constant 0 : i32
      %dma_wait3A_313 = arith.constant 2 : i32
      %dma_wait3A_314 = tpu.memref_slice %arg18[%dma_wait3A_312, %dma_wait3A_313] : memref<512x16xf32, #tpu.memory_space<vmem>> -> memref<512x1xf32, #tpu.memory_space<vmem>>
      %dma_wait3A_315 = arith.constant 0 : i32
      %dma_wait3A_316 = arith.constant 0 : i32
      %dma_wait3A_317 = tpu.memref_slice %arg5[%dma_wait3A_315, %dma_wait3A_316] : memref<3200000x1xf32, #tpu.memory_space<hbm>> -> memref<512x1xf32, #tpu.memory_space<hbm>>
      %dma_wait3A_318 = arith.constant 0 : i32
      %dma_wait3A_319 = arith.constant 2 : i32
      %dma_wait3A_320 = tpu.memref_slice %arg18[%dma_wait3A_318, %dma_wait3A_319] : memref<512x16xf32, #tpu.memory_space<vmem>> -> memref<512x1xf32, #tpu.memory_space<vmem>>
      %dma_wait3A_321 = arith.constant 0 : i32
      %dma_wait3A_322 = arith.constant 0 : i32
      %dma_wait3A_323 = tpu.memref_slice %arg5[%dma_wait3A_321, %dma_wait3A_322] : memref<3200000x1xf32, #tpu.memory_space<hbm>> -> memref<512x1xf32, #tpu.memory_space<hbm>>
      tpu.wait_dma2 semaphore(%arg20 : memref<!tpu.dma_semaphore, #tpu.memory_space<semaphore_mem>>) src(%dma_wait3A_323 : memref<512x1xf32, #tpu.memory_space<hbm>>) dst(%dma_wait3A_320 : memref<512x1xf32, #tpu.memory_space<vmem>>)
      %dma_wait3A_324 = arith.constant 0 : i32
      %dma_wait3A_325 = arith.constant 3 : i32
      %dma_wait3A_326 = tpu.memref_slice %arg18[%dma_wait3A_324, %dma_wait3A_325] : memref<512x16xf32, #tpu.memory_space<vmem>> -> memref<512x1xf32, #tpu.memory_space<vmem>>
      %dma_wait3A_327 = arith.constant 0 : i32
      %dma_wait3A_328 = arith.constant 0 : i32
      %dma_wait3A_329 = tpu.memref_slice %arg6[%dma_wait3A_327, %dma_wait3A_328] : memref<3200000x1xf32, #tpu.memory_space<hbm>> -> memref<512x1xf32, #tpu.memory_space<hbm>>
      %dma_wait3A_330 = arith.constant 0 : i32
      %dma_wait3A_331 = arith.constant 3 : i32
      %dma_wait3A_332 = tpu.memref_slice %arg18[%dma_wait3A_330, %dma_wait3A_331] : memref<512x16xf32, #tpu.memory_space<vmem>> -> memref<512x1xf32, #tpu.memory_space<vmem>>
      %dma_wait3A_333 = arith.constant 0 : i32
      %dma_wait3A_334 = arith.constant 0 : i32
      %dma_wait3A_335 = tpu.memref_slice %arg6[%dma_wait3A_333, %dma_wait3A_334] : memref<3200000x1xf32, #tpu.memory_space<hbm>> -> memref<512x1xf32, #tpu.memory_space<hbm>>
      tpu.wait_dma2 semaphore(%arg20 : memref<!tpu.dma_semaphore, #tpu.memory_space<semaphore_mem>>) src(%dma_wait3A_335 : memref<512x1xf32, #tpu.memory_space<hbm>>) dst(%dma_wait3A_332 : memref<512x1xf32, #tpu.memory_space<vmem>>)
      %dma_wait3A_336 = arith.constant 0 : i32
      %dma_wait3A_337 = arith.constant 4 : i32
      %dma_wait3A_338 = tpu.memref_slice %arg18[%dma_wait3A_336, %dma_wait3A_337] : memref<512x16xf32, #tpu.memory_space<vmem>> -> memref<512x1xf32, #tpu.memory_space<vmem>>
      %dma_wait3A_339 = arith.constant 0 : i32
      %dma_wait3A_340 = arith.constant 0 : i32
      %dma_wait3A_341 = tpu.memref_slice %arg7[%dma_wait3A_339, %dma_wait3A_340] : memref<3200000x1xf32, #tpu.memory_space<hbm>> -> memref<512x1xf32, #tpu.memory_space<hbm>>
      %dma_wait3A_342 = arith.constant 0 : i32
      %dma_wait3A_343 = arith.constant 4 : i32
      %dma_wait3A_344 = tpu.memref_slice %arg18[%dma_wait3A_342, %dma_wait3A_343] : memref<512x16xf32, #tpu.memory_space<vmem>> -> memref<512x1xf32, #tpu.memory_space<vmem>>
      %dma_wait3A_345 = arith.constant 0 : i32
      %dma_wait3A_346 = arith.constant 0 : i32
      %dma_wait3A_347 = tpu.memref_slice %arg7[%dma_wait3A_345, %dma_wait3A_346] : memref<3200000x1xf32, #tpu.memory_space<hbm>> -> memref<512x1xf32, #tpu.memory_space<hbm>>
      tpu.wait_dma2 semaphore(%arg20 : memref<!tpu.dma_semaphore, #tpu.memory_space<semaphore_mem>>) src(%dma_wait3A_347 : memref<512x1xf32, #tpu.memory_space<hbm>>) dst(%dma_wait3A_344 : memref<512x1xf32, #tpu.memory_space<vmem>>)
      %dma_wait3A_348 = arith.constant 0 : i32
      %dma_wait3A_349 = arith.constant 5 : i32
      %dma_wait3A_350 = tpu.memref_slice %arg18[%dma_wait3A_348, %dma_wait3A_349] : memref<512x16xf32, #tpu.memory_space<vmem>> -> memref<512x1xf32, #tpu.memory_space<vmem>>
      %dma_wait3A_351 = arith.constant 0 : i32
      %dma_wait3A_352 = arith.constant 0 : i32
      %dma_wait3A_353 = tpu.memref_slice %arg8[%dma_wait3A_351, %dma_wait3A_352] : memref<3200000x1xf32, #tpu.memory_space<hbm>> -> memref<512x1xf32, #tpu.memory_space<hbm>>
      %dma_wait3A_354 = arith.constant 0 : i32
      %dma_wait3A_355 = arith.constant 5 : i32
      %dma_wait3A_356 = tpu.memref_slice %arg18[%dma_wait3A_354, %dma_wait3A_355] : memref<512x16xf32, #tpu.memory_space<vmem>> -> memref<512x1xf32, #tpu.memory_space<vmem>>
      %dma_wait3A_357 = arith.constant 0 : i32
      %dma_wait3A_358 = arith.constant 0 : i32
      %dma_wait3A_359 = tpu.memref_slice %arg8[%dma_wait3A_357, %dma_wait3A_358] : memref<3200000x1xf32, #tpu.memory_space<hbm>> -> memref<512x1xf32, #tpu.memory_space<hbm>>
      tpu.wait_dma2 semaphore(%arg20 : memref<!tpu.dma_semaphore, #tpu.memory_space<semaphore_mem>>) src(%dma_wait3A_359 : memref<512x1xf32, #tpu.memory_space<hbm>>) dst(%dma_wait3A_356 : memref<512x1xf32, #tpu.memory_space<vmem>>)
      %dma_wait3A_360 = arith.constant 0 : i32
      %dma_wait3A_361 = arith.constant 8 : i32
      %dma_wait3A_362 = tpu.memref_slice %arg18[%dma_wait3A_360, %dma_wait3A_361] : memref<512x16xf32, #tpu.memory_space<vmem>> -> memref<512x1xf32, #tpu.memory_space<vmem>>
      %dma_wait3A_363 = arith.constant 0 : i32
      %dma_wait3A_364 = arith.constant 0 : i32
      %dma_wait3A_365 = tpu.memref_slice %arg9[%dma_wait3A_363, %dma_wait3A_364] : memref<3200000x1xf32, #tpu.memory_space<hbm>> -> memref<512x1xf32, #tpu.memory_space<hbm>>
      %dma_wait3A_366 = arith.constant 0 : i32
      %dma_wait3A_367 = arith.constant 8 : i32
      %dma_wait3A_368 = tpu.memref_slice %arg18[%dma_wait3A_366, %dma_wait3A_367] : memref<512x16xf32, #tpu.memory_space<vmem>> -> memref<512x1xf32, #tpu.memory_space<vmem>>
      %dma_wait3A_369 = arith.constant 0 : i32
      %dma_wait3A_370 = arith.constant 0 : i32
      %dma_wait3A_371 = tpu.memref_slice %arg9[%dma_wait3A_369, %dma_wait3A_370] : memref<3200000x1xf32, #tpu.memory_space<hbm>> -> memref<512x1xf32, #tpu.memory_space<hbm>>
      tpu.wait_dma2 semaphore(%arg20 : memref<!tpu.dma_semaphore, #tpu.memory_space<semaphore_mem>>) src(%dma_wait3A_371 : memref<512x1xf32, #tpu.memory_space<hbm>>) dst(%dma_wait3A_368 : memref<512x1xf32, #tpu.memory_space<vmem>>)
      %dma_wait3A_372 = arith.constant 0 : i32
      %dma_wait3A_373 = arith.constant 9 : i32
      %dma_wait3A_374 = tpu.memref_slice %arg18[%dma_wait3A_372, %dma_wait3A_373] : memref<512x16xf32, #tpu.memory_space<vmem>> -> memref<512x1xf32, #tpu.memory_space<vmem>>
      %dma_wait3A_375 = arith.constant 0 : i32
      %dma_wait3A_376 = arith.constant 0 : i32
      %dma_wait3A_377 = tpu.memref_slice %arg10[%dma_wait3A_375, %dma_wait3A_376] : memref<3200000x1xf32, #tpu.memory_space<hbm>> -> memref<512x1xf32, #tpu.memory_space<hbm>>
      %dma_wait3A_378 = arith.constant 0 : i32
      %dma_wait3A_379 = arith.constant 9 : i32
      %dma_wait3A_380 = tpu.memref_slice %arg18[%dma_wait3A_378, %dma_wait3A_379] : memref<512x16xf32, #tpu.memory_space<vmem>> -> memref<512x1xf32, #tpu.memory_space<vmem>>
      %dma_wait3A_381 = arith.constant 0 : i32
      %dma_wait3A_382 = arith.constant 0 : i32
      %dma_wait3A_383 = tpu.memref_slice %arg10[%dma_wait3A_381, %dma_wait3A_382] : memref<3200000x1xf32, #tpu.memory_space<hbm>> -> memref<512x1xf32, #tpu.memory_space<hbm>>
      tpu.wait_dma2 semaphore(%arg20 : memref<!tpu.dma_semaphore, #tpu.memory_space<semaphore_mem>>) src(%dma_wait3A_383 : memref<512x1xf32, #tpu.memory_space<hbm>>) dst(%dma_wait3A_380 : memref<512x1xf32, #tpu.memory_space<vmem>>)
      %dma_wait3A_384 = arith.constant 0 : i32
      %dma_wait3A_385 = arith.constant 10 : i32
      %dma_wait3A_386 = tpu.memref_slice %arg18[%dma_wait3A_384, %dma_wait3A_385] : memref<512x16xf32, #tpu.memory_space<vmem>> -> memref<512x1xf32, #tpu.memory_space<vmem>>
      %dma_wait3A_387 = arith.constant 0 : i32
      %dma_wait3A_388 = arith.constant 0 : i32
      %dma_wait3A_389 = tpu.memref_slice %arg11[%dma_wait3A_387, %dma_wait3A_388] : memref<3200000x1xf32, #tpu.memory_space<hbm>> -> memref<512x1xf32, #tpu.memory_space<hbm>>
      %dma_wait3A_390 = arith.constant 0 : i32
      %dma_wait3A_391 = arith.constant 10 : i32
      %dma_wait3A_392 = tpu.memref_slice %arg18[%dma_wait3A_390, %dma_wait3A_391] : memref<512x16xf32, #tpu.memory_space<vmem>> -> memref<512x1xf32, #tpu.memory_space<vmem>>
      %dma_wait3A_393 = arith.constant 0 : i32
      %dma_wait3A_394 = arith.constant 0 : i32
      %dma_wait3A_395 = tpu.memref_slice %arg11[%dma_wait3A_393, %dma_wait3A_394] : memref<3200000x1xf32, #tpu.memory_space<hbm>> -> memref<512x1xf32, #tpu.memory_space<hbm>>
      tpu.wait_dma2 semaphore(%arg20 : memref<!tpu.dma_semaphore, #tpu.memory_space<semaphore_mem>>) src(%dma_wait3A_395 : memref<512x1xf32, #tpu.memory_space<hbm>>) dst(%dma_wait3A_392 : memref<512x1xf32, #tpu.memory_space<vmem>>)
      %gt3A = arith.constant 0 : i32
      %gt3A_396 = arith.cmpi sgt, %scan3A_277, %gt3A : i32
      %convert_element_type3A_397 = arith.extui %gt3A_396 : i1 to i32
      %cond3A_398 = arith.constant 0 : i32
      %cond3A_399 = arith.cmpi ne, %convert_element_type3A_397, %cond3A_398 : i32
      scf.if %cond3A_399 {
        %dma_wait3A_767 = arith.constant 0 : i32
        %dma_wait3A_768 = arith.constant 0 : i32
        %dma_wait3A_769 = tpu.memref_slice %arg16[%dma_wait3A_767, %dma_wait3A_768] : memref<1x512xi32, #tpu.memory_space<vmem>> -> memref<1x512xi32, #tpu.memory_space<vmem>>
        %dma_wait3A_770 = tpu.memref_squeeze %dma_wait3A_769 : memref<1x512xi32, #tpu.memory_space<vmem>> -> memref<512xi32, #tpu.memory_space<vmem>>
        %dma_wait3A_771 = arith.constant 0 : i32
        %dma_wait3A_772 = arith.constant 0 : i32
        %dma_wait3A_773 = tpu.memref_slice %arg15[%dma_wait3A_771, %dma_wait3A_772] : memref<100000x16xf32, #tpu.memory_space<vmem_shared>> -> memref<100000x16xf32, #tpu.memory_space<vmem_shared>>
        tpu.wait_indirect_dma semaphore(%arg21 : memref<!tpu.dma_semaphore, #tpu.memory_space<semaphore_mem>>) src(%arg18 : memref<512x16xf32, #tpu.memory_space<vmem>>) dst(%dma_wait3A_773 : memref<100000x16xf32, #tpu.memory_space<vmem_shared>>)
      } else {
      }
      %mul3A_400 = arith.constant 32 : i32
      %mul3A_401 = arith.muli %mul3A_400, %add3A_281 : i32
      %add3A_402 = arith.addi %add3A, %mul3A_401 : i32
      %dma_start3A_403 = arith.constant 0 : i32
      %dma_start3A_404 = tpu.memref_slice %arg2[%add3A_402, %dma_start3A_403] : memref<6250x512xi32, #tpu.memory_space<hbm>> -> memref<1x512xi32, #tpu.memory_space<hbm>>
      %dma_start3A_405 = arith.constant 0 : i32
      %dma_start3A_406 = tpu.memref_slice %arg2[%add3A_402, %dma_start3A_405] : memref<6250x512xi32, #tpu.memory_space<hbm>> -> memref<1x512xi32, #tpu.memory_space<hbm>>
      tpu.enqueue_dma source(%dma_start3A_406 : memref<1x512xi32, #tpu.memory_space<hbm>>) target(%arg17 : memref<1x512xi32, #tpu.memory_space<vmem>>) target_semaphore(%arg20 : memref<!tpu.dma_semaphore, #tpu.memory_space<semaphore_mem>>)
      %mul3A_407 = arith.constant 512 : i32
      %mul3A_408 = arith.muli %add3A_402, %mul3A_407 : i32
      %dma_start3A_409 = arith.constant 0 : i32
      %dma_start3A_410 = arith.constant 0 : i32
      %dma_start3A_411 = tpu.memref_slice %arg19[%dma_start3A_409, %dma_start3A_410] : memref<512x16xf32, #tpu.memory_space<vmem>> -> memref<512x1xf32, #tpu.memory_space<vmem>>
      %dma_start3A_412 = arith.constant 0 : i32
      %dma_start3A_413 = tpu.memref_slice %arg3[%mul3A_408, %dma_start3A_412] : memref<3200000x1xf32, #tpu.memory_space<hbm>> -> memref<512x1xf32, #tpu.memory_space<hbm>>
      %dma_start3A_414 = arith.constant 0 : i32
      %dma_start3A_415 = arith.constant 0 : i32
      %dma_start3A_416 = tpu.memref_slice %arg19[%dma_start3A_414, %dma_start3A_415] : memref<512x16xf32, #tpu.memory_space<vmem>> -> memref<512x1xf32, #tpu.memory_space<vmem>>
      %dma_start3A_417 = arith.constant 0 : i32
      %dma_start3A_418 = tpu.memref_slice %arg3[%mul3A_408, %dma_start3A_417] : memref<3200000x1xf32, #tpu.memory_space<hbm>> -> memref<512x1xf32, #tpu.memory_space<hbm>>
      tpu.enqueue_dma source(%dma_start3A_418 : memref<512x1xf32, #tpu.memory_space<hbm>>) target(%dma_start3A_416 : memref<512x1xf32, #tpu.memory_space<vmem>>) target_semaphore(%arg20 : memref<!tpu.dma_semaphore, #tpu.memory_space<semaphore_mem>>)
      %mul3A_419 = arith.constant 512 : i32
      %mul3A_420 = arith.muli %add3A_402, %mul3A_419 : i32
      %dma_start3A_421 = arith.constant 0 : i32
      %dma_start3A_422 = arith.constant 1 : i32
      %dma_start3A_423 = tpu.memref_slice %arg19[%dma_start3A_421, %dma_start3A_422] : memref<512x16xf32, #tpu.memory_space<vmem>> -> memref<512x1xf32, #tpu.memory_space<vmem>>
      %dma_start3A_424 = arith.constant 0 : i32
      %dma_start3A_425 = tpu.memref_slice %arg4[%mul3A_420, %dma_start3A_424] : memref<3200000x1xf32, #tpu.memory_space<hbm>> -> memref<512x1xf32, #tpu.memory_space<hbm>>
      %dma_start3A_426 = arith.constant 0 : i32
      %dma_start3A_427 = arith.constant 1 : i32
      %dma_start3A_428 = tpu.memref_slice %arg19[%dma_start3A_426, %dma_start3A_427] : memref<512x16xf32, #tpu.memory_space<vmem>> -> memref<512x1xf32, #tpu.memory_space<vmem>>
      %dma_start3A_429 = arith.constant 0 : i32
      %dma_start3A_430 = tpu.memref_slice %arg4[%mul3A_420, %dma_start3A_429] : memref<3200000x1xf32, #tpu.memory_space<hbm>> -> memref<512x1xf32, #tpu.memory_space<hbm>>
      tpu.enqueue_dma source(%dma_start3A_430 : memref<512x1xf32, #tpu.memory_space<hbm>>) target(%dma_start3A_428 : memref<512x1xf32, #tpu.memory_space<vmem>>) target_semaphore(%arg20 : memref<!tpu.dma_semaphore, #tpu.memory_space<semaphore_mem>>)
      %mul3A_431 = arith.constant 512 : i32
      %mul3A_432 = arith.muli %add3A_402, %mul3A_431 : i32
      %dma_start3A_433 = arith.constant 0 : i32
      %dma_start3A_434 = arith.constant 2 : i32
      %dma_start3A_435 = tpu.memref_slice %arg19[%dma_start3A_433, %dma_start3A_434] : memref<512x16xf32, #tpu.memory_space<vmem>> -> memref<512x1xf32, #tpu.memory_space<vmem>>
      %dma_start3A_436 = arith.constant 0 : i32
      %dma_start3A_437 = tpu.memref_slice %arg5[%mul3A_432, %dma_start3A_436] : memref<3200000x1xf32, #tpu.memory_space<hbm>> -> memref<512x1xf32, #tpu.memory_space<hbm>>
      %dma_start3A_438 = arith.constant 0 : i32
      %dma_start3A_439 = arith.constant 2 : i32
      %dma_start3A_440 = tpu.memref_slice %arg19[%dma_start3A_438, %dma_start3A_439] : memref<512x16xf32, #tpu.memory_space<vmem>> -> memref<512x1xf32, #tpu.memory_space<vmem>>
      %dma_start3A_441 = arith.constant 0 : i32
      %dma_start3A_442 = tpu.memref_slice %arg5[%mul3A_432, %dma_start3A_441] : memref<3200000x1xf32, #tpu.memory_space<hbm>> -> memref<512x1xf32, #tpu.memory_space<hbm>>
      tpu.enqueue_dma source(%dma_start3A_442 : memref<512x1xf32, #tpu.memory_space<hbm>>) target(%dma_start3A_440 : memref<512x1xf32, #tpu.memory_space<vmem>>) target_semaphore(%arg20 : memref<!tpu.dma_semaphore, #tpu.memory_space<semaphore_mem>>)
      %mul3A_443 = arith.constant 512 : i32
      %mul3A_444 = arith.muli %add3A_402, %mul3A_443 : i32
      %dma_start3A_445 = arith.constant 0 : i32
      %dma_start3A_446 = arith.constant 3 : i32
      %dma_start3A_447 = tpu.memref_slice %arg19[%dma_start3A_445, %dma_start3A_446] : memref<512x16xf32, #tpu.memory_space<vmem>> -> memref<512x1xf32, #tpu.memory_space<vmem>>
      %dma_start3A_448 = arith.constant 0 : i32
      %dma_start3A_449 = tpu.memref_slice %arg6[%mul3A_444, %dma_start3A_448] : memref<3200000x1xf32, #tpu.memory_space<hbm>> -> memref<512x1xf32, #tpu.memory_space<hbm>>
      %dma_start3A_450 = arith.constant 0 : i32
      %dma_start3A_451 = arith.constant 3 : i32
      %dma_start3A_452 = tpu.memref_slice %arg19[%dma_start3A_450, %dma_start3A_451] : memref<512x16xf32, #tpu.memory_space<vmem>> -> memref<512x1xf32, #tpu.memory_space<vmem>>
      %dma_start3A_453 = arith.constant 0 : i32
      %dma_start3A_454 = tpu.memref_slice %arg6[%mul3A_444, %dma_start3A_453] : memref<3200000x1xf32, #tpu.memory_space<hbm>> -> memref<512x1xf32, #tpu.memory_space<hbm>>
      tpu.enqueue_dma source(%dma_start3A_454 : memref<512x1xf32, #tpu.memory_space<hbm>>) target(%dma_start3A_452 : memref<512x1xf32, #tpu.memory_space<vmem>>) target_semaphore(%arg20 : memref<!tpu.dma_semaphore, #tpu.memory_space<semaphore_mem>>)
      %mul3A_455 = arith.constant 512 : i32
      %mul3A_456 = arith.muli %add3A_402, %mul3A_455 : i32
      %dma_start3A_457 = arith.constant 0 : i32
      %dma_start3A_458 = arith.constant 4 : i32
      %dma_start3A_459 = tpu.memref_slice %arg19[%dma_start3A_457, %dma_start3A_458] : memref<512x16xf32, #tpu.memory_space<vmem>> -> memref<512x1xf32, #tpu.memory_space<vmem>>
      %dma_start3A_460 = arith.constant 0 : i32
      %dma_start3A_461 = tpu.memref_slice %arg7[%mul3A_456, %dma_start3A_460] : memref<3200000x1xf32, #tpu.memory_space<hbm>> -> memref<512x1xf32, #tpu.memory_space<hbm>>
      %dma_start3A_462 = arith.constant 0 : i32
      %dma_start3A_463 = arith.constant 4 : i32
      %dma_start3A_464 = tpu.memref_slice %arg19[%dma_start3A_462, %dma_start3A_463] : memref<512x16xf32, #tpu.memory_space<vmem>> -> memref<512x1xf32, #tpu.memory_space<vmem>>
      %dma_start3A_465 = arith.constant 0 : i32
      %dma_start3A_466 = tpu.memref_slice %arg7[%mul3A_456, %dma_start3A_465] : memref<3200000x1xf32, #tpu.memory_space<hbm>> -> memref<512x1xf32, #tpu.memory_space<hbm>>
      tpu.enqueue_dma source(%dma_start3A_466 : memref<512x1xf32, #tpu.memory_space<hbm>>) target(%dma_start3A_464 : memref<512x1xf32, #tpu.memory_space<vmem>>) target_semaphore(%arg20 : memref<!tpu.dma_semaphore, #tpu.memory_space<semaphore_mem>>)
      %mul3A_467 = arith.constant 512 : i32
      %mul3A_468 = arith.muli %add3A_402, %mul3A_467 : i32
      %dma_start3A_469 = arith.constant 0 : i32
      %dma_start3A_470 = arith.constant 5 : i32
      %dma_start3A_471 = tpu.memref_slice %arg19[%dma_start3A_469, %dma_start3A_470] : memref<512x16xf32, #tpu.memory_space<vmem>> -> memref<512x1xf32, #tpu.memory_space<vmem>>
      %dma_start3A_472 = arith.constant 0 : i32
      %dma_start3A_473 = tpu.memref_slice %arg8[%mul3A_468, %dma_start3A_472] : memref<3200000x1xf32, #tpu.memory_space<hbm>> -> memref<512x1xf32, #tpu.memory_space<hbm>>
      %dma_start3A_474 = arith.constant 0 : i32
      %dma_start3A_475 = arith.constant 5 : i32
      %dma_start3A_476 = tpu.memref_slice %arg19[%dma_start3A_474, %dma_start3A_475] : memref<512x16xf32, #tpu.memory_space<vmem>> -> memref<512x1xf32, #tpu.memory_space<vmem>>
      %dma_start3A_477 = arith.constant 0 : i32
      %dma_start3A_478 = tpu.memref_slice %arg8[%mul3A_468, %dma_start3A_477] : memref<3200000x1xf32, #tpu.memory_space<hbm>> -> memref<512x1xf32, #tpu.memory_space<hbm>>
      tpu.enqueue_dma source(%dma_start3A_478 : memref<512x1xf32, #tpu.memory_space<hbm>>) target(%dma_start3A_476 : memref<512x1xf32, #tpu.memory_space<vmem>>) target_semaphore(%arg20 : memref<!tpu.dma_semaphore, #tpu.memory_space<semaphore_mem>>)
      %mul3A_479 = arith.constant 512 : i32
      %mul3A_480 = arith.muli %add3A_402, %mul3A_479 : i32
      %dma_start3A_481 = arith.constant 0 : i32
      %dma_start3A_482 = arith.constant 8 : i32
      %dma_start3A_483 = tpu.memref_slice %arg19[%dma_start3A_481, %dma_start3A_482] : memref<512x16xf32, #tpu.memory_space<vmem>> -> memref<512x1xf32, #tpu.memory_space<vmem>>
      %dma_start3A_484 = arith.constant 0 : i32
      %dma_start3A_485 = tpu.memref_slice %arg9[%mul3A_480, %dma_start3A_484] : memref<3200000x1xf32, #tpu.memory_space<hbm>> -> memref<512x1xf32, #tpu.memory_space<hbm>>
      %dma_start3A_486 = arith.constant 0 : i32
      %dma_start3A_487 = arith.constant 8 : i32
      %dma_start3A_488 = tpu.memref_slice %arg19[%dma_start3A_486, %dma_start3A_487] : memref<512x16xf32, #tpu.memory_space<vmem>> -> memref<512x1xf32, #tpu.memory_space<vmem>>
      %dma_start3A_489 = arith.constant 0 : i32
      %dma_start3A_490 = tpu.memref_slice %arg9[%mul3A_480, %dma_start3A_489] : memref<3200000x1xf32, #tpu.memory_space<hbm>> -> memref<512x1xf32, #tpu.memory_space<hbm>>
      tpu.enqueue_dma source(%dma_start3A_490 : memref<512x1xf32, #tpu.memory_space<hbm>>) target(%dma_start3A_488 : memref<512x1xf32, #tpu.memory_space<vmem>>) target_semaphore(%arg20 : memref<!tpu.dma_semaphore, #tpu.memory_space<semaphore_mem>>)
      %mul3A_491 = arith.constant 512 : i32
      %mul3A_492 = arith.muli %add3A_402, %mul3A_491 : i32
      %dma_start3A_493 = arith.constant 0 : i32
      %dma_start3A_494 = arith.constant 9 : i32
      %dma_start3A_495 = tpu.memref_slice %arg19[%dma_start3A_493, %dma_start3A_494] : memref<512x16xf32, #tpu.memory_space<vmem>> -> memref<512x1xf32, #tpu.memory_space<vmem>>
      %dma_start3A_496 = arith.constant 0 : i32
      %dma_start3A_497 = tpu.memref_slice %arg10[%mul3A_492, %dma_start3A_496] : memref<3200000x1xf32, #tpu.memory_space<hbm>> -> memref<512x1xf32, #tpu.memory_space<hbm>>
      %dma_start3A_498 = arith.constant 0 : i32
      %dma_start3A_499 = arith.constant 9 : i32
      %dma_start3A_500 = tpu.memref_slice %arg19[%dma_start3A_498, %dma_start3A_499] : memref<512x16xf32, #tpu.memory_space<vmem>> -> memref<512x1xf32, #tpu.memory_space<vmem>>
      %dma_start3A_501 = arith.constant 0 : i32
      %dma_start3A_502 = tpu.memref_slice %arg10[%mul3A_492, %dma_start3A_501] : memref<3200000x1xf32, #tpu.memory_space<hbm>> -> memref<512x1xf32, #tpu.memory_space<hbm>>
      tpu.enqueue_dma source(%dma_start3A_502 : memref<512x1xf32, #tpu.memory_space<hbm>>) target(%dma_start3A_500 : memref<512x1xf32, #tpu.memory_space<vmem>>) target_semaphore(%arg20 : memref<!tpu.dma_semaphore, #tpu.memory_space<semaphore_mem>>)
      %mul3A_503 = arith.constant 512 : i32
      %mul3A_504 = arith.muli %add3A_402, %mul3A_503 : i32
      %dma_start3A_505 = arith.constant 0 : i32
      %dma_start3A_506 = arith.constant 10 : i32
      %dma_start3A_507 = tpu.memref_slice %arg19[%dma_start3A_505, %dma_start3A_506] : memref<512x16xf32, #tpu.memory_space<vmem>> -> memref<512x1xf32, #tpu.memory_space<vmem>>
      %dma_start3A_508 = arith.constant 0 : i32
      %dma_start3A_509 = tpu.memref_slice %arg11[%mul3A_504, %dma_start3A_508] : memref<3200000x1xf32, #tpu.memory_space<hbm>> -> memref<512x1xf32, #tpu.memory_space<hbm>>
      %dma_start3A_510 = arith.constant 0 : i32
      %dma_start3A_511 = arith.constant 10 : i32
      %dma_start3A_512 = tpu.memref_slice %arg19[%dma_start3A_510, %dma_start3A_511] : memref<512x16xf32, #tpu.memory_space<vmem>> -> memref<512x1xf32, #tpu.memory_space<vmem>>
      %dma_start3A_513 = arith.constant 0 : i32
      %dma_start3A_514 = tpu.memref_slice %arg11[%mul3A_504, %dma_start3A_513] : memref<3200000x1xf32, #tpu.memory_space<hbm>> -> memref<512x1xf32, #tpu.memory_space<hbm>>
      tpu.enqueue_dma source(%dma_start3A_514 : memref<512x1xf32, #tpu.memory_space<hbm>>) target(%dma_start3A_512 : memref<512x1xf32, #tpu.memory_space<vmem>>) target_semaphore(%arg20 : memref<!tpu.dma_semaphore, #tpu.memory_space<semaphore_mem>>)
      %dma_start3A_515 = arith.constant 0 : i32
      %dma_start3A_516 = arith.constant 0 : i32
      %dma_start3A_517 = tpu.memref_slice %arg16[%dma_start3A_515, %dma_start3A_516] : memref<1x512xi32, #tpu.memory_space<vmem>> -> memref<1x512xi32, #tpu.memory_space<vmem>>
      %dma_start3A_518 = tpu.memref_squeeze %dma_start3A_517 : memref<1x512xi32, #tpu.memory_space<vmem>> -> memref<512xi32, #tpu.memory_space<vmem>>
      %dma_start3A_519 = arith.constant 0 : i32
      %dma_start3A_520 = arith.constant 0 : i32
      %dma_start3A_521 = tpu.memref_slice %arg15[%dma_start3A_519, %dma_start3A_520] : memref<100000x16xf32, #tpu.memory_space<vmem_shared>> -> memref<100000x16xf32, #tpu.memory_space<vmem_shared>>
      tpu.enqueue_indirect_dma source(%arg18 : memref<512x16xf32, #tpu.memory_space<vmem>>) target(%dma_start3A_521 : memref<100000x16xf32, #tpu.memory_space<vmem_shared>>) offsets(%dma_start3A_518 : memref<512xi32, #tpu.memory_space<vmem>>) semaphore(%arg21 : memref<!tpu.dma_semaphore, #tpu.memory_space<semaphore_mem>>) {add = true}
      %dma_wait3A_522 = arith.constant 0 : i32
      %dma_wait3A_523 = arith.constant 0 : i32
      %dma_wait3A_524 = tpu.memref_slice %arg2[%dma_wait3A_522, %dma_wait3A_523] : memref<6250x512xi32, #tpu.memory_space<hbm>> -> memref<1x512xi32, #tpu.memory_space<hbm>>
      %dma_wait3A_525 = arith.constant 0 : i32
      %dma_wait3A_526 = arith.constant 0 : i32
      %dma_wait3A_527 = tpu.memref_slice %arg2[%dma_wait3A_525, %dma_wait3A_526] : memref<6250x512xi32, #tpu.memory_space<hbm>> -> memref<1x512xi32, #tpu.memory_space<hbm>>
      tpu.wait_dma2 semaphore(%arg20 : memref<!tpu.dma_semaphore, #tpu.memory_space<semaphore_mem>>) src(%dma_wait3A_527 : memref<1x512xi32, #tpu.memory_space<hbm>>) dst(%arg16 : memref<1x512xi32, #tpu.memory_space<vmem>>)
      %dma_wait3A_528 = arith.constant 0 : i32
      %dma_wait3A_529 = arith.constant 0 : i32
      %dma_wait3A_530 = tpu.memref_slice %arg18[%dma_wait3A_528, %dma_wait3A_529] : memref<512x16xf32, #tpu.memory_space<vmem>> -> memref<512x1xf32, #tpu.memory_space<vmem>>
      %dma_wait3A_531 = arith.constant 0 : i32
      %dma_wait3A_532 = arith.constant 0 : i32
      %dma_wait3A_533 = tpu.memref_slice %arg3[%dma_wait3A_531, %dma_wait3A_532] : memref<3200000x1xf32, #tpu.memory_space<hbm>> -> memref<512x1xf32, #tpu.memory_space<hbm>>
      %dma_wait3A_534 = arith.constant 0 : i32
      %dma_wait3A_535 = arith.constant 0 : i32
      %dma_wait3A_536 = tpu.memref_slice %arg18[%dma_wait3A_534, %dma_wait3A_535] : memref<512x16xf32, #tpu.memory_space<vmem>> -> memref<512x1xf32, #tpu.memory_space<vmem>>
      %dma_wait3A_537 = arith.constant 0 : i32
      %dma_wait3A_538 = arith.constant 0 : i32
      %dma_wait3A_539 = tpu.memref_slice %arg3[%dma_wait3A_537, %dma_wait3A_538] : memref<3200000x1xf32, #tpu.memory_space<hbm>> -> memref<512x1xf32, #tpu.memory_space<hbm>>
      tpu.wait_dma2 semaphore(%arg20 : memref<!tpu.dma_semaphore, #tpu.memory_space<semaphore_mem>>) src(%dma_wait3A_539 : memref<512x1xf32, #tpu.memory_space<hbm>>) dst(%dma_wait3A_536 : memref<512x1xf32, #tpu.memory_space<vmem>>)
      %dma_wait3A_540 = arith.constant 0 : i32
      %dma_wait3A_541 = arith.constant 1 : i32
      %dma_wait3A_542 = tpu.memref_slice %arg18[%dma_wait3A_540, %dma_wait3A_541] : memref<512x16xf32, #tpu.memory_space<vmem>> -> memref<512x1xf32, #tpu.memory_space<vmem>>
      %dma_wait3A_543 = arith.constant 0 : i32
      %dma_wait3A_544 = arith.constant 0 : i32
      %dma_wait3A_545 = tpu.memref_slice %arg4[%dma_wait3A_543, %dma_wait3A_544] : memref<3200000x1xf32, #tpu.memory_space<hbm>> -> memref<512x1xf32, #tpu.memory_space<hbm>>
      %dma_wait3A_546 = arith.constant 0 : i32
      %dma_wait3A_547 = arith.constant 1 : i32
      %dma_wait3A_548 = tpu.memref_slice %arg18[%dma_wait3A_546, %dma_wait3A_547] : memref<512x16xf32, #tpu.memory_space<vmem>> -> memref<512x1xf32, #tpu.memory_space<vmem>>
      %dma_wait3A_549 = arith.constant 0 : i32
      %dma_wait3A_550 = arith.constant 0 : i32
      %dma_wait3A_551 = tpu.memref_slice %arg4[%dma_wait3A_549, %dma_wait3A_550] : memref<3200000x1xf32, #tpu.memory_space<hbm>> -> memref<512x1xf32, #tpu.memory_space<hbm>>
      tpu.wait_dma2 semaphore(%arg20 : memref<!tpu.dma_semaphore, #tpu.memory_space<semaphore_mem>>) src(%dma_wait3A_551 : memref<512x1xf32, #tpu.memory_space<hbm>>) dst(%dma_wait3A_548 : memref<512x1xf32, #tpu.memory_space<vmem>>)
      %dma_wait3A_552 = arith.constant 0 : i32
      %dma_wait3A_553 = arith.constant 2 : i32
      %dma_wait3A_554 = tpu.memref_slice %arg18[%dma_wait3A_552, %dma_wait3A_553] : memref<512x16xf32, #tpu.memory_space<vmem>> -> memref<512x1xf32, #tpu.memory_space<vmem>>
      %dma_wait3A_555 = arith.constant 0 : i32
      %dma_wait3A_556 = arith.constant 0 : i32
      %dma_wait3A_557 = tpu.memref_slice %arg5[%dma_wait3A_555, %dma_wait3A_556] : memref<3200000x1xf32, #tpu.memory_space<hbm>> -> memref<512x1xf32, #tpu.memory_space<hbm>>
      %dma_wait3A_558 = arith.constant 0 : i32
      %dma_wait3A_559 = arith.constant 2 : i32
      %dma_wait3A_560 = tpu.memref_slice %arg18[%dma_wait3A_558, %dma_wait3A_559] : memref<512x16xf32, #tpu.memory_space<vmem>> -> memref<512x1xf32, #tpu.memory_space<vmem>>
      %dma_wait3A_561 = arith.constant 0 : i32
      %dma_wait3A_562 = arith.constant 0 : i32
      %dma_wait3A_563 = tpu.memref_slice %arg5[%dma_wait3A_561, %dma_wait3A_562] : memref<3200000x1xf32, #tpu.memory_space<hbm>> -> memref<512x1xf32, #tpu.memory_space<hbm>>
      tpu.wait_dma2 semaphore(%arg20 : memref<!tpu.dma_semaphore, #tpu.memory_space<semaphore_mem>>) src(%dma_wait3A_563 : memref<512x1xf32, #tpu.memory_space<hbm>>) dst(%dma_wait3A_560 : memref<512x1xf32, #tpu.memory_space<vmem>>)
      %dma_wait3A_564 = arith.constant 0 : i32
      %dma_wait3A_565 = arith.constant 3 : i32
      %dma_wait3A_566 = tpu.memref_slice %arg18[%dma_wait3A_564, %dma_wait3A_565] : memref<512x16xf32, #tpu.memory_space<vmem>> -> memref<512x1xf32, #tpu.memory_space<vmem>>
      %dma_wait3A_567 = arith.constant 0 : i32
      %dma_wait3A_568 = arith.constant 0 : i32
      %dma_wait3A_569 = tpu.memref_slice %arg6[%dma_wait3A_567, %dma_wait3A_568] : memref<3200000x1xf32, #tpu.memory_space<hbm>> -> memref<512x1xf32, #tpu.memory_space<hbm>>
      %dma_wait3A_570 = arith.constant 0 : i32
      %dma_wait3A_571 = arith.constant 3 : i32
      %dma_wait3A_572 = tpu.memref_slice %arg18[%dma_wait3A_570, %dma_wait3A_571] : memref<512x16xf32, #tpu.memory_space<vmem>> -> memref<512x1xf32, #tpu.memory_space<vmem>>
      %dma_wait3A_573 = arith.constant 0 : i32
      %dma_wait3A_574 = arith.constant 0 : i32
      %dma_wait3A_575 = tpu.memref_slice %arg6[%dma_wait3A_573, %dma_wait3A_574] : memref<3200000x1xf32, #tpu.memory_space<hbm>> -> memref<512x1xf32, #tpu.memory_space<hbm>>
      tpu.wait_dma2 semaphore(%arg20 : memref<!tpu.dma_semaphore, #tpu.memory_space<semaphore_mem>>) src(%dma_wait3A_575 : memref<512x1xf32, #tpu.memory_space<hbm>>) dst(%dma_wait3A_572 : memref<512x1xf32, #tpu.memory_space<vmem>>)
      %dma_wait3A_576 = arith.constant 0 : i32
      %dma_wait3A_577 = arith.constant 4 : i32
      %dma_wait3A_578 = tpu.memref_slice %arg18[%dma_wait3A_576, %dma_wait3A_577] : memref<512x16xf32, #tpu.memory_space<vmem>> -> memref<512x1xf32, #tpu.memory_space<vmem>>
      %dma_wait3A_579 = arith.constant 0 : i32
      %dma_wait3A_580 = arith.constant 0 : i32
      %dma_wait3A_581 = tpu.memref_slice %arg7[%dma_wait3A_579, %dma_wait3A_580] : memref<3200000x1xf32, #tpu.memory_space<hbm>> -> memref<512x1xf32, #tpu.memory_space<hbm>>
      %dma_wait3A_582 = arith.constant 0 : i32
      %dma_wait3A_583 = arith.constant 4 : i32
      %dma_wait3A_584 = tpu.memref_slice %arg18[%dma_wait3A_582, %dma_wait3A_583] : memref<512x16xf32, #tpu.memory_space<vmem>> -> memref<512x1xf32, #tpu.memory_space<vmem>>
      %dma_wait3A_585 = arith.constant 0 : i32
      %dma_wait3A_586 = arith.constant 0 : i32
      %dma_wait3A_587 = tpu.memref_slice %arg7[%dma_wait3A_585, %dma_wait3A_586] : memref<3200000x1xf32, #tpu.memory_space<hbm>> -> memref<512x1xf32, #tpu.memory_space<hbm>>
      tpu.wait_dma2 semaphore(%arg20 : memref<!tpu.dma_semaphore, #tpu.memory_space<semaphore_mem>>) src(%dma_wait3A_587 : memref<512x1xf32, #tpu.memory_space<hbm>>) dst(%dma_wait3A_584 : memref<512x1xf32, #tpu.memory_space<vmem>>)
      %dma_wait3A_588 = arith.constant 0 : i32
      %dma_wait3A_589 = arith.constant 5 : i32
      %dma_wait3A_590 = tpu.memref_slice %arg18[%dma_wait3A_588, %dma_wait3A_589] : memref<512x16xf32, #tpu.memory_space<vmem>> -> memref<512x1xf32, #tpu.memory_space<vmem>>
      %dma_wait3A_591 = arith.constant 0 : i32
      %dma_wait3A_592 = arith.constant 0 : i32
      %dma_wait3A_593 = tpu.memref_slice %arg8[%dma_wait3A_591, %dma_wait3A_592] : memref<3200000x1xf32, #tpu.memory_space<hbm>> -> memref<512x1xf32, #tpu.memory_space<hbm>>
      %dma_wait3A_594 = arith.constant 0 : i32
      %dma_wait3A_595 = arith.constant 5 : i32
      %dma_wait3A_596 = tpu.memref_slice %arg18[%dma_wait3A_594, %dma_wait3A_595] : memref<512x16xf32, #tpu.memory_space<vmem>> -> memref<512x1xf32, #tpu.memory_space<vmem>>
      %dma_wait3A_597 = arith.constant 0 : i32
      %dma_wait3A_598 = arith.constant 0 : i32
      %dma_wait3A_599 = tpu.memref_slice %arg8[%dma_wait3A_597, %dma_wait3A_598] : memref<3200000x1xf32, #tpu.memory_space<hbm>> -> memref<512x1xf32, #tpu.memory_space<hbm>>
      tpu.wait_dma2 semaphore(%arg20 : memref<!tpu.dma_semaphore, #tpu.memory_space<semaphore_mem>>) src(%dma_wait3A_599 : memref<512x1xf32, #tpu.memory_space<hbm>>) dst(%dma_wait3A_596 : memref<512x1xf32, #tpu.memory_space<vmem>>)
      %dma_wait3A_600 = arith.constant 0 : i32
      %dma_wait3A_601 = arith.constant 8 : i32
      %dma_wait3A_602 = tpu.memref_slice %arg18[%dma_wait3A_600, %dma_wait3A_601] : memref<512x16xf32, #tpu.memory_space<vmem>> -> memref<512x1xf32, #tpu.memory_space<vmem>>
      %dma_wait3A_603 = arith.constant 0 : i32
      %dma_wait3A_604 = arith.constant 0 : i32
      %dma_wait3A_605 = tpu.memref_slice %arg9[%dma_wait3A_603, %dma_wait3A_604] : memref<3200000x1xf32, #tpu.memory_space<hbm>> -> memref<512x1xf32, #tpu.memory_space<hbm>>
      %dma_wait3A_606 = arith.constant 0 : i32
      %dma_wait3A_607 = arith.constant 8 : i32
      %dma_wait3A_608 = tpu.memref_slice %arg18[%dma_wait3A_606, %dma_wait3A_607] : memref<512x16xf32, #tpu.memory_space<vmem>> -> memref<512x1xf32, #tpu.memory_space<vmem>>
      %dma_wait3A_609 = arith.constant 0 : i32
      %dma_wait3A_610 = arith.constant 0 : i32
      %dma_wait3A_611 = tpu.memref_slice %arg9[%dma_wait3A_609, %dma_wait3A_610] : memref<3200000x1xf32, #tpu.memory_space<hbm>> -> memref<512x1xf32, #tpu.memory_space<hbm>>
      tpu.wait_dma2 semaphore(%arg20 : memref<!tpu.dma_semaphore, #tpu.memory_space<semaphore_mem>>) src(%dma_wait3A_611 : memref<512x1xf32, #tpu.memory_space<hbm>>) dst(%dma_wait3A_608 : memref<512x1xf32, #tpu.memory_space<vmem>>)
      %dma_wait3A_612 = arith.constant 0 : i32
      %dma_wait3A_613 = arith.constant 9 : i32
      %dma_wait3A_614 = tpu.memref_slice %arg18[%dma_wait3A_612, %dma_wait3A_613] : memref<512x16xf32, #tpu.memory_space<vmem>> -> memref<512x1xf32, #tpu.memory_space<vmem>>
      %dma_wait3A_615 = arith.constant 0 : i32
      %dma_wait3A_616 = arith.constant 0 : i32
      %dma_wait3A_617 = tpu.memref_slice %arg10[%dma_wait3A_615, %dma_wait3A_616] : memref<3200000x1xf32, #tpu.memory_space<hbm>> -> memref<512x1xf32, #tpu.memory_space<hbm>>
      %dma_wait3A_618 = arith.constant 0 : i32
      %dma_wait3A_619 = arith.constant 9 : i32
      %dma_wait3A_620 = tpu.memref_slice %arg18[%dma_wait3A_618, %dma_wait3A_619] : memref<512x16xf32, #tpu.memory_space<vmem>> -> memref<512x1xf32, #tpu.memory_space<vmem>>
      %dma_wait3A_621 = arith.constant 0 : i32
      %dma_wait3A_622 = arith.constant 0 : i32
      %dma_wait3A_623 = tpu.memref_slice %arg10[%dma_wait3A_621, %dma_wait3A_622] : memref<3200000x1xf32, #tpu.memory_space<hbm>> -> memref<512x1xf32, #tpu.memory_space<hbm>>
      tpu.wait_dma2 semaphore(%arg20 : memref<!tpu.dma_semaphore, #tpu.memory_space<semaphore_mem>>) src(%dma_wait3A_623 : memref<512x1xf32, #tpu.memory_space<hbm>>) dst(%dma_wait3A_620 : memref<512x1xf32, #tpu.memory_space<vmem>>)
      %dma_wait3A_624 = arith.constant 0 : i32
      %dma_wait3A_625 = arith.constant 10 : i32
      %dma_wait3A_626 = tpu.memref_slice %arg18[%dma_wait3A_624, %dma_wait3A_625] : memref<512x16xf32, #tpu.memory_space<vmem>> -> memref<512x1xf32, #tpu.memory_space<vmem>>
      %dma_wait3A_627 = arith.constant 0 : i32
      %dma_wait3A_628 = arith.constant 0 : i32
      %dma_wait3A_629 = tpu.memref_slice %arg11[%dma_wait3A_627, %dma_wait3A_628] : memref<3200000x1xf32, #tpu.memory_space<hbm>> -> memref<512x1xf32, #tpu.memory_space<hbm>>
      %dma_wait3A_630 = arith.constant 0 : i32
      %dma_wait3A_631 = arith.constant 10 : i32
      %dma_wait3A_632 = tpu.memref_slice %arg18[%dma_wait3A_630, %dma_wait3A_631] : memref<512x16xf32, #tpu.memory_space<vmem>> -> memref<512x1xf32, #tpu.memory_space<vmem>>
      %dma_wait3A_633 = arith.constant 0 : i32
      %dma_wait3A_634 = arith.constant 0 : i32
      %dma_wait3A_635 = tpu.memref_slice %arg11[%dma_wait3A_633, %dma_wait3A_634] : memref<3200000x1xf32, #tpu.memory_space<hbm>> -> memref<512x1xf32, #tpu.memory_space<hbm>>
      tpu.wait_dma2 semaphore(%arg20 : memref<!tpu.dma_semaphore, #tpu.memory_space<semaphore_mem>>) src(%dma_wait3A_635 : memref<512x1xf32, #tpu.memory_space<hbm>>) dst(%dma_wait3A_632 : memref<512x1xf32, #tpu.memory_space<vmem>>)
      %dma_wait3A_636 = arith.constant 0 : i32
      %dma_wait3A_637 = arith.constant 0 : i32
      %dma_wait3A_638 = tpu.memref_slice %arg16[%dma_wait3A_636, %dma_wait3A_637] : memref<1x512xi32, #tpu.memory_space<vmem>> -> memref<1x512xi32, #tpu.memory_space<vmem>>
      %dma_wait3A_639 = tpu.memref_squeeze %dma_wait3A_638 : memref<1x512xi32, #tpu.memory_space<vmem>> -> memref<512xi32, #tpu.memory_space<vmem>>
      %dma_wait3A_640 = arith.constant 0 : i32
      %dma_wait3A_641 = arith.constant 0 : i32
      %dma_wait3A_642 = tpu.memref_slice %arg15[%dma_wait3A_640, %dma_wait3A_641] : memref<100000x16xf32, #tpu.memory_space<vmem_shared>> -> memref<100000x16xf32, #tpu.memory_space<vmem_shared>>
      tpu.wait_indirect_dma semaphore(%arg21 : memref<!tpu.dma_semaphore, #tpu.memory_space<semaphore_mem>>) src(%arg18 : memref<512x16xf32, #tpu.memory_space<vmem>>) dst(%dma_wait3A_642 : memref<100000x16xf32, #tpu.memory_space<vmem_shared>>)
      %add3A_643 = arith.constant 1 : i32
      %add3A_644 = arith.addi %add3A_281, %add3A_643 : i32
      %mul3A_645 = arith.constant 32 : i32
      %mul3A_646 = arith.muli %mul3A_645, %add3A_644 : i32
      %add3A_647 = arith.addi %add3A, %mul3A_646 : i32
      %dma_start3A_648 = arith.constant 0 : i32
      %dma_start3A_649 = tpu.memref_slice %arg2[%add3A_647, %dma_start3A_648] : memref<6250x512xi32, #tpu.memory_space<hbm>> -> memref<1x512xi32, #tpu.memory_space<hbm>>
      %dma_start3A_650 = arith.constant 0 : i32
      %dma_start3A_651 = tpu.memref_slice %arg2[%add3A_647, %dma_start3A_650] : memref<6250x512xi32, #tpu.memory_space<hbm>> -> memref<1x512xi32, #tpu.memory_space<hbm>>
      tpu.enqueue_dma source(%dma_start3A_651 : memref<1x512xi32, #tpu.memory_space<hbm>>) target(%arg16 : memref<1x512xi32, #tpu.memory_space<vmem>>) target_semaphore(%arg20 : memref<!tpu.dma_semaphore, #tpu.memory_space<semaphore_mem>>)
      %mul3A_652 = arith.constant 512 : i32
      %mul3A_653 = arith.muli %add3A_647, %mul3A_652 : i32
      %dma_start3A_654 = arith.constant 0 : i32
      %dma_start3A_655 = arith.constant 0 : i32
      %dma_start3A_656 = tpu.memref_slice %arg18[%dma_start3A_654, %dma_start3A_655] : memref<512x16xf32, #tpu.memory_space<vmem>> -> memref<512x1xf32, #tpu.memory_space<vmem>>
      %dma_start3A_657 = arith.constant 0 : i32
      %dma_start3A_658 = tpu.memref_slice %arg3[%mul3A_653, %dma_start3A_657] : memref<3200000x1xf32, #tpu.memory_space<hbm>> -> memref<512x1xf32, #tpu.memory_space<hbm>>
      %dma_start3A_659 = arith.constant 0 : i32
      %dma_start3A_660 = arith.constant 0 : i32
      %dma_start3A_661 = tpu.memref_slice %arg18[%dma_start3A_659, %dma_start3A_660] : memref<512x16xf32, #tpu.memory_space<vmem>> -> memref<512x1xf32, #tpu.memory_space<vmem>>
      %dma_start3A_662 = arith.constant 0 : i32
      %dma_start3A_663 = tpu.memref_slice %arg3[%mul3A_653, %dma_start3A_662] : memref<3200000x1xf32, #tpu.memory_space<hbm>> -> memref<512x1xf32, #tpu.memory_space<hbm>>
      tpu.enqueue_dma source(%dma_start3A_663 : memref<512x1xf32, #tpu.memory_space<hbm>>) target(%dma_start3A_661 : memref<512x1xf32, #tpu.memory_space<vmem>>) target_semaphore(%arg20 : memref<!tpu.dma_semaphore, #tpu.memory_space<semaphore_mem>>)
      %mul3A_664 = arith.constant 512 : i32
      %mul3A_665 = arith.muli %add3A_647, %mul3A_664 : i32
      %dma_start3A_666 = arith.constant 0 : i32
      %dma_start3A_667 = arith.constant 1 : i32
      %dma_start3A_668 = tpu.memref_slice %arg18[%dma_start3A_666, %dma_start3A_667] : memref<512x16xf32, #tpu.memory_space<vmem>> -> memref<512x1xf32, #tpu.memory_space<vmem>>
      %dma_start3A_669 = arith.constant 0 : i32
      %dma_start3A_670 = tpu.memref_slice %arg4[%mul3A_665, %dma_start3A_669] : memref<3200000x1xf32, #tpu.memory_space<hbm>> -> memref<512x1xf32, #tpu.memory_space<hbm>>
      %dma_start3A_671 = arith.constant 0 : i32
      %dma_start3A_672 = arith.constant 1 : i32
      %dma_start3A_673 = tpu.memref_slice %arg18[%dma_start3A_671, %dma_start3A_672] : memref<512x16xf32, #tpu.memory_space<vmem>> -> memref<512x1xf32, #tpu.memory_space<vmem>>
      %dma_start3A_674 = arith.constant 0 : i32
      %dma_start3A_675 = tpu.memref_slice %arg4[%mul3A_665, %dma_start3A_674] : memref<3200000x1xf32, #tpu.memory_space<hbm>> -> memref<512x1xf32, #tpu.memory_space<hbm>>
      tpu.enqueue_dma source(%dma_start3A_675 : memref<512x1xf32, #tpu.memory_space<hbm>>) target(%dma_start3A_673 : memref<512x1xf32, #tpu.memory_space<vmem>>) target_semaphore(%arg20 : memref<!tpu.dma_semaphore, #tpu.memory_space<semaphore_mem>>)
      %mul3A_676 = arith.constant 512 : i32
      %mul3A_677 = arith.muli %add3A_647, %mul3A_676 : i32
      %dma_start3A_678 = arith.constant 0 : i32
      %dma_start3A_679 = arith.constant 2 : i32
      %dma_start3A_680 = tpu.memref_slice %arg18[%dma_start3A_678, %dma_start3A_679] : memref<512x16xf32, #tpu.memory_space<vmem>> -> memref<512x1xf32, #tpu.memory_space<vmem>>
      %dma_start3A_681 = arith.constant 0 : i32
      %dma_start3A_682 = tpu.memref_slice %arg5[%mul3A_677, %dma_start3A_681] : memref<3200000x1xf32, #tpu.memory_space<hbm>> -> memref<512x1xf32, #tpu.memory_space<hbm>>
      %dma_start3A_683 = arith.constant 0 : i32
      %dma_start3A_684 = arith.constant 2 : i32
      %dma_start3A_685 = tpu.memref_slice %arg18[%dma_start3A_683, %dma_start3A_684] : memref<512x16xf32, #tpu.memory_space<vmem>> -> memref<512x1xf32, #tpu.memory_space<vmem>>
      %dma_start3A_686 = arith.constant 0 : i32
      %dma_start3A_687 = tpu.memref_slice %arg5[%mul3A_677, %dma_start3A_686] : memref<3200000x1xf32, #tpu.memory_space<hbm>> -> memref<512x1xf32, #tpu.memory_space<hbm>>
      tpu.enqueue_dma source(%dma_start3A_687 : memref<512x1xf32, #tpu.memory_space<hbm>>) target(%dma_start3A_685 : memref<512x1xf32, #tpu.memory_space<vmem>>) target_semaphore(%arg20 : memref<!tpu.dma_semaphore, #tpu.memory_space<semaphore_mem>>)
      %mul3A_688 = arith.constant 512 : i32
      %mul3A_689 = arith.muli %add3A_647, %mul3A_688 : i32
      %dma_start3A_690 = arith.constant 0 : i32
      %dma_start3A_691 = arith.constant 3 : i32
      %dma_start3A_692 = tpu.memref_slice %arg18[%dma_start3A_690, %dma_start3A_691] : memref<512x16xf32, #tpu.memory_space<vmem>> -> memref<512x1xf32, #tpu.memory_space<vmem>>
      %dma_start3A_693 = arith.constant 0 : i32
      %dma_start3A_694 = tpu.memref_slice %arg6[%mul3A_689, %dma_start3A_693] : memref<3200000x1xf32, #tpu.memory_space<hbm>> -> memref<512x1xf32, #tpu.memory_space<hbm>>
      %dma_start3A_695 = arith.constant 0 : i32
      %dma_start3A_696 = arith.constant 3 : i32
      %dma_start3A_697 = tpu.memref_slice %arg18[%dma_start3A_695, %dma_start3A_696] : memref<512x16xf32, #tpu.memory_space<vmem>> -> memref<512x1xf32, #tpu.memory_space<vmem>>
      %dma_start3A_698 = arith.constant 0 : i32
      %dma_start3A_699 = tpu.memref_slice %arg6[%mul3A_689, %dma_start3A_698] : memref<3200000x1xf32, #tpu.memory_space<hbm>> -> memref<512x1xf32, #tpu.memory_space<hbm>>
      tpu.enqueue_dma source(%dma_start3A_699 : memref<512x1xf32, #tpu.memory_space<hbm>>) target(%dma_start3A_697 : memref<512x1xf32, #tpu.memory_space<vmem>>) target_semaphore(%arg20 : memref<!tpu.dma_semaphore, #tpu.memory_space<semaphore_mem>>)
      %mul3A_700 = arith.constant 512 : i32
      %mul3A_701 = arith.muli %add3A_647, %mul3A_700 : i32
      %dma_start3A_702 = arith.constant 0 : i32
      %dma_start3A_703 = arith.constant 4 : i32
      %dma_start3A_704 = tpu.memref_slice %arg18[%dma_start3A_702, %dma_start3A_703] : memref<512x16xf32, #tpu.memory_space<vmem>> -> memref<512x1xf32, #tpu.memory_space<vmem>>
      %dma_start3A_705 = arith.constant 0 : i32
      %dma_start3A_706 = tpu.memref_slice %arg7[%mul3A_701, %dma_start3A_705] : memref<3200000x1xf32, #tpu.memory_space<hbm>> -> memref<512x1xf32, #tpu.memory_space<hbm>>
      %dma_start3A_707 = arith.constant 0 : i32
      %dma_start3A_708 = arith.constant 4 : i32
      %dma_start3A_709 = tpu.memref_slice %arg18[%dma_start3A_707, %dma_start3A_708] : memref<512x16xf32, #tpu.memory_space<vmem>> -> memref<512x1xf32, #tpu.memory_space<vmem>>
      %dma_start3A_710 = arith.constant 0 : i32
      %dma_start3A_711 = tpu.memref_slice %arg7[%mul3A_701, %dma_start3A_710] : memref<3200000x1xf32, #tpu.memory_space<hbm>> -> memref<512x1xf32, #tpu.memory_space<hbm>>
      tpu.enqueue_dma source(%dma_start3A_711 : memref<512x1xf32, #tpu.memory_space<hbm>>) target(%dma_start3A_709 : memref<512x1xf32, #tpu.memory_space<vmem>>) target_semaphore(%arg20 : memref<!tpu.dma_semaphore, #tpu.memory_space<semaphore_mem>>)
      %mul3A_712 = arith.constant 512 : i32
      %mul3A_713 = arith.muli %add3A_647, %mul3A_712 : i32
      %dma_start3A_714 = arith.constant 0 : i32
      %dma_start3A_715 = arith.constant 5 : i32
      %dma_start3A_716 = tpu.memref_slice %arg18[%dma_start3A_714, %dma_start3A_715] : memref<512x16xf32, #tpu.memory_space<vmem>> -> memref<512x1xf32, #tpu.memory_space<vmem>>
      %dma_start3A_717 = arith.constant 0 : i32
      %dma_start3A_718 = tpu.memref_slice %arg8[%mul3A_713, %dma_start3A_717] : memref<3200000x1xf32, #tpu.memory_space<hbm>> -> memref<512x1xf32, #tpu.memory_space<hbm>>
      %dma_start3A_719 = arith.constant 0 : i32
      %dma_start3A_720 = arith.constant 5 : i32
      %dma_start3A_721 = tpu.memref_slice %arg18[%dma_start3A_719, %dma_start3A_720] : memref<512x16xf32, #tpu.memory_space<vmem>> -> memref<512x1xf32, #tpu.memory_space<vmem>>
      %dma_start3A_722 = arith.constant 0 : i32
      %dma_start3A_723 = tpu.memref_slice %arg8[%mul3A_713, %dma_start3A_722] : memref<3200000x1xf32, #tpu.memory_space<hbm>> -> memref<512x1xf32, #tpu.memory_space<hbm>>
      tpu.enqueue_dma source(%dma_start3A_723 : memref<512x1xf32, #tpu.memory_space<hbm>>) target(%dma_start3A_721 : memref<512x1xf32, #tpu.memory_space<vmem>>) target_semaphore(%arg20 : memref<!tpu.dma_semaphore, #tpu.memory_space<semaphore_mem>>)
      %mul3A_724 = arith.constant 512 : i32
      %mul3A_725 = arith.muli %add3A_647, %mul3A_724 : i32
      %dma_start3A_726 = arith.constant 0 : i32
      %dma_start3A_727 = arith.constant 8 : i32
      %dma_start3A_728 = tpu.memref_slice %arg18[%dma_start3A_726, %dma_start3A_727] : memref<512x16xf32, #tpu.memory_space<vmem>> -> memref<512x1xf32, #tpu.memory_space<vmem>>
      %dma_start3A_729 = arith.constant 0 : i32
      %dma_start3A_730 = tpu.memref_slice %arg9[%mul3A_725, %dma_start3A_729] : memref<3200000x1xf32, #tpu.memory_space<hbm>> -> memref<512x1xf32, #tpu.memory_space<hbm>>
      %dma_start3A_731 = arith.constant 0 : i32
      %dma_start3A_732 = arith.constant 8 : i32
      %dma_start3A_733 = tpu.memref_slice %arg18[%dma_start3A_731, %dma_start3A_732] : memref<512x16xf32, #tpu.memory_space<vmem>> -> memref<512x1xf32, #tpu.memory_space<vmem>>
      %dma_start3A_734 = arith.constant 0 : i32
      %dma_start3A_735 = tpu.memref_slice %arg9[%mul3A_725, %dma_start3A_734] : memref<3200000x1xf32, #tpu.memory_space<hbm>> -> memref<512x1xf32, #tpu.memory_space<hbm>>
      tpu.enqueue_dma source(%dma_start3A_735 : memref<512x1xf32, #tpu.memory_space<hbm>>) target(%dma_start3A_733 : memref<512x1xf32, #tpu.memory_space<vmem>>) target_semaphore(%arg20 : memref<!tpu.dma_semaphore, #tpu.memory_space<semaphore_mem>>)
      %mul3A_736 = arith.constant 512 : i32
      %mul3A_737 = arith.muli %add3A_647, %mul3A_736 : i32
      %dma_start3A_738 = arith.constant 0 : i32
      %dma_start3A_739 = arith.constant 9 : i32
      %dma_start3A_740 = tpu.memref_slice %arg18[%dma_start3A_738, %dma_start3A_739] : memref<512x16xf32, #tpu.memory_space<vmem>> -> memref<512x1xf32, #tpu.memory_space<vmem>>
      %dma_start3A_741 = arith.constant 0 : i32
      %dma_start3A_742 = tpu.memref_slice %arg10[%mul3A_737, %dma_start3A_741] : memref<3200000x1xf32, #tpu.memory_space<hbm>> -> memref<512x1xf32, #tpu.memory_space<hbm>>
      %dma_start3A_743 = arith.constant 0 : i32
      %dma_start3A_744 = arith.constant 9 : i32
      %dma_start3A_745 = tpu.memref_slice %arg18[%dma_start3A_743, %dma_start3A_744] : memref<512x16xf32, #tpu.memory_space<vmem>> -> memref<512x1xf32, #tpu.memory_space<vmem>>
      %dma_start3A_746 = arith.constant 0 : i32
      %dma_start3A_747 = tpu.memref_slice %arg10[%mul3A_737, %dma_start3A_746] : memref<3200000x1xf32, #tpu.memory_space<hbm>> -> memref<512x1xf32, #tpu.memory_space<hbm>>
      tpu.enqueue_dma source(%dma_start3A_747 : memref<512x1xf32, #tpu.memory_space<hbm>>) target(%dma_start3A_745 : memref<512x1xf32, #tpu.memory_space<vmem>>) target_semaphore(%arg20 : memref<!tpu.dma_semaphore, #tpu.memory_space<semaphore_mem>>)
      %mul3A_748 = arith.constant 512 : i32
      %mul3A_749 = arith.muli %add3A_647, %mul3A_748 : i32
      %dma_start3A_750 = arith.constant 0 : i32
      %dma_start3A_751 = arith.constant 10 : i32
      %dma_start3A_752 = tpu.memref_slice %arg18[%dma_start3A_750, %dma_start3A_751] : memref<512x16xf32, #tpu.memory_space<vmem>> -> memref<512x1xf32, #tpu.memory_space<vmem>>
      %dma_start3A_753 = arith.constant 0 : i32
      %dma_start3A_754 = tpu.memref_slice %arg11[%mul3A_749, %dma_start3A_753] : memref<3200000x1xf32, #tpu.memory_space<hbm>> -> memref<512x1xf32, #tpu.memory_space<hbm>>
      %dma_start3A_755 = arith.constant 0 : i32
      %dma_start3A_756 = arith.constant 10 : i32
      %dma_start3A_757 = tpu.memref_slice %arg18[%dma_start3A_755, %dma_start3A_756] : memref<512x16xf32, #tpu.memory_space<vmem>> -> memref<512x1xf32, #tpu.memory_space<vmem>>
      %dma_start3A_758 = arith.constant 0 : i32
      %dma_start3A_759 = tpu.memref_slice %arg11[%mul3A_749, %dma_start3A_758] : memref<3200000x1xf32, #tpu.memory_space<hbm>> -> memref<512x1xf32, #tpu.memory_space<hbm>>
      tpu.enqueue_dma source(%dma_start3A_759 : memref<512x1xf32, #tpu.memory_space<hbm>>) target(%dma_start3A_757 : memref<512x1xf32, #tpu.memory_space<vmem>>) target_semaphore(%arg20 : memref<!tpu.dma_semaphore, #tpu.memory_space<semaphore_mem>>)
      %dma_start3A_760 = arith.constant 0 : i32
      %dma_start3A_761 = arith.constant 0 : i32
      %dma_start3A_762 = tpu.memref_slice %arg17[%dma_start3A_760, %dma_start3A_761] : memref<1x512xi32, #tpu.memory_space<vmem>> -> memref<1x512xi32, #tpu.memory_space<vmem>>
      %dma_start3A_763 = tpu.memref_squeeze %dma_start3A_762 : memref<1x512xi32, #tpu.memory_space<vmem>> -> memref<512xi32, #tpu.memory_space<vmem>>
      %dma_start3A_764 = arith.constant 0 : i32
      %dma_start3A_765 = arith.constant 0 : i32
      %dma_start3A_766 = tpu.memref_slice %arg15[%dma_start3A_764, %dma_start3A_765] : memref<100000x16xf32, #tpu.memory_space<vmem_shared>> -> memref<100000x16xf32, #tpu.memory_space<vmem_shared>>
      tpu.enqueue_indirect_dma source(%arg19 : memref<512x16xf32, #tpu.memory_space<vmem>>) target(%dma_start3A_766 : memref<100000x16xf32, #tpu.memory_space<vmem_shared>>) offsets(%dma_start3A_763 : memref<512xi32, #tpu.memory_space<vmem>>) semaphore(%arg21 : memref<!tpu.dma_semaphore, #tpu.memory_space<semaphore_mem>>) {add = true}
    }
    %scan3A_124 = arith.constant 97 : i32
    %dma_wait3A = arith.constant 0 : i32
    %dma_wait3A_125 = arith.constant 0 : i32
    %dma_wait3A_126 = tpu.memref_slice %arg2[%dma_wait3A, %dma_wait3A_125] : memref<6250x512xi32, #tpu.memory_space<hbm>> -> memref<1x512xi32, #tpu.memory_space<hbm>>
    %dma_wait3A_127 = arith.constant 0 : i32
    %dma_wait3A_128 = arith.constant 0 : i32
    %dma_wait3A_129 = tpu.memref_slice %arg2[%dma_wait3A_127, %dma_wait3A_128] : memref<6250x512xi32, #tpu.memory_space<hbm>> -> memref<1x512xi32, #tpu.memory_space<hbm>>
    tpu.wait_dma2 semaphore(%arg20 : memref<!tpu.dma_semaphore, #tpu.memory_space<semaphore_mem>>) src(%dma_wait3A_129 : memref<1x512xi32, #tpu.memory_space<hbm>>) dst(%arg16 : memref<1x512xi32, #tpu.memory_space<vmem>>)
    %dma_wait3A_130 = arith.constant 0 : i32
    %dma_wait3A_131 = arith.constant 0 : i32
    %dma_wait3A_132 = tpu.memref_slice %arg18[%dma_wait3A_130, %dma_wait3A_131] : memref<512x16xf32, #tpu.memory_space<vmem>> -> memref<512x1xf32, #tpu.memory_space<vmem>>
    %dma_wait3A_133 = arith.constant 0 : i32
    %dma_wait3A_134 = arith.constant 0 : i32
    %dma_wait3A_135 = tpu.memref_slice %arg3[%dma_wait3A_133, %dma_wait3A_134] : memref<3200000x1xf32, #tpu.memory_space<hbm>> -> memref<512x1xf32, #tpu.memory_space<hbm>>
    %dma_wait3A_136 = arith.constant 0 : i32
    %dma_wait3A_137 = arith.constant 0 : i32
    %dma_wait3A_138 = tpu.memref_slice %arg18[%dma_wait3A_136, %dma_wait3A_137] : memref<512x16xf32, #tpu.memory_space<vmem>> -> memref<512x1xf32, #tpu.memory_space<vmem>>
    %dma_wait3A_139 = arith.constant 0 : i32
    %dma_wait3A_140 = arith.constant 0 : i32
    %dma_wait3A_141 = tpu.memref_slice %arg3[%dma_wait3A_139, %dma_wait3A_140] : memref<3200000x1xf32, #tpu.memory_space<hbm>> -> memref<512x1xf32, #tpu.memory_space<hbm>>
    tpu.wait_dma2 semaphore(%arg20 : memref<!tpu.dma_semaphore, #tpu.memory_space<semaphore_mem>>) src(%dma_wait3A_141 : memref<512x1xf32, #tpu.memory_space<hbm>>) dst(%dma_wait3A_138 : memref<512x1xf32, #tpu.memory_space<vmem>>)
    %dma_wait3A_142 = arith.constant 0 : i32
    %dma_wait3A_143 = arith.constant 1 : i32
    %dma_wait3A_144 = tpu.memref_slice %arg18[%dma_wait3A_142, %dma_wait3A_143] : memref<512x16xf32, #tpu.memory_space<vmem>> -> memref<512x1xf32, #tpu.memory_space<vmem>>
    %dma_wait3A_145 = arith.constant 0 : i32
    %dma_wait3A_146 = arith.constant 0 : i32
    %dma_wait3A_147 = tpu.memref_slice %arg4[%dma_wait3A_145, %dma_wait3A_146] : memref<3200000x1xf32, #tpu.memory_space<hbm>> -> memref<512x1xf32, #tpu.memory_space<hbm>>
    %dma_wait3A_148 = arith.constant 0 : i32
    %dma_wait3A_149 = arith.constant 1 : i32
    %dma_wait3A_150 = tpu.memref_slice %arg18[%dma_wait3A_148, %dma_wait3A_149] : memref<512x16xf32, #tpu.memory_space<vmem>> -> memref<512x1xf32, #tpu.memory_space<vmem>>
    %dma_wait3A_151 = arith.constant 0 : i32
    %dma_wait3A_152 = arith.constant 0 : i32
    %dma_wait3A_153 = tpu.memref_slice %arg4[%dma_wait3A_151, %dma_wait3A_152] : memref<3200000x1xf32, #tpu.memory_space<hbm>> -> memref<512x1xf32, #tpu.memory_space<hbm>>
    tpu.wait_dma2 semaphore(%arg20 : memref<!tpu.dma_semaphore, #tpu.memory_space<semaphore_mem>>) src(%dma_wait3A_153 : memref<512x1xf32, #tpu.memory_space<hbm>>) dst(%dma_wait3A_150 : memref<512x1xf32, #tpu.memory_space<vmem>>)
    %dma_wait3A_154 = arith.constant 0 : i32
    %dma_wait3A_155 = arith.constant 2 : i32
    %dma_wait3A_156 = tpu.memref_slice %arg18[%dma_wait3A_154, %dma_wait3A_155] : memref<512x16xf32, #tpu.memory_space<vmem>> -> memref<512x1xf32, #tpu.memory_space<vmem>>
    %dma_wait3A_157 = arith.constant 0 : i32
    %dma_wait3A_158 = arith.constant 0 : i32
    %dma_wait3A_159 = tpu.memref_slice %arg5[%dma_wait3A_157, %dma_wait3A_158] : memref<3200000x1xf32, #tpu.memory_space<hbm>> -> memref<512x1xf32, #tpu.memory_space<hbm>>
    %dma_wait3A_160 = arith.constant 0 : i32
    %dma_wait3A_161 = arith.constant 2 : i32
    %dma_wait3A_162 = tpu.memref_slice %arg18[%dma_wait3A_160, %dma_wait3A_161] : memref<512x16xf32, #tpu.memory_space<vmem>> -> memref<512x1xf32, #tpu.memory_space<vmem>>
    %dma_wait3A_163 = arith.constant 0 : i32
    %dma_wait3A_164 = arith.constant 0 : i32
    %dma_wait3A_165 = tpu.memref_slice %arg5[%dma_wait3A_163, %dma_wait3A_164] : memref<3200000x1xf32, #tpu.memory_space<hbm>> -> memref<512x1xf32, #tpu.memory_space<hbm>>
    tpu.wait_dma2 semaphore(%arg20 : memref<!tpu.dma_semaphore, #tpu.memory_space<semaphore_mem>>) src(%dma_wait3A_165 : memref<512x1xf32, #tpu.memory_space<hbm>>) dst(%dma_wait3A_162 : memref<512x1xf32, #tpu.memory_space<vmem>>)
    %dma_wait3A_166 = arith.constant 0 : i32
    %dma_wait3A_167 = arith.constant 3 : i32
    %dma_wait3A_168 = tpu.memref_slice %arg18[%dma_wait3A_166, %dma_wait3A_167] : memref<512x16xf32, #tpu.memory_space<vmem>> -> memref<512x1xf32, #tpu.memory_space<vmem>>
    %dma_wait3A_169 = arith.constant 0 : i32
    %dma_wait3A_170 = arith.constant 0 : i32
    %dma_wait3A_171 = tpu.memref_slice %arg6[%dma_wait3A_169, %dma_wait3A_170] : memref<3200000x1xf32, #tpu.memory_space<hbm>> -> memref<512x1xf32, #tpu.memory_space<hbm>>
    %dma_wait3A_172 = arith.constant 0 : i32
    %dma_wait3A_173 = arith.constant 3 : i32
    %dma_wait3A_174 = tpu.memref_slice %arg18[%dma_wait3A_172, %dma_wait3A_173] : memref<512x16xf32, #tpu.memory_space<vmem>> -> memref<512x1xf32, #tpu.memory_space<vmem>>
    %dma_wait3A_175 = arith.constant 0 : i32
    %dma_wait3A_176 = arith.constant 0 : i32
    %dma_wait3A_177 = tpu.memref_slice %arg6[%dma_wait3A_175, %dma_wait3A_176] : memref<3200000x1xf32, #tpu.memory_space<hbm>> -> memref<512x1xf32, #tpu.memory_space<hbm>>
    tpu.wait_dma2 semaphore(%arg20 : memref<!tpu.dma_semaphore, #tpu.memory_space<semaphore_mem>>) src(%dma_wait3A_177 : memref<512x1xf32, #tpu.memory_space<hbm>>) dst(%dma_wait3A_174 : memref<512x1xf32, #tpu.memory_space<vmem>>)
    %dma_wait3A_178 = arith.constant 0 : i32
    %dma_wait3A_179 = arith.constant 4 : i32
    %dma_wait3A_180 = tpu.memref_slice %arg18[%dma_wait3A_178, %dma_wait3A_179] : memref<512x16xf32, #tpu.memory_space<vmem>> -> memref<512x1xf32, #tpu.memory_space<vmem>>
    %dma_wait3A_181 = arith.constant 0 : i32
    %dma_wait3A_182 = arith.constant 0 : i32
    %dma_wait3A_183 = tpu.memref_slice %arg7[%dma_wait3A_181, %dma_wait3A_182] : memref<3200000x1xf32, #tpu.memory_space<hbm>> -> memref<512x1xf32, #tpu.memory_space<hbm>>
    %dma_wait3A_184 = arith.constant 0 : i32
    %dma_wait3A_185 = arith.constant 4 : i32
    %dma_wait3A_186 = tpu.memref_slice %arg18[%dma_wait3A_184, %dma_wait3A_185] : memref<512x16xf32, #tpu.memory_space<vmem>> -> memref<512x1xf32, #tpu.memory_space<vmem>>
    %dma_wait3A_187 = arith.constant 0 : i32
    %dma_wait3A_188 = arith.constant 0 : i32
    %dma_wait3A_189 = tpu.memref_slice %arg7[%dma_wait3A_187, %dma_wait3A_188] : memref<3200000x1xf32, #tpu.memory_space<hbm>> -> memref<512x1xf32, #tpu.memory_space<hbm>>
    tpu.wait_dma2 semaphore(%arg20 : memref<!tpu.dma_semaphore, #tpu.memory_space<semaphore_mem>>) src(%dma_wait3A_189 : memref<512x1xf32, #tpu.memory_space<hbm>>) dst(%dma_wait3A_186 : memref<512x1xf32, #tpu.memory_space<vmem>>)
    %dma_wait3A_190 = arith.constant 0 : i32
    %dma_wait3A_191 = arith.constant 5 : i32
    %dma_wait3A_192 = tpu.memref_slice %arg18[%dma_wait3A_190, %dma_wait3A_191] : memref<512x16xf32, #tpu.memory_space<vmem>> -> memref<512x1xf32, #tpu.memory_space<vmem>>
    %dma_wait3A_193 = arith.constant 0 : i32
    %dma_wait3A_194 = arith.constant 0 : i32
    %dma_wait3A_195 = tpu.memref_slice %arg8[%dma_wait3A_193, %dma_wait3A_194] : memref<3200000x1xf32, #tpu.memory_space<hbm>> -> memref<512x1xf32, #tpu.memory_space<hbm>>
    %dma_wait3A_196 = arith.constant 0 : i32
    %dma_wait3A_197 = arith.constant 5 : i32
    %dma_wait3A_198 = tpu.memref_slice %arg18[%dma_wait3A_196, %dma_wait3A_197] : memref<512x16xf32, #tpu.memory_space<vmem>> -> memref<512x1xf32, #tpu.memory_space<vmem>>
    %dma_wait3A_199 = arith.constant 0 : i32
    %dma_wait3A_200 = arith.constant 0 : i32
    %dma_wait3A_201 = tpu.memref_slice %arg8[%dma_wait3A_199, %dma_wait3A_200] : memref<3200000x1xf32, #tpu.memory_space<hbm>> -> memref<512x1xf32, #tpu.memory_space<hbm>>
    tpu.wait_dma2 semaphore(%arg20 : memref<!tpu.dma_semaphore, #tpu.memory_space<semaphore_mem>>) src(%dma_wait3A_201 : memref<512x1xf32, #tpu.memory_space<hbm>>) dst(%dma_wait3A_198 : memref<512x1xf32, #tpu.memory_space<vmem>>)
    %dma_wait3A_202 = arith.constant 0 : i32
    %dma_wait3A_203 = arith.constant 8 : i32
    %dma_wait3A_204 = tpu.memref_slice %arg18[%dma_wait3A_202, %dma_wait3A_203] : memref<512x16xf32, #tpu.memory_space<vmem>> -> memref<512x1xf32, #tpu.memory_space<vmem>>
    %dma_wait3A_205 = arith.constant 0 : i32
    %dma_wait3A_206 = arith.constant 0 : i32
    %dma_wait3A_207 = tpu.memref_slice %arg9[%dma_wait3A_205, %dma_wait3A_206] : memref<3200000x1xf32, #tpu.memory_space<hbm>> -> memref<512x1xf32, #tpu.memory_space<hbm>>
    %dma_wait3A_208 = arith.constant 0 : i32
    %dma_wait3A_209 = arith.constant 8 : i32
    %dma_wait3A_210 = tpu.memref_slice %arg18[%dma_wait3A_208, %dma_wait3A_209] : memref<512x16xf32, #tpu.memory_space<vmem>> -> memref<512x1xf32, #tpu.memory_space<vmem>>
    %dma_wait3A_211 = arith.constant 0 : i32
    %dma_wait3A_212 = arith.constant 0 : i32
    %dma_wait3A_213 = tpu.memref_slice %arg9[%dma_wait3A_211, %dma_wait3A_212] : memref<3200000x1xf32, #tpu.memory_space<hbm>> -> memref<512x1xf32, #tpu.memory_space<hbm>>
    tpu.wait_dma2 semaphore(%arg20 : memref<!tpu.dma_semaphore, #tpu.memory_space<semaphore_mem>>) src(%dma_wait3A_213 : memref<512x1xf32, #tpu.memory_space<hbm>>) dst(%dma_wait3A_210 : memref<512x1xf32, #tpu.memory_space<vmem>>)
    %dma_wait3A_214 = arith.constant 0 : i32
    %dma_wait3A_215 = arith.constant 9 : i32
    %dma_wait3A_216 = tpu.memref_slice %arg18[%dma_wait3A_214, %dma_wait3A_215] : memref<512x16xf32, #tpu.memory_space<vmem>> -> memref<512x1xf32, #tpu.memory_space<vmem>>
    %dma_wait3A_217 = arith.constant 0 : i32
    %dma_wait3A_218 = arith.constant 0 : i32
    %dma_wait3A_219 = tpu.memref_slice %arg10[%dma_wait3A_217, %dma_wait3A_218] : memref<3200000x1xf32, #tpu.memory_space<hbm>> -> memref<512x1xf32, #tpu.memory_space<hbm>>
    %dma_wait3A_220 = arith.constant 0 : i32
    %dma_wait3A_221 = arith.constant 9 : i32
    %dma_wait3A_222 = tpu.memref_slice %arg18[%dma_wait3A_220, %dma_wait3A_221] : memref<512x16xf32, #tpu.memory_space<vmem>> -> memref<512x1xf32, #tpu.memory_space<vmem>>
    %dma_wait3A_223 = arith.constant 0 : i32
    %dma_wait3A_224 = arith.constant 0 : i32
    %dma_wait3A_225 = tpu.memref_slice %arg10[%dma_wait3A_223, %dma_wait3A_224] : memref<3200000x1xf32, #tpu.memory_space<hbm>> -> memref<512x1xf32, #tpu.memory_space<hbm>>
    tpu.wait_dma2 semaphore(%arg20 : memref<!tpu.dma_semaphore, #tpu.memory_space<semaphore_mem>>) src(%dma_wait3A_225 : memref<512x1xf32, #tpu.memory_space<hbm>>) dst(%dma_wait3A_222 : memref<512x1xf32, #tpu.memory_space<vmem>>)
    %dma_wait3A_226 = arith.constant 0 : i32
    %dma_wait3A_227 = arith.constant 10 : i32
    %dma_wait3A_228 = tpu.memref_slice %arg18[%dma_wait3A_226, %dma_wait3A_227] : memref<512x16xf32, #tpu.memory_space<vmem>> -> memref<512x1xf32, #tpu.memory_space<vmem>>
    %dma_wait3A_229 = arith.constant 0 : i32
    %dma_wait3A_230 = arith.constant 0 : i32
    %dma_wait3A_231 = tpu.memref_slice %arg11[%dma_wait3A_229, %dma_wait3A_230] : memref<3200000x1xf32, #tpu.memory_space<hbm>> -> memref<512x1xf32, #tpu.memory_space<hbm>>
    %dma_wait3A_232 = arith.constant 0 : i32
    %dma_wait3A_233 = arith.constant 10 : i32
    %dma_wait3A_234 = tpu.memref_slice %arg18[%dma_wait3A_232, %dma_wait3A_233] : memref<512x16xf32, #tpu.memory_space<vmem>> -> memref<512x1xf32, #tpu.memory_space<vmem>>
    %dma_wait3A_235 = arith.constant 0 : i32
    %dma_wait3A_236 = arith.constant 0 : i32
    %dma_wait3A_237 = tpu.memref_slice %arg11[%dma_wait3A_235, %dma_wait3A_236] : memref<3200000x1xf32, #tpu.memory_space<hbm>> -> memref<512x1xf32, #tpu.memory_space<hbm>>
    tpu.wait_dma2 semaphore(%arg20 : memref<!tpu.dma_semaphore, #tpu.memory_space<semaphore_mem>>) src(%dma_wait3A_237 : memref<512x1xf32, #tpu.memory_space<hbm>>) dst(%dma_wait3A_234 : memref<512x1xf32, #tpu.memory_space<vmem>>)
    %dma_wait3A_238 = arith.constant 0 : i32
    %dma_wait3A_239 = arith.constant 0 : i32
    %dma_wait3A_240 = tpu.memref_slice %arg16[%dma_wait3A_238, %dma_wait3A_239] : memref<1x512xi32, #tpu.memory_space<vmem>> -> memref<1x512xi32, #tpu.memory_space<vmem>>
    %dma_wait3A_241 = tpu.memref_squeeze %dma_wait3A_240 : memref<1x512xi32, #tpu.memory_space<vmem>> -> memref<512xi32, #tpu.memory_space<vmem>>
    %dma_wait3A_242 = arith.constant 0 : i32
    %dma_wait3A_243 = arith.constant 0 : i32
    %dma_wait3A_244 = tpu.memref_slice %arg15[%dma_wait3A_242, %dma_wait3A_243] : memref<100000x16xf32, #tpu.memory_space<vmem_shared>> -> memref<100000x16xf32, #tpu.memory_space<vmem_shared>>
    tpu.wait_indirect_dma semaphore(%arg21 : memref<!tpu.dma_semaphore, #tpu.memory_space<semaphore_mem>>) src(%arg18 : memref<512x16xf32, #tpu.memory_space<vmem>>) dst(%dma_wait3A_244 : memref<100000x16xf32, #tpu.memory_space<vmem_shared>>)
    %lt3A_245 = arith.constant 10 : i32
    %lt3A_246 = arith.cmpi slt, %add3A, %lt3A_245 : i32
    %convert_element_type3A_247 = arith.extui %lt3A_246 : i1 to i32
    %cond3A_248 = arith.constant 0 : i32
    %cond3A_249 = arith.cmpi ne, %convert_element_type3A_247, %cond3A_248 : i32
    scf.if %cond3A_249 {
      %add3A_277 = arith.constant 6240 : i32
      %add3A_278 = arith.addi %add3A, %add3A_277 : i32
      %dma_start3A_279 = arith.constant 0 : i32
      %dma_start3A_280 = tpu.memref_slice %arg2[%add3A_278, %dma_start3A_279] : memref<6250x512xi32, #tpu.memory_space<hbm>> -> memref<1x512xi32, #tpu.memory_space<hbm>>
      %dma_start3A_281 = arith.constant 0 : i32
      %dma_start3A_282 = tpu.memref_slice %arg2[%add3A_278, %dma_start3A_281] : memref<6250x512xi32, #tpu.memory_space<hbm>> -> memref<1x512xi32, #tpu.memory_space<hbm>>
      tpu.enqueue_dma source(%dma_start3A_282 : memref<1x512xi32, #tpu.memory_space<hbm>>) target(%arg17 : memref<1x512xi32, #tpu.memory_space<vmem>>) target_semaphore(%arg20 : memref<!tpu.dma_semaphore, #tpu.memory_space<semaphore_mem>>)
      %mul3A_283 = arith.constant 512 : i32
      %mul3A_284 = arith.muli %add3A_278, %mul3A_283 : i32
      %dma_start3A_285 = arith.constant 0 : i32
      %dma_start3A_286 = arith.constant 0 : i32
      %dma_start3A_287 = tpu.memref_slice %arg19[%dma_start3A_285, %dma_start3A_286] : memref<512x16xf32, #tpu.memory_space<vmem>> -> memref<512x1xf32, #tpu.memory_space<vmem>>
      %dma_start3A_288 = arith.constant 0 : i32
      %dma_start3A_289 = tpu.memref_slice %arg3[%mul3A_284, %dma_start3A_288] : memref<3200000x1xf32, #tpu.memory_space<hbm>> -> memref<512x1xf32, #tpu.memory_space<hbm>>
      %dma_start3A_290 = arith.constant 0 : i32
      %dma_start3A_291 = arith.constant 0 : i32
      %dma_start3A_292 = tpu.memref_slice %arg19[%dma_start3A_290, %dma_start3A_291] : memref<512x16xf32, #tpu.memory_space<vmem>> -> memref<512x1xf32, #tpu.memory_space<vmem>>
      %dma_start3A_293 = arith.constant 0 : i32
      %dma_start3A_294 = tpu.memref_slice %arg3[%mul3A_284, %dma_start3A_293] : memref<3200000x1xf32, #tpu.memory_space<hbm>> -> memref<512x1xf32, #tpu.memory_space<hbm>>
      tpu.enqueue_dma source(%dma_start3A_294 : memref<512x1xf32, #tpu.memory_space<hbm>>) target(%dma_start3A_292 : memref<512x1xf32, #tpu.memory_space<vmem>>) target_semaphore(%arg20 : memref<!tpu.dma_semaphore, #tpu.memory_space<semaphore_mem>>)
      %mul3A_295 = arith.constant 512 : i32
      %mul3A_296 = arith.muli %add3A_278, %mul3A_295 : i32
      %dma_start3A_297 = arith.constant 0 : i32
      %dma_start3A_298 = arith.constant 1 : i32
      %dma_start3A_299 = tpu.memref_slice %arg19[%dma_start3A_297, %dma_start3A_298] : memref<512x16xf32, #tpu.memory_space<vmem>> -> memref<512x1xf32, #tpu.memory_space<vmem>>
      %dma_start3A_300 = arith.constant 0 : i32
      %dma_start3A_301 = tpu.memref_slice %arg4[%mul3A_296, %dma_start3A_300] : memref<3200000x1xf32, #tpu.memory_space<hbm>> -> memref<512x1xf32, #tpu.memory_space<hbm>>
      %dma_start3A_302 = arith.constant 0 : i32
      %dma_start3A_303 = arith.constant 1 : i32
      %dma_start3A_304 = tpu.memref_slice %arg19[%dma_start3A_302, %dma_start3A_303] : memref<512x16xf32, #tpu.memory_space<vmem>> -> memref<512x1xf32, #tpu.memory_space<vmem>>
      %dma_start3A_305 = arith.constant 0 : i32
      %dma_start3A_306 = tpu.memref_slice %arg4[%mul3A_296, %dma_start3A_305] : memref<3200000x1xf32, #tpu.memory_space<hbm>> -> memref<512x1xf32, #tpu.memory_space<hbm>>
      tpu.enqueue_dma source(%dma_start3A_306 : memref<512x1xf32, #tpu.memory_space<hbm>>) target(%dma_start3A_304 : memref<512x1xf32, #tpu.memory_space<vmem>>) target_semaphore(%arg20 : memref<!tpu.dma_semaphore, #tpu.memory_space<semaphore_mem>>)
      %mul3A_307 = arith.constant 512 : i32
      %mul3A_308 = arith.muli %add3A_278, %mul3A_307 : i32
      %dma_start3A_309 = arith.constant 0 : i32
      %dma_start3A_310 = arith.constant 2 : i32
      %dma_start3A_311 = tpu.memref_slice %arg19[%dma_start3A_309, %dma_start3A_310] : memref<512x16xf32, #tpu.memory_space<vmem>> -> memref<512x1xf32, #tpu.memory_space<vmem>>
      %dma_start3A_312 = arith.constant 0 : i32
      %dma_start3A_313 = tpu.memref_slice %arg5[%mul3A_308, %dma_start3A_312] : memref<3200000x1xf32, #tpu.memory_space<hbm>> -> memref<512x1xf32, #tpu.memory_space<hbm>>
      %dma_start3A_314 = arith.constant 0 : i32
      %dma_start3A_315 = arith.constant 2 : i32
      %dma_start3A_316 = tpu.memref_slice %arg19[%dma_start3A_314, %dma_start3A_315] : memref<512x16xf32, #tpu.memory_space<vmem>> -> memref<512x1xf32, #tpu.memory_space<vmem>>
      %dma_start3A_317 = arith.constant 0 : i32
      %dma_start3A_318 = tpu.memref_slice %arg5[%mul3A_308, %dma_start3A_317] : memref<3200000x1xf32, #tpu.memory_space<hbm>> -> memref<512x1xf32, #tpu.memory_space<hbm>>
      tpu.enqueue_dma source(%dma_start3A_318 : memref<512x1xf32, #tpu.memory_space<hbm>>) target(%dma_start3A_316 : memref<512x1xf32, #tpu.memory_space<vmem>>) target_semaphore(%arg20 : memref<!tpu.dma_semaphore, #tpu.memory_space<semaphore_mem>>)
      %mul3A_319 = arith.constant 512 : i32
      %mul3A_320 = arith.muli %add3A_278, %mul3A_319 : i32
      %dma_start3A_321 = arith.constant 0 : i32
      %dma_start3A_322 = arith.constant 3 : i32
      %dma_start3A_323 = tpu.memref_slice %arg19[%dma_start3A_321, %dma_start3A_322] : memref<512x16xf32, #tpu.memory_space<vmem>> -> memref<512x1xf32, #tpu.memory_space<vmem>>
      %dma_start3A_324 = arith.constant 0 : i32
      %dma_start3A_325 = tpu.memref_slice %arg6[%mul3A_320, %dma_start3A_324] : memref<3200000x1xf32, #tpu.memory_space<hbm>> -> memref<512x1xf32, #tpu.memory_space<hbm>>
      %dma_start3A_326 = arith.constant 0 : i32
      %dma_start3A_327 = arith.constant 3 : i32
      %dma_start3A_328 = tpu.memref_slice %arg19[%dma_start3A_326, %dma_start3A_327] : memref<512x16xf32, #tpu.memory_space<vmem>> -> memref<512x1xf32, #tpu.memory_space<vmem>>
      %dma_start3A_329 = arith.constant 0 : i32
      %dma_start3A_330 = tpu.memref_slice %arg6[%mul3A_320, %dma_start3A_329] : memref<3200000x1xf32, #tpu.memory_space<hbm>> -> memref<512x1xf32, #tpu.memory_space<hbm>>
      tpu.enqueue_dma source(%dma_start3A_330 : memref<512x1xf32, #tpu.memory_space<hbm>>) target(%dma_start3A_328 : memref<512x1xf32, #tpu.memory_space<vmem>>) target_semaphore(%arg20 : memref<!tpu.dma_semaphore, #tpu.memory_space<semaphore_mem>>)
      %mul3A_331 = arith.constant 512 : i32
      %mul3A_332 = arith.muli %add3A_278, %mul3A_331 : i32
      %dma_start3A_333 = arith.constant 0 : i32
      %dma_start3A_334 = arith.constant 4 : i32
      %dma_start3A_335 = tpu.memref_slice %arg19[%dma_start3A_333, %dma_start3A_334] : memref<512x16xf32, #tpu.memory_space<vmem>> -> memref<512x1xf32, #tpu.memory_space<vmem>>
      %dma_start3A_336 = arith.constant 0 : i32
      %dma_start3A_337 = tpu.memref_slice %arg7[%mul3A_332, %dma_start3A_336] : memref<3200000x1xf32, #tpu.memory_space<hbm>> -> memref<512x1xf32, #tpu.memory_space<hbm>>
      %dma_start3A_338 = arith.constant 0 : i32
      %dma_start3A_339 = arith.constant 4 : i32
      %dma_start3A_340 = tpu.memref_slice %arg19[%dma_start3A_338, %dma_start3A_339] : memref<512x16xf32, #tpu.memory_space<vmem>> -> memref<512x1xf32, #tpu.memory_space<vmem>>
      %dma_start3A_341 = arith.constant 0 : i32
      %dma_start3A_342 = tpu.memref_slice %arg7[%mul3A_332, %dma_start3A_341] : memref<3200000x1xf32, #tpu.memory_space<hbm>> -> memref<512x1xf32, #tpu.memory_space<hbm>>
      tpu.enqueue_dma source(%dma_start3A_342 : memref<512x1xf32, #tpu.memory_space<hbm>>) target(%dma_start3A_340 : memref<512x1xf32, #tpu.memory_space<vmem>>) target_semaphore(%arg20 : memref<!tpu.dma_semaphore, #tpu.memory_space<semaphore_mem>>)
      %mul3A_343 = arith.constant 512 : i32
      %mul3A_344 = arith.muli %add3A_278, %mul3A_343 : i32
      %dma_start3A_345 = arith.constant 0 : i32
      %dma_start3A_346 = arith.constant 5 : i32
      %dma_start3A_347 = tpu.memref_slice %arg19[%dma_start3A_345, %dma_start3A_346] : memref<512x16xf32, #tpu.memory_space<vmem>> -> memref<512x1xf32, #tpu.memory_space<vmem>>
      %dma_start3A_348 = arith.constant 0 : i32
      %dma_start3A_349 = tpu.memref_slice %arg8[%mul3A_344, %dma_start3A_348] : memref<3200000x1xf32, #tpu.memory_space<hbm>> -> memref<512x1xf32, #tpu.memory_space<hbm>>
      %dma_start3A_350 = arith.constant 0 : i32
      %dma_start3A_351 = arith.constant 5 : i32
      %dma_start3A_352 = tpu.memref_slice %arg19[%dma_start3A_350, %dma_start3A_351] : memref<512x16xf32, #tpu.memory_space<vmem>> -> memref<512x1xf32, #tpu.memory_space<vmem>>
      %dma_start3A_353 = arith.constant 0 : i32
      %dma_start3A_354 = tpu.memref_slice %arg8[%mul3A_344, %dma_start3A_353] : memref<3200000x1xf32, #tpu.memory_space<hbm>> -> memref<512x1xf32, #tpu.memory_space<hbm>>
      tpu.enqueue_dma source(%dma_start3A_354 : memref<512x1xf32, #tpu.memory_space<hbm>>) target(%dma_start3A_352 : memref<512x1xf32, #tpu.memory_space<vmem>>) target_semaphore(%arg20 : memref<!tpu.dma_semaphore, #tpu.memory_space<semaphore_mem>>)
      %mul3A_355 = arith.constant 512 : i32
      %mul3A_356 = arith.muli %add3A_278, %mul3A_355 : i32
      %dma_start3A_357 = arith.constant 0 : i32
      %dma_start3A_358 = arith.constant 8 : i32
      %dma_start3A_359 = tpu.memref_slice %arg19[%dma_start3A_357, %dma_start3A_358] : memref<512x16xf32, #tpu.memory_space<vmem>> -> memref<512x1xf32, #tpu.memory_space<vmem>>
      %dma_start3A_360 = arith.constant 0 : i32
      %dma_start3A_361 = tpu.memref_slice %arg9[%mul3A_356, %dma_start3A_360] : memref<3200000x1xf32, #tpu.memory_space<hbm>> -> memref<512x1xf32, #tpu.memory_space<hbm>>
      %dma_start3A_362 = arith.constant 0 : i32
      %dma_start3A_363 = arith.constant 8 : i32
      %dma_start3A_364 = tpu.memref_slice %arg19[%dma_start3A_362, %dma_start3A_363] : memref<512x16xf32, #tpu.memory_space<vmem>> -> memref<512x1xf32, #tpu.memory_space<vmem>>
      %dma_start3A_365 = arith.constant 0 : i32
      %dma_start3A_366 = tpu.memref_slice %arg9[%mul3A_356, %dma_start3A_365] : memref<3200000x1xf32, #tpu.memory_space<hbm>> -> memref<512x1xf32, #tpu.memory_space<hbm>>
      tpu.enqueue_dma source(%dma_start3A_366 : memref<512x1xf32, #tpu.memory_space<hbm>>) target(%dma_start3A_364 : memref<512x1xf32, #tpu.memory_space<vmem>>) target_semaphore(%arg20 : memref<!tpu.dma_semaphore, #tpu.memory_space<semaphore_mem>>)
      %mul3A_367 = arith.constant 512 : i32
      %mul3A_368 = arith.muli %add3A_278, %mul3A_367 : i32
      %dma_start3A_369 = arith.constant 0 : i32
      %dma_start3A_370 = arith.constant 9 : i32
      %dma_start3A_371 = tpu.memref_slice %arg19[%dma_start3A_369, %dma_start3A_370] : memref<512x16xf32, #tpu.memory_space<vmem>> -> memref<512x1xf32, #tpu.memory_space<vmem>>
      %dma_start3A_372 = arith.constant 0 : i32
      %dma_start3A_373 = tpu.memref_slice %arg10[%mul3A_368, %dma_start3A_372] : memref<3200000x1xf32, #tpu.memory_space<hbm>> -> memref<512x1xf32, #tpu.memory_space<hbm>>
      %dma_start3A_374 = arith.constant 0 : i32
      %dma_start3A_375 = arith.constant 9 : i32
      %dma_start3A_376 = tpu.memref_slice %arg19[%dma_start3A_374, %dma_start3A_375] : memref<512x16xf32, #tpu.memory_space<vmem>> -> memref<512x1xf32, #tpu.memory_space<vmem>>
      %dma_start3A_377 = arith.constant 0 : i32
      %dma_start3A_378 = tpu.memref_slice %arg10[%mul3A_368, %dma_start3A_377] : memref<3200000x1xf32, #tpu.memory_space<hbm>> -> memref<512x1xf32, #tpu.memory_space<hbm>>
      tpu.enqueue_dma source(%dma_start3A_378 : memref<512x1xf32, #tpu.memory_space<hbm>>) target(%dma_start3A_376 : memref<512x1xf32, #tpu.memory_space<vmem>>) target_semaphore(%arg20 : memref<!tpu.dma_semaphore, #tpu.memory_space<semaphore_mem>>)
      %mul3A_379 = arith.constant 512 : i32
      %mul3A_380 = arith.muli %add3A_278, %mul3A_379 : i32
      %dma_start3A_381 = arith.constant 0 : i32
      %dma_start3A_382 = arith.constant 10 : i32
      %dma_start3A_383 = tpu.memref_slice %arg19[%dma_start3A_381, %dma_start3A_382] : memref<512x16xf32, #tpu.memory_space<vmem>> -> memref<512x1xf32, #tpu.memory_space<vmem>>
      %dma_start3A_384 = arith.constant 0 : i32
      %dma_start3A_385 = tpu.memref_slice %arg11[%mul3A_380, %dma_start3A_384] : memref<3200000x1xf32, #tpu.memory_space<hbm>> -> memref<512x1xf32, #tpu.memory_space<hbm>>
      %dma_start3A_386 = arith.constant 0 : i32
      %dma_start3A_387 = arith.constant 10 : i32
      %dma_start3A_388 = tpu.memref_slice %arg19[%dma_start3A_386, %dma_start3A_387] : memref<512x16xf32, #tpu.memory_space<vmem>> -> memref<512x1xf32, #tpu.memory_space<vmem>>
      %dma_start3A_389 = arith.constant 0 : i32
      %dma_start3A_390 = tpu.memref_slice %arg11[%mul3A_380, %dma_start3A_389] : memref<3200000x1xf32, #tpu.memory_space<hbm>> -> memref<512x1xf32, #tpu.memory_space<hbm>>
      tpu.enqueue_dma source(%dma_start3A_390 : memref<512x1xf32, #tpu.memory_space<hbm>>) target(%dma_start3A_388 : memref<512x1xf32, #tpu.memory_space<vmem>>) target_semaphore(%arg20 : memref<!tpu.dma_semaphore, #tpu.memory_space<semaphore_mem>>)
    } else {
    }
    %dma_start3A_250 = arith.constant 0 : i32
    %dma_start3A_251 = arith.constant 0 : i32
    %dma_start3A_252 = tpu.memref_slice %arg16[%dma_start3A_250, %dma_start3A_251] : memref<1x512xi32, #tpu.memory_space<vmem>> -> memref<1x512xi32, #tpu.memory_space<vmem>>
    %dma_start3A_253 = tpu.memref_squeeze %dma_start3A_252 : memref<1x512xi32, #tpu.memory_space<vmem>> -> memref<512xi32, #tpu.memory_space<vmem>>
    %dma_start3A_254 = arith.constant 0 : i32
    %dma_start3A_255 = arith.constant 0 : i32
    %dma_start3A_256 = tpu.memref_slice %arg15[%dma_start3A_254, %dma_start3A_255] : memref<100000x16xf32, #tpu.memory_space<vmem_shared>> -> memref<100000x16xf32, #tpu.memory_space<vmem_shared>>
    tpu.enqueue_indirect_dma source(%arg18 : memref<512x16xf32, #tpu.memory_space<vmem>>) target(%dma_start3A_256 : memref<100000x16xf32, #tpu.memory_space<vmem_shared>>) offsets(%dma_start3A_253 : memref<512xi32, #tpu.memory_space<vmem>>) semaphore(%arg21 : memref<!tpu.dma_semaphore, #tpu.memory_space<semaphore_mem>>) {add = true}
    %lt3A_257 = arith.constant 10 : i32
    %lt3A_258 = arith.cmpi slt, %add3A, %lt3A_257 : i32
    %convert_element_type3A_259 = arith.extui %lt3A_258 : i1 to i32
    %cond3A_260 = arith.constant 0 : i32
    %cond3A_261 = arith.cmpi ne, %convert_element_type3A_259, %cond3A_260 : i32
    scf.if %cond3A_261 {
      %dma_wait3A_277 = arith.constant 0 : i32
      %dma_wait3A_278 = arith.constant 0 : i32
      %dma_wait3A_279 = tpu.memref_slice %arg2[%dma_wait3A_277, %dma_wait3A_278] : memref<6250x512xi32, #tpu.memory_space<hbm>> -> memref<1x512xi32, #tpu.memory_space<hbm>>
      %dma_wait3A_280 = arith.constant 0 : i32
      %dma_wait3A_281 = arith.constant 0 : i32
      %dma_wait3A_282 = tpu.memref_slice %arg2[%dma_wait3A_280, %dma_wait3A_281] : memref<6250x512xi32, #tpu.memory_space<hbm>> -> memref<1x512xi32, #tpu.memory_space<hbm>>
      tpu.wait_dma2 semaphore(%arg20 : memref<!tpu.dma_semaphore, #tpu.memory_space<semaphore_mem>>) src(%dma_wait3A_282 : memref<1x512xi32, #tpu.memory_space<hbm>>) dst(%arg16 : memref<1x512xi32, #tpu.memory_space<vmem>>)
      %dma_wait3A_283 = arith.constant 0 : i32
      %dma_wait3A_284 = arith.constant 0 : i32
      %dma_wait3A_285 = tpu.memref_slice %arg18[%dma_wait3A_283, %dma_wait3A_284] : memref<512x16xf32, #tpu.memory_space<vmem>> -> memref<512x1xf32, #tpu.memory_space<vmem>>
      %dma_wait3A_286 = arith.constant 0 : i32
      %dma_wait3A_287 = arith.constant 0 : i32
      %dma_wait3A_288 = tpu.memref_slice %arg3[%dma_wait3A_286, %dma_wait3A_287] : memref<3200000x1xf32, #tpu.memory_space<hbm>> -> memref<512x1xf32, #tpu.memory_space<hbm>>
      %dma_wait3A_289 = arith.constant 0 : i32
      %dma_wait3A_290 = arith.constant 0 : i32
      %dma_wait3A_291 = tpu.memref_slice %arg18[%dma_wait3A_289, %dma_wait3A_290] : memref<512x16xf32, #tpu.memory_space<vmem>> -> memref<512x1xf32, #tpu.memory_space<vmem>>
      %dma_wait3A_292 = arith.constant 0 : i32
      %dma_wait3A_293 = arith.constant 0 : i32
      %dma_wait3A_294 = tpu.memref_slice %arg3[%dma_wait3A_292, %dma_wait3A_293] : memref<3200000x1xf32, #tpu.memory_space<hbm>> -> memref<512x1xf32, #tpu.memory_space<hbm>>
      tpu.wait_dma2 semaphore(%arg20 : memref<!tpu.dma_semaphore, #tpu.memory_space<semaphore_mem>>) src(%dma_wait3A_294 : memref<512x1xf32, #tpu.memory_space<hbm>>) dst(%dma_wait3A_291 : memref<512x1xf32, #tpu.memory_space<vmem>>)
      %dma_wait3A_295 = arith.constant 0 : i32
      %dma_wait3A_296 = arith.constant 1 : i32
      %dma_wait3A_297 = tpu.memref_slice %arg18[%dma_wait3A_295, %dma_wait3A_296] : memref<512x16xf32, #tpu.memory_space<vmem>> -> memref<512x1xf32, #tpu.memory_space<vmem>>
      %dma_wait3A_298 = arith.constant 0 : i32
      %dma_wait3A_299 = arith.constant 0 : i32
      %dma_wait3A_300 = tpu.memref_slice %arg4[%dma_wait3A_298, %dma_wait3A_299] : memref<3200000x1xf32, #tpu.memory_space<hbm>> -> memref<512x1xf32, #tpu.memory_space<hbm>>
      %dma_wait3A_301 = arith.constant 0 : i32
      %dma_wait3A_302 = arith.constant 1 : i32
      %dma_wait3A_303 = tpu.memref_slice %arg18[%dma_wait3A_301, %dma_wait3A_302] : memref<512x16xf32, #tpu.memory_space<vmem>> -> memref<512x1xf32, #tpu.memory_space<vmem>>
      %dma_wait3A_304 = arith.constant 0 : i32
      %dma_wait3A_305 = arith.constant 0 : i32
      %dma_wait3A_306 = tpu.memref_slice %arg4[%dma_wait3A_304, %dma_wait3A_305] : memref<3200000x1xf32, #tpu.memory_space<hbm>> -> memref<512x1xf32, #tpu.memory_space<hbm>>
      tpu.wait_dma2 semaphore(%arg20 : memref<!tpu.dma_semaphore, #tpu.memory_space<semaphore_mem>>) src(%dma_wait3A_306 : memref<512x1xf32, #tpu.memory_space<hbm>>) dst(%dma_wait3A_303 : memref<512x1xf32, #tpu.memory_space<vmem>>)
      %dma_wait3A_307 = arith.constant 0 : i32
      %dma_wait3A_308 = arith.constant 2 : i32
      %dma_wait3A_309 = tpu.memref_slice %arg18[%dma_wait3A_307, %dma_wait3A_308] : memref<512x16xf32, #tpu.memory_space<vmem>> -> memref<512x1xf32, #tpu.memory_space<vmem>>
      %dma_wait3A_310 = arith.constant 0 : i32
      %dma_wait3A_311 = arith.constant 0 : i32
      %dma_wait3A_312 = tpu.memref_slice %arg5[%dma_wait3A_310, %dma_wait3A_311] : memref<3200000x1xf32, #tpu.memory_space<hbm>> -> memref<512x1xf32, #tpu.memory_space<hbm>>
      %dma_wait3A_313 = arith.constant 0 : i32
      %dma_wait3A_314 = arith.constant 2 : i32
      %dma_wait3A_315 = tpu.memref_slice %arg18[%dma_wait3A_313, %dma_wait3A_314] : memref<512x16xf32, #tpu.memory_space<vmem>> -> memref<512x1xf32, #tpu.memory_space<vmem>>
      %dma_wait3A_316 = arith.constant 0 : i32
      %dma_wait3A_317 = arith.constant 0 : i32
      %dma_wait3A_318 = tpu.memref_slice %arg5[%dma_wait3A_316, %dma_wait3A_317] : memref<3200000x1xf32, #tpu.memory_space<hbm>> -> memref<512x1xf32, #tpu.memory_space<hbm>>
      tpu.wait_dma2 semaphore(%arg20 : memref<!tpu.dma_semaphore, #tpu.memory_space<semaphore_mem>>) src(%dma_wait3A_318 : memref<512x1xf32, #tpu.memory_space<hbm>>) dst(%dma_wait3A_315 : memref<512x1xf32, #tpu.memory_space<vmem>>)
      %dma_wait3A_319 = arith.constant 0 : i32
      %dma_wait3A_320 = arith.constant 3 : i32
      %dma_wait3A_321 = tpu.memref_slice %arg18[%dma_wait3A_319, %dma_wait3A_320] : memref<512x16xf32, #tpu.memory_space<vmem>> -> memref<512x1xf32, #tpu.memory_space<vmem>>
      %dma_wait3A_322 = arith.constant 0 : i32
      %dma_wait3A_323 = arith.constant 0 : i32
      %dma_wait3A_324 = tpu.memref_slice %arg6[%dma_wait3A_322, %dma_wait3A_323] : memref<3200000x1xf32, #tpu.memory_space<hbm>> -> memref<512x1xf32, #tpu.memory_space<hbm>>
      %dma_wait3A_325 = arith.constant 0 : i32
      %dma_wait3A_326 = arith.constant 3 : i32
      %dma_wait3A_327 = tpu.memref_slice %arg18[%dma_wait3A_325, %dma_wait3A_326] : memref<512x16xf32, #tpu.memory_space<vmem>> -> memref<512x1xf32, #tpu.memory_space<vmem>>
      %dma_wait3A_328 = arith.constant 0 : i32
      %dma_wait3A_329 = arith.constant 0 : i32
      %dma_wait3A_330 = tpu.memref_slice %arg6[%dma_wait3A_328, %dma_wait3A_329] : memref<3200000x1xf32, #tpu.memory_space<hbm>> -> memref<512x1xf32, #tpu.memory_space<hbm>>
      tpu.wait_dma2 semaphore(%arg20 : memref<!tpu.dma_semaphore, #tpu.memory_space<semaphore_mem>>) src(%dma_wait3A_330 : memref<512x1xf32, #tpu.memory_space<hbm>>) dst(%dma_wait3A_327 : memref<512x1xf32, #tpu.memory_space<vmem>>)
      %dma_wait3A_331 = arith.constant 0 : i32
      %dma_wait3A_332 = arith.constant 4 : i32
      %dma_wait3A_333 = tpu.memref_slice %arg18[%dma_wait3A_331, %dma_wait3A_332] : memref<512x16xf32, #tpu.memory_space<vmem>> -> memref<512x1xf32, #tpu.memory_space<vmem>>
      %dma_wait3A_334 = arith.constant 0 : i32
      %dma_wait3A_335 = arith.constant 0 : i32
      %dma_wait3A_336 = tpu.memref_slice %arg7[%dma_wait3A_334, %dma_wait3A_335] : memref<3200000x1xf32, #tpu.memory_space<hbm>> -> memref<512x1xf32, #tpu.memory_space<hbm>>
      %dma_wait3A_337 = arith.constant 0 : i32
      %dma_wait3A_338 = arith.constant 4 : i32
      %dma_wait3A_339 = tpu.memref_slice %arg18[%dma_wait3A_337, %dma_wait3A_338] : memref<512x16xf32, #tpu.memory_space<vmem>> -> memref<512x1xf32, #tpu.memory_space<vmem>>
      %dma_wait3A_340 = arith.constant 0 : i32
      %dma_wait3A_341 = arith.constant 0 : i32
      %dma_wait3A_342 = tpu.memref_slice %arg7[%dma_wait3A_340, %dma_wait3A_341] : memref<3200000x1xf32, #tpu.memory_space<hbm>> -> memref<512x1xf32, #tpu.memory_space<hbm>>
      tpu.wait_dma2 semaphore(%arg20 : memref<!tpu.dma_semaphore, #tpu.memory_space<semaphore_mem>>) src(%dma_wait3A_342 : memref<512x1xf32, #tpu.memory_space<hbm>>) dst(%dma_wait3A_339 : memref<512x1xf32, #tpu.memory_space<vmem>>)
      %dma_wait3A_343 = arith.constant 0 : i32
      %dma_wait3A_344 = arith.constant 5 : i32
      %dma_wait3A_345 = tpu.memref_slice %arg18[%dma_wait3A_343, %dma_wait3A_344] : memref<512x16xf32, #tpu.memory_space<vmem>> -> memref<512x1xf32, #tpu.memory_space<vmem>>
      %dma_wait3A_346 = arith.constant 0 : i32
      %dma_wait3A_347 = arith.constant 0 : i32
      %dma_wait3A_348 = tpu.memref_slice %arg8[%dma_wait3A_346, %dma_wait3A_347] : memref<3200000x1xf32, #tpu.memory_space<hbm>> -> memref<512x1xf32, #tpu.memory_space<hbm>>
      %dma_wait3A_349 = arith.constant 0 : i32
      %dma_wait3A_350 = arith.constant 5 : i32
      %dma_wait3A_351 = tpu.memref_slice %arg18[%dma_wait3A_349, %dma_wait3A_350] : memref<512x16xf32, #tpu.memory_space<vmem>> -> memref<512x1xf32, #tpu.memory_space<vmem>>
      %dma_wait3A_352 = arith.constant 0 : i32
      %dma_wait3A_353 = arith.constant 0 : i32
      %dma_wait3A_354 = tpu.memref_slice %arg8[%dma_wait3A_352, %dma_wait3A_353] : memref<3200000x1xf32, #tpu.memory_space<hbm>> -> memref<512x1xf32, #tpu.memory_space<hbm>>
      tpu.wait_dma2 semaphore(%arg20 : memref<!tpu.dma_semaphore, #tpu.memory_space<semaphore_mem>>) src(%dma_wait3A_354 : memref<512x1xf32, #tpu.memory_space<hbm>>) dst(%dma_wait3A_351 : memref<512x1xf32, #tpu.memory_space<vmem>>)
      %dma_wait3A_355 = arith.constant 0 : i32
      %dma_wait3A_356 = arith.constant 8 : i32
      %dma_wait3A_357 = tpu.memref_slice %arg18[%dma_wait3A_355, %dma_wait3A_356] : memref<512x16xf32, #tpu.memory_space<vmem>> -> memref<512x1xf32, #tpu.memory_space<vmem>>
      %dma_wait3A_358 = arith.constant 0 : i32
      %dma_wait3A_359 = arith.constant 0 : i32
      %dma_wait3A_360 = tpu.memref_slice %arg9[%dma_wait3A_358, %dma_wait3A_359] : memref<3200000x1xf32, #tpu.memory_space<hbm>> -> memref<512x1xf32, #tpu.memory_space<hbm>>
      %dma_wait3A_361 = arith.constant 0 : i32
      %dma_wait3A_362 = arith.constant 8 : i32
      %dma_wait3A_363 = tpu.memref_slice %arg18[%dma_wait3A_361, %dma_wait3A_362] : memref<512x16xf32, #tpu.memory_space<vmem>> -> memref<512x1xf32, #tpu.memory_space<vmem>>
      %dma_wait3A_364 = arith.constant 0 : i32
      %dma_wait3A_365 = arith.constant 0 : i32
      %dma_wait3A_366 = tpu.memref_slice %arg9[%dma_wait3A_364, %dma_wait3A_365] : memref<3200000x1xf32, #tpu.memory_space<hbm>> -> memref<512x1xf32, #tpu.memory_space<hbm>>
      tpu.wait_dma2 semaphore(%arg20 : memref<!tpu.dma_semaphore, #tpu.memory_space<semaphore_mem>>) src(%dma_wait3A_366 : memref<512x1xf32, #tpu.memory_space<hbm>>) dst(%dma_wait3A_363 : memref<512x1xf32, #tpu.memory_space<vmem>>)
      %dma_wait3A_367 = arith.constant 0 : i32
      %dma_wait3A_368 = arith.constant 9 : i32
      %dma_wait3A_369 = tpu.memref_slice %arg18[%dma_wait3A_367, %dma_wait3A_368] : memref<512x16xf32, #tpu.memory_space<vmem>> -> memref<512x1xf32, #tpu.memory_space<vmem>>
      %dma_wait3A_370 = arith.constant 0 : i32
      %dma_wait3A_371 = arith.constant 0 : i32
      %dma_wait3A_372 = tpu.memref_slice %arg10[%dma_wait3A_370, %dma_wait3A_371] : memref<3200000x1xf32, #tpu.memory_space<hbm>> -> memref<512x1xf32, #tpu.memory_space<hbm>>
      %dma_wait3A_373 = arith.constant 0 : i32
      %dma_wait3A_374 = arith.constant 9 : i32
      %dma_wait3A_375 = tpu.memref_slice %arg18[%dma_wait3A_373, %dma_wait3A_374] : memref<512x16xf32, #tpu.memory_space<vmem>> -> memref<512x1xf32, #tpu.memory_space<vmem>>
      %dma_wait3A_376 = arith.constant 0 : i32
      %dma_wait3A_377 = arith.constant 0 : i32
      %dma_wait3A_378 = tpu.memref_slice %arg10[%dma_wait3A_376, %dma_wait3A_377] : memref<3200000x1xf32, #tpu.memory_space<hbm>> -> memref<512x1xf32, #tpu.memory_space<hbm>>
      tpu.wait_dma2 semaphore(%arg20 : memref<!tpu.dma_semaphore, #tpu.memory_space<semaphore_mem>>) src(%dma_wait3A_378 : memref<512x1xf32, #tpu.memory_space<hbm>>) dst(%dma_wait3A_375 : memref<512x1xf32, #tpu.memory_space<vmem>>)
      %dma_wait3A_379 = arith.constant 0 : i32
      %dma_wait3A_380 = arith.constant 10 : i32
      %dma_wait3A_381 = tpu.memref_slice %arg18[%dma_wait3A_379, %dma_wait3A_380] : memref<512x16xf32, #tpu.memory_space<vmem>> -> memref<512x1xf32, #tpu.memory_space<vmem>>
      %dma_wait3A_382 = arith.constant 0 : i32
      %dma_wait3A_383 = arith.constant 0 : i32
      %dma_wait3A_384 = tpu.memref_slice %arg11[%dma_wait3A_382, %dma_wait3A_383] : memref<3200000x1xf32, #tpu.memory_space<hbm>> -> memref<512x1xf32, #tpu.memory_space<hbm>>
      %dma_wait3A_385 = arith.constant 0 : i32
      %dma_wait3A_386 = arith.constant 10 : i32
      %dma_wait3A_387 = tpu.memref_slice %arg18[%dma_wait3A_385, %dma_wait3A_386] : memref<512x16xf32, #tpu.memory_space<vmem>> -> memref<512x1xf32, #tpu.memory_space<vmem>>
      %dma_wait3A_388 = arith.constant 0 : i32
      %dma_wait3A_389 = arith.constant 0 : i32
      %dma_wait3A_390 = tpu.memref_slice %arg11[%dma_wait3A_388, %dma_wait3A_389] : memref<3200000x1xf32, #tpu.memory_space<hbm>> -> memref<512x1xf32, #tpu.memory_space<hbm>>
      tpu.wait_dma2 semaphore(%arg20 : memref<!tpu.dma_semaphore, #tpu.memory_space<semaphore_mem>>) src(%dma_wait3A_390 : memref<512x1xf32, #tpu.memory_space<hbm>>) dst(%dma_wait3A_387 : memref<512x1xf32, #tpu.memory_space<vmem>>)
      %dma_wait3A_391 = arith.constant 0 : i32
      %dma_wait3A_392 = arith.constant 0 : i32
      %dma_wait3A_393 = tpu.memref_slice %arg16[%dma_wait3A_391, %dma_wait3A_392] : memref<1x512xi32, #tpu.memory_space<vmem>> -> memref<1x512xi32, #tpu.memory_space<vmem>>
      %dma_wait3A_394 = tpu.memref_squeeze %dma_wait3A_393 : memref<1x512xi32, #tpu.memory_space<vmem>> -> memref<512xi32, #tpu.memory_space<vmem>>
      %dma_wait3A_395 = arith.constant 0 : i32
      %dma_wait3A_396 = arith.constant 0 : i32
      %dma_wait3A_397 = tpu.memref_slice %arg15[%dma_wait3A_395, %dma_wait3A_396] : memref<100000x16xf32, #tpu.memory_space<vmem_shared>> -> memref<100000x16xf32, #tpu.memory_space<vmem_shared>>
      tpu.wait_indirect_dma semaphore(%arg21 : memref<!tpu.dma_semaphore, #tpu.memory_space<semaphore_mem>>) src(%arg18 : memref<512x16xf32, #tpu.memory_space<vmem>>) dst(%dma_wait3A_397 : memref<100000x16xf32, #tpu.memory_space<vmem_shared>>)
      %dma_start3A_398 = arith.constant 0 : i32
      %dma_start3A_399 = arith.constant 0 : i32
      %dma_start3A_400 = tpu.memref_slice %arg17[%dma_start3A_398, %dma_start3A_399] : memref<1x512xi32, #tpu.memory_space<vmem>> -> memref<1x512xi32, #tpu.memory_space<vmem>>
      %dma_start3A_401 = tpu.memref_squeeze %dma_start3A_400 : memref<1x512xi32, #tpu.memory_space<vmem>> -> memref<512xi32, #tpu.memory_space<vmem>>
      %dma_start3A_402 = arith.constant 0 : i32
      %dma_start3A_403 = arith.constant 0 : i32
      %dma_start3A_404 = tpu.memref_slice %arg15[%dma_start3A_402, %dma_start3A_403] : memref<100000x16xf32, #tpu.memory_space<vmem_shared>> -> memref<100000x16xf32, #tpu.memory_space<vmem_shared>>
      tpu.enqueue_indirect_dma source(%arg19 : memref<512x16xf32, #tpu.memory_space<vmem>>) target(%dma_start3A_404 : memref<100000x16xf32, #tpu.memory_space<vmem_shared>>) offsets(%dma_start3A_401 : memref<512xi32, #tpu.memory_space<vmem>>) semaphore(%arg21 : memref<!tpu.dma_semaphore, #tpu.memory_space<semaphore_mem>>) {add = true}
      %dma_wait3A_405 = arith.constant 0 : i32
      %dma_wait3A_406 = arith.constant 0 : i32
      %dma_wait3A_407 = tpu.memref_slice %arg16[%dma_wait3A_405, %dma_wait3A_406] : memref<1x512xi32, #tpu.memory_space<vmem>> -> memref<1x512xi32, #tpu.memory_space<vmem>>
      %dma_wait3A_408 = tpu.memref_squeeze %dma_wait3A_407 : memref<1x512xi32, #tpu.memory_space<vmem>> -> memref<512xi32, #tpu.memory_space<vmem>>
      %dma_wait3A_409 = arith.constant 0 : i32
      %dma_wait3A_410 = arith.constant 0 : i32
      %dma_wait3A_411 = tpu.memref_slice %arg15[%dma_wait3A_409, %dma_wait3A_410] : memref<100000x16xf32, #tpu.memory_space<vmem_shared>> -> memref<100000x16xf32, #tpu.memory_space<vmem_shared>>
      tpu.wait_indirect_dma semaphore(%arg21 : memref<!tpu.dma_semaphore, #tpu.memory_space<semaphore_mem>>) src(%arg18 : memref<512x16xf32, #tpu.memory_space<vmem>>) dst(%dma_wait3A_411 : memref<100000x16xf32, #tpu.memory_space<vmem_shared>>)
    } else {
    }
    %ge3A = arith.constant 10 : i32
    %ge3A_262 = arith.cmpi sge, %add3A, %ge3A : i32
    %convert_element_type3A_263 = arith.extui %ge3A_262 : i1 to i32
    %cond3A_264 = arith.constant 0 : i32
    %cond3A_265 = arith.cmpi ne, %convert_element_type3A_263, %cond3A_264 : i32
    scf.if %cond3A_265 {
      %dma_wait3A_277 = arith.constant 0 : i32
      %dma_wait3A_278 = arith.constant 0 : i32
      %dma_wait3A_279 = tpu.memref_slice %arg16[%dma_wait3A_277, %dma_wait3A_278] : memref<1x512xi32, #tpu.memory_space<vmem>> -> memref<1x512xi32, #tpu.memory_space<vmem>>
      %dma_wait3A_280 = tpu.memref_squeeze %dma_wait3A_279 : memref<1x512xi32, #tpu.memory_space<vmem>> -> memref<512xi32, #tpu.memory_space<vmem>>
      %dma_wait3A_281 = arith.constant 0 : i32
      %dma_wait3A_282 = arith.constant 0 : i32
      %dma_wait3A_283 = tpu.memref_slice %arg15[%dma_wait3A_281, %dma_wait3A_282] : memref<100000x16xf32, #tpu.memory_space<vmem_shared>> -> memref<100000x16xf32, #tpu.memory_space<vmem_shared>>
      tpu.wait_indirect_dma semaphore(%arg21 : memref<!tpu.dma_semaphore, #tpu.memory_space<semaphore_mem>>) src(%arg18 : memref<512x16xf32, #tpu.memory_space<vmem>>) dst(%dma_wait3A_283 : memref<100000x16xf32, #tpu.memory_space<vmem_shared>>)
    } else {
    }
    %barrier3A_266 = arith.constant 0 : index
    tpu.barrier barrier_id(%barrier3A_266)
    %lt3A_267 = arith.constant 15 : i32
    %lt3A_268 = arith.cmpi slt, %arg1, %lt3A_267 : i32
    %convert_element_type3A_269 = arith.extui %lt3A_268 : i1 to i32
    %cond3A_270 = arith.constant 0 : i32
    %cond3A_271 = arith.cmpi ne, %convert_element_type3A_269, %cond3A_270 : i32
    scf.if %cond3A_271 {
      "tpu.region"() ({
        %run_scoped3A = tpu.sem_alloc : memref<!tpu.dma_semaphore, #tpu.memory_space<semaphore_mem>>
        %dma_start3A_277 = arith.constant 0 : i32
        %dma_start3A_278 = tpu.memref_slice %arg14[%arg0, %mul3A_2, %dma_start3A_277] : memref<2x100000x16xf32, #tpu.memory_space<hbm>> -> memref<1x6256x16xf32, #tpu.memory_space<hbm>>
        %dma_start3A_279 = tpu.memref_squeeze %dma_start3A_278 : memref<1x6256x16xf32, #tpu.memory_space<hbm>> -> memref<6256x16xf32, #tpu.memory_space<hbm>>
        %dma_start3A_280 = arith.constant 0 : i32
        %dma_start3A_281 = tpu.memref_slice %arg15[%mul3A_2, %dma_start3A_280] : memref<100000x16xf32, #tpu.memory_space<vmem_shared>> -> memref<6256x16xf32, #tpu.memory_space<vmem_shared>>
        tpu.enqueue_dma source(%dma_start3A_281 : memref<6256x16xf32, #tpu.memory_space<vmem_shared>>) target(%dma_start3A_279 : memref<6256x16xf32, #tpu.memory_space<hbm>>) target_semaphore(%run_scoped3A : memref<!tpu.dma_semaphore, #tpu.memory_space<semaphore_mem>>)
        %dma_wait3A_282 = arith.constant 0 : i32
        %dma_wait3A_283 = tpu.memref_slice %arg14[%arg0, %mul3A_2, %dma_wait3A_282] : memref<2x100000x16xf32, #tpu.memory_space<hbm>> -> memref<1x6256x16xf32, #tpu.memory_space<hbm>>
        %dma_wait3A_284 = tpu.memref_squeeze %dma_wait3A_283 : memref<1x6256x16xf32, #tpu.memory_space<hbm>> -> memref<6256x16xf32, #tpu.memory_space<hbm>>
        %dma_wait3A_285 = arith.constant 0 : i32
        %dma_wait3A_286 = tpu.memref_slice %arg15[%mul3A_2, %dma_wait3A_285] : memref<100000x16xf32, #tpu.memory_space<vmem_shared>> -> memref<6256x16xf32, #tpu.memory_space<vmem_shared>>
        tpu.wait_dma2 semaphore(%run_scoped3A : memref<!tpu.dma_semaphore, #tpu.memory_space<semaphore_mem>>) src(%dma_wait3A_286 : memref<6256x16xf32, #tpu.memory_space<vmem_shared>>) dst(%dma_wait3A_284 : memref<6256x16xf32, #tpu.memory_space<hbm>>)
        tpu.yield
      }) : () -> ()
    } else {
    }
    %eq3A_272 = arith.constant 15 : i32
    %eq3A_273 = arith.cmpi eq, %arg1, %eq3A_272 : i32
    %convert_element_type3A_274 = arith.extui %eq3A_273 : i1 to i32
    %cond3A_275 = arith.constant 0 : i32
    %cond3A_276 = arith.cmpi ne, %convert_element_type3A_274, %cond3A_275 : i32
    scf.if %cond3A_276 {
      "tpu.region"() ({
        %run_scoped3A = tpu.sem_alloc : memref<!tpu.dma_semaphore, #tpu.memory_space<semaphore_mem>>
        %dma_start3A_277 = arith.constant 0 : i32
        %dma_start3A_278 = tpu.memref_slice %arg14[%arg0, %mul3A_2, %dma_start3A_277] : memref<2x100000x16xf32, #tpu.memory_space<hbm>> -> memref<1x6160x16xf32, #tpu.memory_space<hbm>>
        %dma_start3A_279 = tpu.memref_squeeze %dma_start3A_278 : memref<1x6160x16xf32, #tpu.memory_space<hbm>> -> memref<6160x16xf32, #tpu.memory_space<hbm>>
        %dma_start3A_280 = arith.constant 0 : i32
        %dma_start3A_281 = tpu.memref_slice %arg15[%mul3A_2, %dma_start3A_280] : memref<100000x16xf32, #tpu.memory_space<vmem_shared>> -> memref<6160x16xf32, #tpu.memory_space<vmem_shared>>
        tpu.enqueue_dma source(%dma_start3A_281 : memref<6160x16xf32, #tpu.memory_space<vmem_shared>>) target(%dma_start3A_279 : memref<6160x16xf32, #tpu.memory_space<hbm>>) target_semaphore(%run_scoped3A : memref<!tpu.dma_semaphore, #tpu.memory_space<semaphore_mem>>)
        %dma_wait3A_282 = arith.constant 0 : i32
        %dma_wait3A_283 = tpu.memref_slice %arg14[%arg0, %mul3A_2, %dma_wait3A_282] : memref<2x100000x16xf32, #tpu.memory_space<hbm>> -> memref<1x6160x16xf32, #tpu.memory_space<hbm>>
        %dma_wait3A_284 = tpu.memref_squeeze %dma_wait3A_283 : memref<1x6160x16xf32, #tpu.memory_space<hbm>> -> memref<6160x16xf32, #tpu.memory_space<hbm>>
        %dma_wait3A_285 = arith.constant 0 : i32
        %dma_wait3A_286 = tpu.memref_slice %arg15[%mul3A_2, %dma_wait3A_285] : memref<100000x16xf32, #tpu.memory_space<vmem_shared>> -> memref<6160x16xf32, #tpu.memory_space<vmem_shared>>
        tpu.wait_dma2 semaphore(%run_scoped3A : memref<!tpu.dma_semaphore, #tpu.memory_space<semaphore_mem>>) src(%dma_wait3A_286 : memref<6160x16xf32, #tpu.memory_space<vmem_shared>>) dst(%dma_wait3A_284 : memref<6160x16xf32, #tpu.memory_space<hbm>>)
        tpu.yield
      }) : () -> ()
    } else {
    }
    return
  }
}

module attributes {stable_mosaic.version = 14 : i64} {
  func.func @_tc_body(%arg0: i32, %arg1: memref<2000x128xf32, #tpu.memory_space<vmem>>, %arg2: memref<2000x3xf32, #tpu.memory_space<vmem>>, %arg3: memref<2x2000x16xf32, #tpu.memory_space<vmem>>, %arg4: memref<128x128xf32, #tpu.memory_space<vmem>>, %arg5: memref<1x128xf32, #tpu.memory_space<vmem>>, %arg6: memref<128x1xf32, #tpu.memory_space<vmem>>, %arg7: memref<1x1xf32, #tpu.memory_space<vmem>>, %arg8: memref<128x128xf32, #tpu.memory_space<vmem>>, %arg9: memref<1x128xf32, #tpu.memory_space<vmem>>, %arg10: memref<128x1xf32, #tpu.memory_space<vmem>>, %arg11: memref<1x1xf32, #tpu.memory_space<vmem>>, %arg12: memref<128x128xf32, #tpu.memory_space<vmem>>, %arg13: memref<1x128xf32, #tpu.memory_space<vmem>>, %arg14: memref<128x3xf32, #tpu.memory_space<vmem>>, %arg15: memref<1x3xf32, #tpu.memory_space<vmem>>, %arg16: memref<128x128xf32, #tpu.memory_space<vmem>>, %arg17: memref<1x128xf32, #tpu.memory_space<vmem>>, %arg18: memref<128x1xf32, #tpu.memory_space<vmem>>, %arg19: memref<1x1xf32, #tpu.memory_space<vmem>>, %arg20: memref<2000x3xf32, #tpu.memory_space<vmem>>, %arg21: memref<2000x3xf32, #tpu.memory_space<vmem>>, %arg22: memref<2000x3xf32, #tpu.memory_space<vmem>>) attributes {dimension_semantics = [#tpu.dimension_semantics<arbitrary>], iteration_bounds = array<i64: 50>, scalar_prefetch = 0 : i64, scratch_operands = 0 : i64, tpu.core_type = #tpu.core_type<tc>, window_params = [{transform_indices = @transform_0, window_bounds = array<i64: 2000, 128>}, {transform_indices = @transform_1, window_bounds = array<i64: 2000, 3>}, {transform_indices = @transform_2, window_bounds = array<i64: 2, 2000, 16>}, {pipeline_mode = #tpu.pipeline_mode<synchronous>, transform_indices = @transform_3, window_bounds = array<i64: 128, 128>}, {pipeline_mode = #tpu.pipeline_mode<synchronous>, transform_indices = @transform_4, window_bounds = array<i64: 1, 128>}, {pipeline_mode = #tpu.pipeline_mode<synchronous>, transform_indices = @transform_5, window_bounds = array<i64: 128, 1>}, {pipeline_mode = #tpu.pipeline_mode<synchronous>, transform_indices = @transform_6, window_bounds = array<i64: 1, 1>}, {pipeline_mode = #tpu.pipeline_mode<synchronous>, transform_indices = @transform_7, window_bounds = array<i64: 128, 128>}, {pipeline_mode = #tpu.pipeline_mode<synchronous>, transform_indices = @transform_8, window_bounds = array<i64: 1, 128>}, {pipeline_mode = #tpu.pipeline_mode<synchronous>, transform_indices = @transform_9, window_bounds = array<i64: 128, 1>}, {pipeline_mode = #tpu.pipeline_mode<synchronous>, transform_indices = @transform_10, window_bounds = array<i64: 1, 1>}, {pipeline_mode = #tpu.pipeline_mode<synchronous>, transform_indices = @transform_11, window_bounds = array<i64: 128, 128>}, {pipeline_mode = #tpu.pipeline_mode<synchronous>, transform_indices = @transform_12, window_bounds = array<i64: 1, 128>}, {pipeline_mode = #tpu.pipeline_mode<synchronous>, transform_indices = @transform_13, window_bounds = array<i64: 128, 3>}, {pipeline_mode = #tpu.pipeline_mode<synchronous>, transform_indices = @transform_14, window_bounds = array<i64: 1, 3>}, {pipeline_mode = #tpu.pipeline_mode<synchronous>, transform_indices = @transform_15, window_bounds = array<i64: 128, 128>}, {pipeline_mode = #tpu.pipeline_mode<synchronous>, transform_indices = @transform_16, window_bounds = array<i64: 1, 128>}, {pipeline_mode = #tpu.pipeline_mode<synchronous>, transform_indices = @transform_17, window_bounds = array<i64: 128, 1>}, {pipeline_mode = #tpu.pipeline_mode<synchronous>, transform_indices = @transform_18, window_bounds = array<i64: 1, 1>}, {transform_indices = @transform_19, window_bounds = array<i64: 2000, 3>}, {transform_indices = @transform_20, window_bounds = array<i64: 2000, 3>}, {transform_indices = @transform_21, window_bounds = array<i64: 2000, 3>}]} {
    %get3A = arith.constant 0 : index
    %get3A_0 = arith.constant 0 : index
    %get3A_1 = vector.load %arg1[%get3A, %get3A_0] : memref<2000x128xf32, #tpu.memory_space<vmem>>, vector<2000x128xf32>
    %get3A_2 = arith.constant 0 : index
    %get3A_3 = arith.constant 0 : index
    %get3A_4 = vector.load %arg4[%get3A_2, %get3A_3] : memref<128x128xf32, #tpu.memory_space<vmem>>, vector<128x128xf32>
    %dot_general3A = arith.constant dense<0.000000e+00> : vector<2000x128xf32>
    %dot_general3A_5 = tpu.matmul %get3A_1, %get3A_4, %dot_general3A {dimension_numbers = #tpu.dot_dimension_numbers<[1], [0], [0], [1], [0, 0, 1, 1], [], []>, transpose_lhs_hint = false} : vector<2000x128xf32>, vector<128x128xf32>, vector<2000x128xf32> -> vector<2000x128xf32>
    %get3A_6 = arith.constant 0 : index
    %get3A_7 = arith.constant 0 : index
    %get3A_8 = vector.load %arg5[%get3A_6, %get3A_7] : memref<1x128xf32, #tpu.memory_space<vmem>>, vector<1x128xf32>
    %add3A = vector.broadcast %get3A_8 : vector<1x128xf32> to vector<2000x128xf32>
    %add3A_9 = arith.addf %dot_general3A_5, %add3A : vector<2000x128xf32>
    %max3A = arith.constant 0.000000e+00 : f32
    %max3A_10 = vector.broadcast %max3A : f32 to vector<2000x128xf32>
    %max3A_11 = arith.maximumf %add3A_9, %max3A_10 : vector<2000x128xf32>
    %get3A_12 = arith.constant 0 : index
    %get3A_13 = arith.constant 0 : index
    %get3A_14 = vector.load %arg6[%get3A_12, %get3A_13] : memref<128x1xf32, #tpu.memory_space<vmem>>, vector<128x1xf32>
    %dot_general3A_15 = arith.constant dense<0.000000e+00> : vector<2000x1xf32>
    %dot_general3A_16 = tpu.matmul %max3A_11, %get3A_14, %dot_general3A_15 {dimension_numbers = #tpu.dot_dimension_numbers<[1], [0], [0], [1], [0, 0, 1, 1], [], []>, transpose_lhs_hint = false} : vector<2000x128xf32>, vector<128x1xf32>, vector<2000x1xf32> -> vector<2000x1xf32>
    %get3A_17 = arith.constant 0 : index
    %get3A_18 = arith.constant 0 : index
    %get3A_19 = vector.load %arg7[%get3A_17, %get3A_18] : memref<1x1xf32, #tpu.memory_space<vmem>>, vector<1x1xf32>
    %add3A_20 = vector.broadcast %get3A_19 : vector<1x1xf32> to vector<2000x1xf32>
    %add3A_21 = arith.addf %dot_general3A_16, %add3A_20 : vector<2000x1xf32>
    %get3A_22 = arith.constant 0 : index
    %get3A_23 = arith.constant 0 : index
    %get3A_24 = vector.load %arg8[%get3A_22, %get3A_23] : memref<128x128xf32, #tpu.memory_space<vmem>>, vector<128x128xf32>
    %dot_general3A_25 = arith.constant dense<0.000000e+00> : vector<2000x128xf32>
    %dot_general3A_26 = tpu.matmul %get3A_1, %get3A_24, %dot_general3A_25 {dimension_numbers = #tpu.dot_dimension_numbers<[1], [0], [0], [1], [0, 0, 1, 1], [], []>, transpose_lhs_hint = false} : vector<2000x128xf32>, vector<128x128xf32>, vector<2000x128xf32> -> vector<2000x128xf32>
    %get3A_27 = arith.constant 0 : index
    %get3A_28 = arith.constant 0 : index
    %get3A_29 = vector.load %arg9[%get3A_27, %get3A_28] : memref<1x128xf32, #tpu.memory_space<vmem>>, vector<1x128xf32>
    %add3A_30 = vector.broadcast %get3A_29 : vector<1x128xf32> to vector<2000x128xf32>
    %add3A_31 = arith.addf %dot_general3A_26, %add3A_30 : vector<2000x128xf32>
    %max3A_32 = arith.constant 0.000000e+00 : f32
    %max3A_33 = vector.broadcast %max3A_32 : f32 to vector<2000x128xf32>
    %max3A_34 = arith.maximumf %add3A_31, %max3A_33 : vector<2000x128xf32>
    %get3A_35 = arith.constant 0 : index
    %get3A_36 = arith.constant 0 : index
    %get3A_37 = vector.load %arg10[%get3A_35, %get3A_36] : memref<128x1xf32, #tpu.memory_space<vmem>>, vector<128x1xf32>
    %dot_general3A_38 = arith.constant dense<0.000000e+00> : vector<2000x1xf32>
    %dot_general3A_39 = tpu.matmul %max3A_34, %get3A_37, %dot_general3A_38 {dimension_numbers = #tpu.dot_dimension_numbers<[1], [0], [0], [1], [0, 0, 1, 1], [], []>, transpose_lhs_hint = false} : vector<2000x128xf32>, vector<128x1xf32>, vector<2000x1xf32> -> vector<2000x1xf32>
    %get3A_40 = arith.constant 0 : index
    %get3A_41 = arith.constant 0 : index
    %get3A_42 = vector.load %arg11[%get3A_40, %get3A_41] : memref<1x1xf32, #tpu.memory_space<vmem>>, vector<1x1xf32>
    %add3A_43 = vector.broadcast %get3A_42 : vector<1x1xf32> to vector<2000x1xf32>
    %add3A_44 = arith.addf %dot_general3A_39, %add3A_43 : vector<2000x1xf32>
    %get3A_45 = arith.constant 0 : index
    %get3A_46 = arith.constant 0 : index
    %get3A_47 = vector.load %arg12[%get3A_45, %get3A_46] : memref<128x128xf32, #tpu.memory_space<vmem>>, vector<128x128xf32>
    %dot_general3A_48 = arith.constant dense<0.000000e+00> : vector<2000x128xf32>
    %dot_general3A_49 = tpu.matmul %get3A_1, %get3A_47, %dot_general3A_48 {dimension_numbers = #tpu.dot_dimension_numbers<[1], [0], [0], [1], [0, 0, 1, 1], [], []>, transpose_lhs_hint = false} : vector<2000x128xf32>, vector<128x128xf32>, vector<2000x128xf32> -> vector<2000x128xf32>
    %get3A_50 = arith.constant 0 : index
    %get3A_51 = arith.constant 0 : index
    %get3A_52 = vector.load %arg13[%get3A_50, %get3A_51] : memref<1x128xf32, #tpu.memory_space<vmem>>, vector<1x128xf32>
    %add3A_53 = vector.broadcast %get3A_52 : vector<1x128xf32> to vector<2000x128xf32>
    %add3A_54 = arith.addf %dot_general3A_49, %add3A_53 : vector<2000x128xf32>
    %max3A_55 = arith.constant 0.000000e+00 : f32
    %max3A_56 = vector.broadcast %max3A_55 : f32 to vector<2000x128xf32>
    %max3A_57 = arith.maximumf %add3A_54, %max3A_56 : vector<2000x128xf32>
    %get3A_58 = arith.constant 0 : index
    %get3A_59 = arith.constant 0 : index
    %get3A_60 = vector.load %arg14[%get3A_58, %get3A_59] : memref<128x3xf32, #tpu.memory_space<vmem>>, vector<128x3xf32>
    %dot_general3A_61 = arith.constant dense<0.000000e+00> : vector<2000x3xf32>
    %dot_general3A_62 = tpu.matmul %max3A_57, %get3A_60, %dot_general3A_61 {dimension_numbers = #tpu.dot_dimension_numbers<[1], [0], [0], [1], [0, 0, 1, 1], [], []>, transpose_lhs_hint = false} : vector<2000x128xf32>, vector<128x3xf32>, vector<2000x3xf32> -> vector<2000x3xf32>
    %get3A_63 = arith.constant 0 : index
    %get3A_64 = arith.constant 0 : index
    %get3A_65 = vector.load %arg15[%get3A_63, %get3A_64] : memref<1x3xf32, #tpu.memory_space<vmem>>, vector<1x3xf32>
    %add3A_66 = vector.broadcast %get3A_65 : vector<1x3xf32> to vector<2000x3xf32>
    %add3A_67 = arith.addf %dot_general3A_62, %add3A_66 : vector<2000x3xf32>
    %get3A_68 = arith.constant 0 : index
    %get3A_69 = arith.constant 0 : index
    %get3A_70 = vector.load %arg16[%get3A_68, %get3A_69] : memref<128x128xf32, #tpu.memory_space<vmem>>, vector<128x128xf32>
    %dot_general3A_71 = arith.constant dense<0.000000e+00> : vector<2000x128xf32>
    %dot_general3A_72 = tpu.matmul %get3A_1, %get3A_70, %dot_general3A_71 {dimension_numbers = #tpu.dot_dimension_numbers<[1], [0], [0], [1], [0, 0, 1, 1], [], []>, transpose_lhs_hint = false} : vector<2000x128xf32>, vector<128x128xf32>, vector<2000x128xf32> -> vector<2000x128xf32>
    %get3A_73 = arith.constant 0 : index
    %get3A_74 = arith.constant 0 : index
    %get3A_75 = vector.load %arg17[%get3A_73, %get3A_74] : memref<1x128xf32, #tpu.memory_space<vmem>>, vector<1x128xf32>
    %add3A_76 = vector.broadcast %get3A_75 : vector<1x128xf32> to vector<2000x128xf32>
    %add3A_77 = arith.addf %dot_general3A_72, %add3A_76 : vector<2000x128xf32>
    %max3A_78 = arith.constant 0.000000e+00 : f32
    %max3A_79 = vector.broadcast %max3A_78 : f32 to vector<2000x128xf32>
    %max3A_80 = arith.maximumf %add3A_77, %max3A_79 : vector<2000x128xf32>
    %get3A_81 = arith.constant 0 : index
    %get3A_82 = arith.constant 0 : index
    %get3A_83 = vector.load %arg18[%get3A_81, %get3A_82] : memref<128x1xf32, #tpu.memory_space<vmem>>, vector<128x1xf32>
    %dot_general3A_84 = arith.constant dense<0.000000e+00> : vector<2000x1xf32>
    %dot_general3A_85 = tpu.matmul %max3A_80, %get3A_83, %dot_general3A_84 {dimension_numbers = #tpu.dot_dimension_numbers<[1], [0], [0], [1], [0, 0, 1, 1], [], []>, transpose_lhs_hint = false} : vector<2000x128xf32>, vector<128x1xf32>, vector<2000x1xf32> -> vector<2000x1xf32>
    %get3A_86 = arith.constant 0 : index
    %get3A_87 = arith.constant 0 : index
    %get3A_88 = vector.load %arg19[%get3A_86, %get3A_87] : memref<1x1xf32, #tpu.memory_space<vmem>>, vector<1x1xf32>
    %add3A_89 = vector.broadcast %get3A_88 : vector<1x1xf32> to vector<2000x1xf32>
    %add3A_90 = arith.addf %dot_general3A_85, %add3A_89 : vector<2000x1xf32>
    %get3A_91 = arith.constant 0 : index
    %get3A_92 = arith.constant 0 : index
    %get3A_93 = arith.constant 0 : index
    %get3A_94 = vector.load %arg3[%get3A_91, %get3A_92, %get3A_93] : memref<2x2000x16xf32, #tpu.memory_space<vmem>>, vector<1x2000x16xf32>
    %get3A_95 = vector.shape_cast %get3A_94 : vector<1x2000x16xf32> to vector<2000x16xf32>
    %get3A_96 = arith.constant 1 : index
    %get3A_97 = arith.constant 0 : index
    %get3A_98 = arith.constant 0 : index
    %get3A_99 = vector.load %arg3[%get3A_96, %get3A_97, %get3A_98] : memref<2x2000x16xf32, #tpu.memory_space<vmem>>, vector<1x2000x16xf32>
    %get3A_100 = vector.shape_cast %get3A_99 : vector<1x2000x16xf32> to vector<2000x16xf32>
    %add3A_101 = arith.addf %get3A_95, %get3A_100 : vector<2000x16xf32>
    %slice3A = vector.extract_strided_slice %add3A_101 {offsets = [0, 0], sizes = [2000, 3], strides = [1, 1]} : vector<2000x16xf32> to vector<2000x3xf32>
    %slice3A_102 = vector.extract_strided_slice %add3A_101 {offsets = [0, 3], sizes = [2000, 3], strides = [1, 1]} : vector<2000x16xf32> to vector<2000x3xf32>
    %slice3A_103 = vector.extract_strided_slice %add3A_101 {offsets = [0, 6], sizes = [2000, 1], strides = [1, 1]} : vector<2000x16xf32> to vector<2000x1xf32>
    %slice3A_104 = vector.extract_strided_slice %add3A_101 {offsets = [0, 8], sizes = [2000, 3], strides = [1, 1]} : vector<2000x16xf32> to vector<2000x3xf32>
    %mul3A = vector.broadcast %add3A_21 : vector<2000x1xf32> to vector<2000x3xf32>
    %mul3A_105 = arith.mulf %mul3A, %slice3A : vector<2000x3xf32>
    %swap3A = arith.constant 0 : index
    %swap3A_106 = arith.constant 0 : index
    %swap3A_107 = vector.load %arg20[%swap3A, %swap3A_106] : memref<2000x3xf32, #tpu.memory_space<vmem>>, vector<2000x3xf32>
    tpu.vector_store %arg20[%swap3A, %swap3A_106], %mul3A_105 {strides = array<i32>} : memref<2000x3xf32, #tpu.memory_space<vmem>>, vector<2000x3xf32>,
    %mul3A_108 = vector.broadcast %add3A_44 : vector<2000x1xf32> to vector<2000x3xf32>
    %mul3A_109 = arith.mulf %mul3A_108, %slice3A_102 : vector<2000x3xf32>
    %swap3A_110 = arith.constant 0 : index
    %swap3A_111 = arith.constant 0 : index
    %swap3A_112 = vector.load %arg21[%swap3A_110, %swap3A_111] : memref<2000x3xf32, #tpu.memory_space<vmem>>, vector<2000x3xf32>
    tpu.vector_store %arg21[%swap3A_110, %swap3A_111], %mul3A_109 {strides = array<i32>} : memref<2000x3xf32, #tpu.memory_space<vmem>>, vector<2000x3xf32>,
    %max3A_113 = arith.constant 1.000000e+00 : f32
    %max3A_114 = vector.broadcast %max3A_113 : f32 to vector<2000x1xf32>
    %max3A_115 = arith.maximumf %slice3A_103, %max3A_114 : vector<2000x1xf32>
    %div3A = vector.broadcast %max3A_115 : vector<2000x1xf32> to vector<2000x3xf32>
    %div3A_116 = arith.divf %slice3A_104, %div3A : vector<2000x3xf32>
    %get3A_117 = arith.constant 0 : index
    %get3A_118 = arith.constant 0 : index
    %get3A_119 = vector.load %arg2[%get3A_117, %get3A_118] : memref<2000x3xf32, #tpu.memory_space<vmem>>, vector<2000x3xf32>
    %add3A_120 = arith.addf %get3A_119, %add3A_67 : vector<2000x3xf32>
    %mul3A_121 = vector.broadcast %add3A_90 : vector<2000x1xf32> to vector<2000x3xf32>
    %mul3A_122 = arith.mulf %add3A_120, %mul3A_121 : vector<2000x3xf32>
    %add3A_123 = arith.addf %mul3A_122, %div3A_116 : vector<2000x3xf32>
    %swap3A_124 = arith.constant 0 : index
    %swap3A_125 = arith.constant 0 : index
    %swap3A_126 = vector.load %arg22[%swap3A_124, %swap3A_125] : memref<2000x3xf32, #tpu.memory_space<vmem>>, vector<2000x3xf32>
    tpu.vector_store %arg22[%swap3A_124, %swap3A_125], %add3A_123 {strides = array<i32>} : memref<2000x3xf32, #tpu.memory_space<vmem>>, vector<2000x3xf32>,
    return
  }
  func.func @transform_0(%arg0: i32) -> (i32, i32) {
    %c0_i32 = arith.constant 0 : i32
    %c0_i32_0 = arith.constant 0 : i32
    return %arg0, %c0_i32 : i32, i32
  }
  func.func @transform_1(%arg0: i32) -> (i32, i32) {
    %c0_i32 = arith.constant 0 : i32
    %c0_i32_0 = arith.constant 0 : i32
    return %arg0, %c0_i32 : i32, i32
  }
  func.func @transform_2(%arg0: i32) -> (i32, i32, i32) {
    %c0_i32 = arith.constant 0 : i32
    %c0_i32_0 = arith.constant 0 : i32
    %c0_i32_1 = arith.constant 0 : i32
    return %c0_i32, %arg0, %c0_i32_0 : i32, i32, i32
  }
  func.func @transform_3(%arg0: i32) -> (i32, i32) {
    %c0_i32 = arith.constant 0 : i32
    %c0_i32_0 = arith.constant 0 : i32
    %c0_i32_1 = arith.constant 0 : i32
    return %c0_i32, %c0_i32_0 : i32, i32
  }
  func.func @transform_4(%arg0: i32) -> (i32, i32) {
    %c0_i32 = arith.constant 0 : i32
    %c0_i32_0 = arith.constant 0 : i32
    %c0_i32_1 = arith.constant 0 : i32
    return %c0_i32, %c0_i32_0 : i32, i32
  }
  func.func @transform_5(%arg0: i32) -> (i32, i32) {
    %c0_i32 = arith.constant 0 : i32
    %c0_i32_0 = arith.constant 0 : i32
    %c0_i32_1 = arith.constant 0 : i32
    return %c0_i32, %c0_i32_0 : i32, i32
  }
  func.func @transform_6(%arg0: i32) -> (i32, i32) {
    %c0_i32 = arith.constant 0 : i32
    %c0_i32_0 = arith.constant 0 : i32
    %c0_i32_1 = arith.constant 0 : i32
    return %c0_i32, %c0_i32_0 : i32, i32
  }
  func.func @transform_7(%arg0: i32) -> (i32, i32) {
    %c0_i32 = arith.constant 0 : i32
    %c0_i32_0 = arith.constant 0 : i32
    %c0_i32_1 = arith.constant 0 : i32
    return %c0_i32, %c0_i32_0 : i32, i32
  }
  func.func @transform_8(%arg0: i32) -> (i32, i32) {
    %c0_i32 = arith.constant 0 : i32
    %c0_i32_0 = arith.constant 0 : i32
    %c0_i32_1 = arith.constant 0 : i32
    return %c0_i32, %c0_i32_0 : i32, i32
  }
  func.func @transform_9(%arg0: i32) -> (i32, i32) {
    %c0_i32 = arith.constant 0 : i32
    %c0_i32_0 = arith.constant 0 : i32
    %c0_i32_1 = arith.constant 0 : i32
    return %c0_i32, %c0_i32_0 : i32, i32
  }
  func.func @transform_10(%arg0: i32) -> (i32, i32) {
    %c0_i32 = arith.constant 0 : i32
    %c0_i32_0 = arith.constant 0 : i32
    %c0_i32_1 = arith.constant 0 : i32
    return %c0_i32, %c0_i32_0 : i32, i32
  }
  func.func @transform_11(%arg0: i32) -> (i32, i32) {
    %c0_i32 = arith.constant 0 : i32
    %c0_i32_0 = arith.constant 0 : i32
    %c0_i32_1 = arith.constant 0 : i32
    return %c0_i32, %c0_i32_0 : i32, i32
  }
  func.func @transform_12(%arg0: i32) -> (i32, i32) {
    %c0_i32 = arith.constant 0 : i32
    %c0_i32_0 = arith.constant 0 : i32
    %c0_i32_1 = arith.constant 0 : i32
    return %c0_i32, %c0_i32_0 : i32, i32
  }
  func.func @transform_13(%arg0: i32) -> (i32, i32) {
    %c0_i32 = arith.constant 0 : i32
    %c0_i32_0 = arith.constant 0 : i32
    %c0_i32_1 = arith.constant 0 : i32
    return %c0_i32, %c0_i32_0 : i32, i32
  }
  func.func @transform_14(%arg0: i32) -> (i32, i32) {
    %c0_i32 = arith.constant 0 : i32
    %c0_i32_0 = arith.constant 0 : i32
    %c0_i32_1 = arith.constant 0 : i32
    return %c0_i32, %c0_i32_0 : i32, i32
  }
  func.func @transform_15(%arg0: i32) -> (i32, i32) {
    %c0_i32 = arith.constant 0 : i32
    %c0_i32_0 = arith.constant 0 : i32
    %c0_i32_1 = arith.constant 0 : i32
    return %c0_i32, %c0_i32_0 : i32, i32
  }
  func.func @transform_16(%arg0: i32) -> (i32, i32) {
    %c0_i32 = arith.constant 0 : i32
    %c0_i32_0 = arith.constant 0 : i32
    %c0_i32_1 = arith.constant 0 : i32
    return %c0_i32, %c0_i32_0 : i32, i32
  }
  func.func @transform_17(%arg0: i32) -> (i32, i32) {
    %c0_i32 = arith.constant 0 : i32
    %c0_i32_0 = arith.constant 0 : i32
    %c0_i32_1 = arith.constant 0 : i32
    return %c0_i32, %c0_i32_0 : i32, i32
  }
  func.func @transform_18(%arg0: i32) -> (i32, i32) {
    %c0_i32 = arith.constant 0 : i32
    %c0_i32_0 = arith.constant 0 : i32
    %c0_i32_1 = arith.constant 0 : i32
    return %c0_i32, %c0_i32_0 : i32, i32
  }
  func.func @transform_19(%arg0: i32) -> (i32, i32) {
    %c0_i32 = arith.constant 0 : i32
    %c0_i32_0 = arith.constant 0 : i32
    return %arg0, %c0_i32 : i32, i32
  }
  func.func @transform_20(%arg0: i32) -> (i32, i32) {
    %c0_i32 = arith.constant 0 : i32
    %c0_i32_0 = arith.constant 0 : i32
    return %arg0, %c0_i32 : i32, i32
  }
  func.func @transform_21(%arg0: i32) -> (i32, i32) {
    %c0_i32 = arith.constant 0 : i32
    %c0_i32_0 = arith.constant 0 : i32
    return %arg0, %c0_i32 : i32, i32
  }
}

</mosaic_0001>

<sc_bundles>
// kernel: kernel.4.cloned.1.call-start
scs
__scs_entry_jumppad:
0x0: {  	(pc) =	sbr.rel $0x88, $3  }
0x1: {  	(tag) =	ssettag $0x0;
	lr =	simm.s32 $0x1  }
0x2: {  	[smem:$0x3F8B] =	sst lr;
	_ =	strace $0xD0000000  }
0x3: {  	_ = 	snop  }
0x4: {  	_ = 	snop  }
0x5: {  	_ = 	snop  }
0x6: {  	_ = 	snop  }
0x7: {  	_ = 	snop  }
__scs_overlays_trampoline_lowered:
0x8: {  	[smem:$0x3F9A] =	sst s0  }
0x9: {  	[smem:$0x3F9B] =	sst s1  }
0xa: {  	[smem:$0x3F9C] =	sst s2  }
0xb: {  	[smem:$0x3F9D] =	sst s3  }
0xc: {  	[smem:$0x3F9E] =	sst s4  }
0xd: {  	[smem:$0x3F9F] =	sst s5  }
0xe: {  	[smem:$0x3FA0] =	sst s6  }
0xf: {  	[smem:$0x3FA1] =	sst s7  }
0x10: {  	[smem:$0x3FA2] =	sst s8  }
0x11: {  	[smem:$0x3FA3] =	sst s9;
	s0 =	simm.s32 @!p0 $0x0  }
0x12: {  	s1 =	sld [smem:$0x3F89];
	s0 =	simm.s32 @p0 $0x1  }
0x13: {  	[smem:$0x3FA4] =	sst s0;
	s0 =	simm.s32 @!p1 $0x0  }
0x14: {  	s2 =	sld [smem:$0x3F88];
	s0 =	simm.s32 @p1 $0x1  }
0x15: {  	[smem:$0x3FA5] =	sst s0;
	s0 =	simm.s32 @!p2 $0x0  }
0x16: {  	s3 =	sld [smem:$0x3FDB];
	s0 =	simm.s32 @p2 $0x1  }
0x17: {  	s4 =	simm.s32 $0x1BF5;
	[smem:$0x3FA7] =	sst s0  }
0x18: {  	s0 =	sld [smem:$0x3F8A];
	_ =	swait.ge [sflag:s4], $0x0  }
0x19: {  	s7 =	sld [smem:$0x3F8B]  }
0x1a: {  	s8 =	sadd.s32 $0xFFFFE003, lr  }
0x1b: {  	s9 =	sadd.s32 $0xFFFFFEF7, lr;
	s5 =	simm.s32 $0xFFFFFFFF;
	p2 =	slt.u32 s8, $0xFFFFF086  }
0x1c: {  	p1 =	slt.u32 s9, $0xF7A;
	s5 =	simm.s32 @!p2 $0x0  }
0x1d: {  	s5 =	simm.s32 @p1 $0x1;
	p0 =	seq.s32 s7, s2  }
0x1e: {  	s7 =	smul.u32 @!p0 $0xF7A, s2;
	p2 =	seq.s32 @!p0 s5, $0x0  }
0x1f: {  	s9 =	smul.u32 $0xF7A, s1;
	s8 =	simm.s32 @!p0 $0x1BF5;
	p2 =	por !p2, p0  }
0x20: {  	[sflag:s8] =	ssyncset.s32 @!p0 $0xFFFFF086;
	s6 =	sadd.s32 @!p0 s3, s7;
	s7 =	simm.s32 @!p0 $0x108  }
0x21: {  	s3 =	sadd.s32 s3, s9;
	s6 =	sadd.s32 @!p0 $0x88, s6;
	s7 =	simm.s32 @p2 $0x1082  }
0x22: {  	[simem:s7], [sflag:s8] =	dma.local @!p0 [hbm:s6], $0xF7A  }
0x23: {  	s9 =	sor.u32 $0xD0000000, s2;
	s6 =	simm.s32 $0x108;
	_ =	swait.ge @!p0 [sflag:s8], $0x0  }
0x24: {  	s3 =	sadd.s32 $0x88, s3;
	s6 =	simm.s32 @!p1 $0x1082;
	[sflag:s4] =	ssyncset.s32 $0xFFFFF086  }
0x25: {  	[simem:s6], [sflag:s4] =	dma.local [hbm:s3], $0xF7A  }
0x26: {  	[smem:$0x3F8B] =	sst s1;
	(tag) =	ssettag s2;
	_ =	strace s9  }
0x27: {  	s1 =	sld [smem:$0x3F9B]  }
0x28: {  	s2 =	sld [smem:$0x3F9C]  }
0x29: {  	s4 =	sld [smem:$0x3F9E]  }
0x2a: {  	p0 =	seq.s32 s5, $0x0;
	s5 =	sld [smem:$0x3F9F]  }
0x2b: {  	s6 =	sld [smem:$0x3FA0]  }
0x2c: {  	s7 =	sld [smem:$0x3FA1]  }
0x2d: {  	s3 =	simm.s32 $0x108;
	s8 =	sld [smem:$0x3FA2]  }
0x2e: {  	s3 =	simm.s32 @!p0 $0x1082;
	s9 =	sld [smem:$0x3FA3]  }
0x2f: {  	lr =	sadd.s32 s0, s3;
	s0 =	sld [smem:$0x3F9A]  }
0x30: {  	s3 =	sld [smem:$0x3F9D]  }
0x31: {  	[smem:$0x3FA6] =	sst s10  }
0x32: {  	s10 =	sld [smem:$0x3FA4];
	_ =	sdelay $0x3  }
0x33: {  	p0 =	seq.s32 s10, $0x1;
	s10 =	sld [smem:$0x3FA6];
	_ =	sdelay $0x3  }
0x34: {  	[smem:$0x3FA6] =	sst s10  }
0x35: {  	s10 =	sld [smem:$0x3FA5];
	_ =	sdelay $0x3  }
0x36: {  	p1 =	seq.s32 s10, $0x1;
	s10 =	sld [smem:$0x3FA6];
	_ =	sdelay $0x3  }
0x37: {  	[smem:$0x3FA6] =	sst s10  }
0x38: {  	s10 =	sld [smem:$0x3FA7]  }
0x39: {  	_ = 	snop;
	(pc) =	sbr.ind lr, $3  }
0x3a: {  	_ = 	snop  }
0x3b: {  	_ = 	snop  }
0x3c: {  	p2 =	seq.s32 s10, $0x1;
	s10 =	sld [smem:$0x3FA6]  }
0x3d: {  	_ =	shalt  }
0x3e: {  	_ =	shalt  }
0x3f: {  	_ =	shalt  }
0x40: {  	_ =	shalt  }
0x41: {  	_ =	shalt  }
0x42: {  	_ =	shalt  }
0x43: {  	_ =	shalt  }
0x44: {  	_ =	shalt  }
0x45: {  	_ =	shalt  }
0x46: {  	_ =	shalt  }
0x47: {  	_ =	shalt  }
0x48: {  	_ =	shalt  }
0x49: {  	_ =	shalt  }
0x4a: {  	_ =	shalt  }
0x4b: {  	_ =	shalt  }
0x4c: {  	_ =	shalt  }
0x4d: {  	_ =	shalt  }
0x4e: {  	_ =	shalt  }
0x4f: {  	_ =	shalt  }
0x50: {  	_ =	shalt  }
0x51: {  	_ =	shalt  }
0x52: {  	_ =	shalt  }
0x53: {  	_ =	shalt  }
0x54: {  	_ =	shalt  }
0x55: {  	_ =	shalt  }
0x56: {  	_ =	shalt  }
0x57: {  	_ =	shalt  }
0x58: {  	_ =	shalt  }
0x59: {  	_ =	shalt  }
0x5a: {  	_ =	shalt  }
0x5b: {  	_ =	shalt  }
0x5c: {  	_ =	shalt  }
0x5d: {  	_ =	shalt  }
0x5e: {  	_ =	shalt  }
0x5f: {  	_ =	shalt  }
0x60: {  	_ =	shalt  }
0x61: {  	_ =	shalt  }
0x62: {  	_ =	shalt  }
0x63: {  	_ =	shalt  }
0x64: {  	_ =	shalt  }
0x65: {  	_ =	shalt  }
0x66: {  	_ =	shalt  }
0x67: {  	_ =	shalt  }
0x68: {  	_ =	shalt  }
0x69: {  	_ =	shalt  }
0x6a: {  	_ =	shalt  }
0x6b: {  	_ =	shalt  }
0x6c: {  	_ =	shalt  }
0x6d: {  	_ =	shalt  }
0x6e: {  	_ =	shalt  }
0x6f: {  	_ =	shalt  }
0x70: {  	_ =	shalt  }
0x71: {  	_ =	shalt  }
0x72: {  	_ =	shalt  }
0x73: {  	_ =	shalt  }
0x74: {  	_ =	shalt  }
0x75: {  	_ =	shalt  }
0x76: {  	_ =	shalt  }
0x77: {  	_ =	shalt  }
0x78: {  	_ =	shalt  }
0x79: {  	_ =	shalt  }
0x7a: {  	_ =	shalt  }
0x7b: {  	_ =	shalt  }
0x7c: {  	_ =	shalt  }
0x7d: {  	_ =	shalt  }
0x7e: {  	_ =	shalt  }
0x7f: {  	_ =	shalt  }
0x80: {  	_ =	shalt  }
0x81: {  	_ =	shalt  }
0x82: {  	_ =	shalt  }
0x83: {  	_ =	shalt  }
0x84: {  	_ =	shalt  }
0x85: {  	_ =	shalt  }
0x86: {  	_ =	shalt  }
0x87: {  	_ =	shalt  }
.Lfunc_end0:
.L_simem_size_0:
called_computation_lowered:
.L_overlay_start_0:
0x88: {  	s2 =	sld [smem:$0x3FD9]  }
0x89: {  	s3 =	sld [smem:$0x3FFE];
	_ =	sdelay $0x1  }
0x8a: {  	s1 =	srdreg.scid  }
0x8b: {  	s0 =	sand.u32 $0x1, s1  }
0x8c: {  	s14 =	sshll.u32 s0, $0xA;
	s2 =	sadd.s32 s3, s2  }
0x8d: {  	s2 =	sadd.s32 s2, s14  }
0x8e: {  	[smem:$0x3FB2] =	sst s2  }
0x8f: {  	_ = 	snop  }
0x90: {  	s2 =	sld [smem:$0x3FD0];
	_ =	sdelay $0x2  }
0x91: {  	s15 =	simm.s32 $0xA;
	s4 =	simm.s32 $0x10  }
0x92: {  	[smem:s4], [sflag:s15] =	dma.local [hbm:s2], $0x1  }
0x93: {  	_ =	swait.eq [sflag:s15], $0x1  }
0x94: {  	[sflag:s15] =	ssyncset.done $0x0  }
0x95: {  	s16 =	sld [smem:$0x11];
	[sflag:s15] =	ssyncadd.s32 $0xFFFFFFFF  }
0x96: {  	s17 =	sld [smem:$0x12];
	(tm) =	ssettm $0x1  }
0x97: {  	s18 =	sld [smem:$0x3FFB];
	_ =	sdelay $0x3  }
0x98: {  	_ =	strace s18  }
0x99: {  	s4 =	sld [smem:$0x3FFC];
	_ =	sdelay $0x3  }
0x9a: {  	_ =	strace s4  }
0x9b: {  	s4 =	sld [smem:$0x3FFD];
	_ =	sdelay $0x3  }
0x9c: {  	_ =	strace s4  }
0x9d: {  	_ =	strace $0x8FFFFFFF  }
0x9e: {  	s19 =	sld [smem:$0x3FDB];
	_ =	sdelay $0x1  }
0x9f: {  	s5 =	simm.s32 $_scs_section_size  }
0xa0: {  	s6 =	simm.s32 $_size__tile_overlayer_lowered;
	s7 =	simm.s32 $_tile_overlayer_lowered  }
0xa1: {  	s22 =	simm.s32 $0x1BFF;
	s21 =	sshll.u32 s7, $0x1;
	s4 =	sadd.s32 s5, s19  }
0xa2: {  	s8 =	simm.s32 $0x0;
	s20 =	sshll.u32 s6, $0x1;
	s6 =	sadd.s32 s21, s4  }
0xa3: {  	[timem:s8], [sflag:s22] =	dma.local [hbm:s6], s20  }
0xa4: {  	_ =	swait.ge [sflag:s22], s20  }
0xa5: {  	s5 =	ssub.s32 $0x0, s20;
	[sflag:s22] =	ssyncset.done $0x0  }
0xa6: {  	[sflag:s22] =	ssyncadd.s32 s5;
	_ =	sdelay $0x1  }
0xa7: {  	s23 =	simm.s32 $0x1B8B  }
0xa8: {  	_ =	swait.ge [sflag:s23], $0x1  }
0xa9: {  	[sflag:s23] =	ssyncset.done $0x0  }
0xaa: {  	s25 =	simm.s32 $0x1B8E;
	s24 =	sld [smem:$0x3FFE];
	[sflag:s23] =	ssyncadd.s32 $0xFFFFFFFF  }
0xab: {  	s26 =	simm.s32 $execute0_lowered;
	[smem:$0x3FD2] =	sst s25  }
0xac: {  	s6 =	sshll.u32 s26, $0x1;
	_ =	strace $0x80000046;
	[dreg:$0x1] =	wrdreg $0xFFFFFFFF  }
0xad: {  	s28 =	simm.s32 $_size_execute0_lowered;
	s4 =	sadd.s32 s4, s6;
	[dreg:$0x0] =	wrdreg $0x0  }
0xae: {  	s6 =	sshll.u32 s28, $0x1;
	[dreg:$0x2] =	wrdreg s4  }
0xaf: {  	[dreg:$0x3] =	wrdreg s6  }
0xb0: {  	[dreg:$0x4] =	wrdreg $0xC0  }
0xb1: {  	_ =	task [dreg:s8], $0x5FFFF  }
0xb2: {  	[dreg:$0x1] =	wrdreg $0xFFFFFFFF  }
0xb3: {  	[dreg:$0x0] =	wrdreg $0x60  }
0xb4: {  	[dreg:$0x2] =	wrdreg s24  }
0xb5: {  	[dreg:$0x3] =	wrdreg s17  }
0xb6: {  	[dreg:$0x4] =	wrdreg s16  }
0xb7: {  	[dreg:$0x5] =	wrdreg $0x0  }
0xb8: {  	[dreg:$0x6] =	wrdreg $0x9  }
0xb9: {  	_ =	task.clear_ibuf [dreg:s8], $0x7FFFF;
	_ =	strace $0x90000046  }
0xba: {  	s29 =	simm.s32 $0x9;
	_ =	strace $0x80000048  }
0xbb: {  	_ =	swait.ge [sflag:s29], $0x1  }
0xbc: {  	[sflag:s29] =	ssyncadd.s32 $0xFFFFFFFF  }
0xbd: {  	_ =	strace $0x90000048  }
0xbe: {  	_ =	sfence  }
0xbf: {  	s30 =	sld [smem:$0x0];
	_ =	sdelay $0x2  }
0xc0: {  	s31 =	sshll.u32 s1, $0xD;
	s1 =	sshrl.u32 s1, $0x2  }
0xc1: {  	s3 =	sand.u32 $0x4000, s31;
	s1 =	sadd.s32 s1, s30  }
0xc2: {  	s0 =	sor.u32 s3, s0;
	s1 =	sshll.u32 s1, $0x11  }
0xc3: {  	s0 =	sor.u32 s1, s0  }
0xc4: {  	s0 =	sadd.s32 $0x8F2B, s0  }
0xc5: {  	[sflag:s0] =	ssyncadd.remote.s32 $0x1  }
0xc6: {  	_ =	sfence.sel $0xFFFF  }
0xc7: {  	[dreg:$0x0] =	wrdreg $0xFFFFFFFF;
	(pc) =	sbr.abs _section_cstart, $3  }
0xc8: {  	[dreg:$0x1] =	wrdreg $0xFFFFFFFF  }
0xc9: {  	_ =	task.clear_ibuf [dreg:s8], $0x2FFFF;
	_ =	strace $0x9FFFFFFF  }
0xca: {  	(tm) =	ssettm $0x7FFFFFFF  }
0xcb: {  	_ =	shalt  }
tec
execute0_lowered:
.L_overlay_start_1:
0x0: {  	(tag) =	ssettag $0x1  }
0x1: {  	s0 =	rddreg [dreg:$0x0]  }
0x2: {  	s11 =	rddreg [dreg:$0x3];
	s4 =	simm.s32 $0x0  }
0x3: {  	s1 =	srdreg.scid;
	s9 =	sadd.s32 $0x6E1200, s0;
	s10 =	sadd.s32 $0x3D3E00, s0  }
0x4: {  	[smem:$0x7FF] =	sst s4;
	s12 =	sadd.s32 $0xC6A00, s0;
	s13 =	sadd.s32 $0x1992600, s0  }
0x5: {  	s15 =	stileid.u32;
	s16 =	sadd.s32 $0x1685200, s0;
	s18 =	sadd.s32 $0x1377E00, s0  }
0x6: {  	s14 =	sadd.s32 $0x106AA00, s0;
	_ =	strace $0x80000047;
	[dreg:$0x5] =	wrdreg s9  }
0x7: {  	s24 =	sadd.s32 $0xD5D600, s0;
	s26 =	sadd.s32 $0xA50200, s0;
	[dreg:$0x6] =	wrdreg s10  }
0x8: {  	s8 =	sadd.s32 $0x742E00, s0;
	s1 =	sand.u32 $0x1, s1;
	[dreg:$0x7] =	wrdreg s12  }
0x9: {  	s0 =	sadd.s32 $0x3200, s0;
	s3 =	smul.u32 $0x61C00, s15;
	[dreg:$0x8] =	wrdreg s13  }
0xa: {  	s6 =	sshll.u32 s15, $0x1;
	s22 =	smul.u32 $0x18700, s15;
	[dreg:$0x9] =	wrdreg s16  }
0xb: {  	s2 =	ssub.s32 $0x2, s1;
	s7 =	smul.u32 $0x186A00, s1;
	[dreg:$0xa] =	wrdreg s18  }
0xc: {  	s6 =	sor.u32 s1, s6;
	s15 =	smov.u32 s24;
	[dreg:$0xb] =	wrdreg s14  }
0xd: {  	s5 =	sshrl.u32 s2, $0x1;
	s21 =	sshrl.u32 s3, $0x2;
	s3 =	smov.u32 s26  }
0xe: {  	s23 =	sshll.u32 s6, $0x6;
	s2 =	ssub.s32 s2, s5;
	[dreg:$0x17] =	wrdreg s3  }
0xf: {  	s1 =	sadd.s32 s21, s11;
	s25 =	sadd.s32 s22, s7;
	[dreg:$0x1a] =	wrdreg s2  }
0x10: {  	s5 =	smov.u32 s22;
	s7 =	sshrl.u32 s7, $0x3;
	[dreg:$0x19] =	wrdreg s1  }
0x11: {  	s1 =	sadd.s32 s9, s23;
	s2 =	sshrl.u32 s25, $0x3;
	s7 =	sadd.s32 s0, s7  }
0x12: {  	[dreg:$0xd] =	wrdreg s1;
	s1 =	sshll.u32 s6, $0x9;
	s0 =	sadd.s32 s0, s2  }
0x13: {  	s7 =	sadd.s32 $0x2DD20, s7;
	s17 =	sadd.s32 s10, s1;
	[dreg:$0xe] =	wrdreg s0  }
0x14: {  	s19 =	sadd.s32 s12, s1;
	s20 =	sadd.s32 s13, s1;
	s21 =	sadd.s32 s16, s1  }
0x15: {  	s22 =	sadd.s32 s18, s1;
	s23 =	sadd.s32 s14, s1;
	s24 =	sadd.s32 s24, s1  }
0x16: {  	s2 =	sor.u32 $0x30C000, s1;
	s25 =	sadd.s32 s26, s1;
	s26 =	sadd.s32 s8, s1  }
0x17: {  	[dreg:$0xf] =	wrdreg s7;
	s7 =	smov.u32 s15;
	s0 =	sshrl.u32 s2, $0x3  }
0x18: {  	s30 =	sadd.s32 s10, s2;
	s31 =	sadd.s32 s12, s2;
	s28 =	sadd.s32 s16, s2  }
0x19: {  	s29 =	sadd.s32 s18, s2;
	s18 =	sadd.s32 s14, s2;
	[dreg:$0xc] =	wrdreg s7  }
0x1a: {  	s12 =	sadd.s32 s15, s2;
	s1 =	sadd.s32 s3, s2;
	s15 =	smov.u32 s8  }
0x1b: {  	s14 =	sor.u32 $0x20, s6;
	s0 =	sadd.s32 s9, s0;
	s9 =	rddreg [dreg:$0x1a]  }
0x1c: {  	s10 =	stileid.u32;
	s16 =	sadd.s32 $0x16E900, s11;
	[dreg:$0x13] =	wrdreg s14  }
0x1d: {  	p0 =	seq.s32 s10, $0xF;
	p1 =	sgt.u32 s10, $0x4;
	[dreg:$0x16] =	wrdreg s16  }
0x1e: {  	s14 =	simm.s32 $0x200;
	[dreg:$0x10] =	wrdreg s0;
	s0 =	sadd.s32 s13, s2  }
0x1f: {  	s2 =	sadd.s32 s8, s2;
	s8 =	sadd.s32 s5, s11;
	s5 =	smax.u32 s9, $0x1  }
.Ltmp0:
0x20: {  	s13 =	sor.u32 $0x40, s6;
	[dreg:$0x11] =	wrdreg s5;
	(pc) =	sbr.rel .LBB2_1-.Ltmp0, $4  }
0x21: {  	s16 =	simm.s32 $0x18AA0;
	s9 =	simm.s32 $0x188A0;
	[dreg:$0x12] =	wrdreg s13  }
0x22: {  	s6 =	simm.s32 $0x0;
	s5 =	rddreg [dreg:$0x19];
	s3 =	sshrl.u32 s8, $0x3  }
0x23: {  	s8 =	simm.s32 $0x3;
	s5 =	sshrl.u32 @!p0 s5, $0x3;
	[dreg:$0x15] =	wrdreg s3  }
0x24: {  	s13 =	simm.s32 $0x186A0;
	s3 =	simm.s32 $0x1;
	[dreg:$0x14] =	wrdreg s5  }
.LBB2_79:
0x25: {  	s5 =	rddreg [dreg:$0x16]  }
0x26: {  	s6 =	rddreg [dreg:$0xf];
	s7 =	simm.s32 $0x1FC3;
	s5 =	sshrl.u32 s5, $0x3  }
0x27: {  	[hbm:s6], [sflag:s7] =	dma.local [spmem:s5], $0x3020  }
0x28: {  	_ =	swait.ge [sflag:s8], $0x3020  }
0x29: {  	[sflag:s8] =	ssyncset.done $0x0  }
0x2a: {  	s6 =	rddreg [dreg:$0x18];
	[sflag:s8] =	ssyncadd.s32 $0xFFFFCFE0  }
.LBB2_80:
0x2b: {  	s6 =	sadd.s32 $0x1, s6;
	s5 =	rddreg [dreg:$0x11]  }
0x2c: {  	p2 =	sne.s32 s6, s5  }
.Ltmp1:
0x2d: {  	_ = 	snop;
	(pc) =	sbr.rel @!p2 .LBB2_81-.Ltmp1, $1  }
0x2e: {  	_ =	sdelay $0x3  }
.LBB2_1:
0x2f: {  	[dreg:$0x18] =	wrdreg s6  }
0x30: {  	s5 =	rddreg [dreg:$0x16]  }
0x31: {  	s6 =	simm.s32 @p0 $0x1FC3;
	s7 =	rddreg [dreg:$0x1];
	s5 =	sshrl.u32 @p0 s5, $0x3  }
0x32: {  	[spmem:s5], [sflag:s6] =	dma.local @p0 [hbm:s7], $0x3020  }
0x33: {  	s5 =	simm.s32 @p0 $0x3  }
0x34: {  	s6 =	stileid.u32;
	_ =	swait.ge @p0 [sflag:s5], $0x3020  }
0x35: {  	s6 =	sshll.u32 @!p0 s6, $0x6;
	[sflag:s5] =	ssyncset.done @p0 $0x0  }
0x36: {  	[sflag:s5] =	ssyncadd.s32 @p0 $0xFFFFCFE0;
	s5 =	sor.u32 @!p0 $0x1C03, s6;
	s6 =	rddreg [dreg:$0x14]  }
0x37: {  	[spmem:s6], [sflag:s5] =	dma.local @!p0 [hbm:s7], $0x30E0  }
0x38: {  	s5 =	simm.s32 @!p0 $0x3  }
0x39: {  	_ =	swait.ge @!p0 [sflag:s5], $0x30E0  }
0x3a: {  	[sflag:s5] =	ssyncset.done @!p0 $0x0  }
0x3b: {  	[sflag:s5] =	ssyncadd.s32 @!p0 $0xFFFFCF20  }
0x3c: {  	s5 =	rddreg [dreg:$0x2]  }
0x3d: {  	[tilespmem:s16], [sflag:$0x3] =	stream.linear.gather [hbm4b:s5+s4], $0x2000, $0x38;
	[tilespmem:$0x1CAA0] =	vst v63  }
0x3e: {  	_ =	swait.ge [sflag:s8], $0x2000  }
0x3f: {  	[sflag:s8] =	ssyncset.done $0x0  }
0x40: {  	s10 =	simm.s32 $0x1AAA0;
	[sflag:s8] =	ssyncadd.s32 $0xFFFFE000  }
0x41: {  	[tilespmem:s10], [sflag:$0x3] =	stream.linear.gather [hbm4b:s5+s4], $0x2000, $0x38;
	[tilespmem:$0x1CAA0] =	vst v63  }
0x42: {  	_ =	swait.ge [sflag:s8], $0x2000  }
0x43: {  	[sflag:s8] =	ssyncset.done $0x0  }
0x44: {  	[sflag:s8] =	ssyncadd.s32 $0xFFFFE000  }
0x45: {  	s6 =	simm.s32 $0x18AB0;
	s7 =	simm.s32 $0x18AA0;
	[bflag:$0x0] =	sbarrier.arrive $0xFFFF  }
0x46: {  	s5 =	simm.s32 $0x1;
	s8 =	sadd.s32 $0x0, s17;
	s16 =	rddreg [dreg:$0xd]  }
0x47: {  	[tilespmem:s13], [sflag:$0x1] =	stream.linear.gather [hbm4b:s16+s4], $0x200, $0x38;
	[tilespmem:$0x1CAA0] =	vst v63  }
.LBB2_2:
0x48: {  	[tilespmem:s7], [sflag:$0x1] =	stream.linear.gather [hbm4b:s8+s4], $0x1, $0x38;
	[tilespmem:$0x1CAA0] =	vst v63  }
0x49: {  	s8 =	smov.u32 s5;
	s7 =	smov.u32 s6;
	p2 =	sne.s32 s5, $0x1FF  }
.Ltmp2:
0x4a: {  	s5 =	sadd.s32 $0x1, s5;
	(pc) =	sbr.rel @p2 .LBB2_2-.Ltmp2, $2  }
0x4b: {  	_ =	sdelay $0x2  }
0x4c: {  	s6 =	sadd.s32 $0x10, s6;
	s8 =	sadd.s32 s8, s17  }
0x4d: {  	[tilespmem:s7], [sflag:$0x1] =	stream.linear.gather [hbm4b:s8+s4], $0x1, $0x38;
	[tilespmem:$0x1CAA0] =	vst v63  }
0x4e: {  	s5 =	simm.s32 $0x18AA1  }
0x4f: {  	s6 =	simm.s32 $0x1;
	s8 =	sadd.s32 $0x0, s19;
	s7 =	simm.s32 $0x18AB1  }
.LBB2_4:
0x50: {  	[tilespmem:s5], [sflag:$0x1] =	stream.linear.gather [hbm4b:s8+s4], $0x1, $0x38;
	[tilespmem:$0x1CAA0] =	vst v63  }
0x51: {  	s8 =	smov.u32 s6;
	s5 =	smov.u32 s7;
	p2 =	sne.s32 s6, $0x1FF  }
.Ltmp3:
0x52: {  	s6 =	sadd.s32 $0x1, s6;
	(pc) =	sbr.rel @p2 .LBB2_4-.Ltmp3, $2  }
0x53: {  	_ =	sdelay $0x2  }
0x54: {  	s7 =	sadd.s32 $0x10, s7;
	s8 =	sadd.s32 s8, s19  }
0x55: {  	[tilespmem:s5], [sflag:$0x1] =	stream.linear.gather [hbm4b:s8+s4], $0x1, $0x38;
	[tilespmem:$0x1CAA0] =	vst v63  }
0x56: {  	s5 =	simm.s32 $0x18AA2  }
0x57: {  	s6 =	simm.s32 $0x1;
	s8 =	sadd.s32 $0x0, s20;
	s7 =	simm.s32 $0x18AB2  }
.LBB2_6:
0x58: {  	[tilespmem:s5], [sflag:$0x1] =	stream.linear.gather [hbm4b:s8+s4], $0x1, $0x38;
	[tilespmem:$0x1CAA0] =	vst v63  }
0x59: {  	s8 =	smov.u32 s6;
	s5 =	smov.u32 s7;
	p2 =	sne.s32 s6, $0x1FF  }
.Ltmp4:
0x5a: {  	s6 =	sadd.s32 $0x1, s6;
	(pc) =	sbr.rel @p2 .LBB2_6-.Ltmp4, $2  }
0x5b: {  	_ =	sdelay $0x2  }
0x5c: {  	s7 =	sadd.s32 $0x10, s7;
	s8 =	sadd.s32 s8, s20  }
0x5d: {  	[tilespmem:s5], [sflag:$0x1] =	stream.linear.gather [hbm4b:s8+s4], $0x1, $0x38;
	[tilespmem:$0x1CAA0] =	vst v63  }
0x5e: {  	s5 =	simm.s32 $0x18AA3  }
0x5f: {  	s6 =	simm.s32 $0x1;
	s8 =	sadd.s32 $0x0, s21;
	s7 =	simm.s32 $0x18AB3  }
.LBB2_8:
0x60: {  	[tilespmem:s5], [sflag:$0x1] =	stream.linear.gather [hbm4b:s8+s4], $0x1, $0x38;
	[tilespmem:$0x1CAA0] =	vst v63  }
0x61: {  	s8 =	smov.u32 s6;
	s5 =	smov.u32 s7;
	p2 =	sne.s32 s6, $0x1FF  }
.Ltmp5:
0x62: {  	s6 =	sadd.s32 $0x1, s6;
	(pc) =	sbr.rel @p2 .LBB2_8-.Ltmp5, $2  }
0x63: {  	_ =	sdelay $0x2  }
0x64: {  	s7 =	sadd.s32 $0x10, s7;
	s8 =	sadd.s32 s8, s21  }
0x65: {  	[tilespmem:s5], [sflag:$0x1] =	stream.linear.gather [hbm4b:s8+s4], $0x1, $0x38;
	[tilespmem:$0x1CAA0] =	vst v63  }
0x66: {  	s5 =	simm.s32 $0x18AA4  }
0x67: {  	s6 =	simm.s32 $0x1;
	s8 =	sadd.s32 $0x0, s22;
	s7 =	simm.s32 $0x18AB4  }
.LBB2_10:
0x68: {  	[tilespmem:s5], [sflag:$0x1] =	stream.linear.gather [hbm4b:s8+s4], $0x1, $0x38;
	[tilespmem:$0x1CAA0] =	vst v63  }
0x69: {  	s8 =	smov.u32 s6;
	s5 =	smov.u32 s7;
	p2 =	sne.s32 s6, $0x1FF  }
.Ltmp6:
0x6a: {  	s6 =	sadd.s32 $0x1, s6;
	(pc) =	sbr.rel @p2 .LBB2_10-.Ltmp6, $2  }
0x6b: {  	_ =	sdelay $0x2  }
0x6c: {  	s7 =	sadd.s32 $0x10, s7;
	s8 =	sadd.s32 s8, s22  }
0x6d: {  	[tilespmem:s5], [sflag:$0x1] =	stream.linear.gather [hbm4b:s8+s4], $0x1, $0x38;
	[tilespmem:$0x1CAA0] =	vst v63  }
0x6e: {  	s5 =	simm.s32 $0x18AA5  }
0x6f: {  	s6 =	simm.s32 $0x1;
	s8 =	sadd.s32 $0x0, s23;
	s7 =	simm.s32 $0x18AB5  }
.LBB2_12:
0x70: {  	[tilespmem:s5], [sflag:$0x1] =	stream.linear.gather [hbm4b:s8+s4], $0x1, $0x38;
	[tilespmem:$0x1CAA0] =	vst v63  }
0x71: {  	s8 =	smov.u32 s6;
	s5 =	smov.u32 s7;
	p2 =	sne.s32 s6, $0x1FF  }
.Ltmp7:
0x72: {  	s6 =	sadd.s32 $0x1, s6;
	(pc) =	sbr.rel @p2 .LBB2_12-.Ltmp7, $2  }
0x73: {  	_ =	sdelay $0x2  }
0x74: {  	s7 =	sadd.s32 $0x10, s7;
	s8 =	sadd.s32 s8, s23  }
0x75: {  	[tilespmem:s5], [sflag:$0x1] =	stream.linear.gather [hbm4b:s8+s4], $0x1, $0x38;
	[tilespmem:$0x1CAA0] =	vst v63  }
0x76: {  	s5 =	simm.s32 $0x18AA8  }
0x77: {  	s6 =	simm.s32 $0x1;
	s8 =	sadd.s32 $0x0, s24;
	s7 =	simm.s32 $0x18AB8  }
.LBB2_14:
0x78: {  	[tilespmem:s5], [sflag:$0x1] =	stream.linear.gather [hbm4b:s8+s4], $0x1, $0x38;
	[tilespmem:$0x1CAA0] =	vst v63  }
0x79: {  	s8 =	smov.u32 s6;
	s5 =	smov.u32 s7;
	p2 =	sne.s32 s6, $0x1FF  }
.Ltmp8:
0x7a: {  	s6 =	sadd.s32 $0x1, s6;
	(pc) =	sbr.rel @p2 .LBB2_14-.Ltmp8, $2  }
0x7b: {  	_ =	sdelay $0x2  }
0x7c: {  	s7 =	sadd.s32 $0x10, s7;
	s8 =	sadd.s32 s8, s24  }
0x7d: {  	[tilespmem:s5], [sflag:$0x1] =	stream.linear.gather [hbm4b:s8+s4], $0x1, $0x38;
	[tilespmem:$0x1CAA0] =	vst v63  }
0x7e: {  	s5 =	simm.s32 $0x18AA9  }
0x7f: {  	s6 =	simm.s32 $0x1;
	s8 =	sadd.s32 $0x0, s25;
	s7 =	simm.s32 $0x18AB9  }
.LBB2_16:
0x80: {  	[tilespmem:s5], [sflag:$0x1] =	stream.linear.gather [hbm4b:s8+s4], $0x1, $0x38;
	[tilespmem:$0x1CAA0] =	vst v63  }
0x81: {  	s8 =	smov.u32 s6;
	s5 =	smov.u32 s7;
	p2 =	sne.s32 s6, $0x1FF  }
.Ltmp9:
0x82: {  	s6 =	sadd.s32 $0x1, s6;
	(pc) =	sbr.rel @p2 .LBB2_16-.Ltmp9, $2  }
0x83: {  	_ =	sdelay $0x2  }
0x84: {  	s7 =	sadd.s32 $0x10, s7;
	s8 =	sadd.s32 s8, s25  }
0x85: {  	[tilespmem:s5], [sflag:$0x1] =	stream.linear.gather [hbm4b:s8+s4], $0x1, $0x38;
	[tilespmem:$0x1CAA0] =	vst v63  }
0x86: {  	s16 =	simm.s32 $0x0;
	s5 =	simm.s32 $0x18AAA  }
0x87: {  	s6 =	simm.s32 $0x1;
	s8 =	sadd.s32 $0x0, s26;
	s7 =	simm.s32 $0x18ABA  }
.LBB2_18:
0x88: {  	[tilespmem:s5], [sflag:$0x1] =	stream.linear.gather [hbm4b:s8+s16], $0x1, $0x38;
	[tilespmem:$0x1CAA0] =	vst v63  }
0x89: {  	s8 =	smov.u32 s6;
	s5 =	smov.u32 s7;
	p2 =	sne.s32 s6, $0x1FF  }
.Ltmp10:
0x8a: {  	s6 =	sadd.s32 $0x1, s6;
	(pc) =	sbr.rel @p2 .LBB2_18-.Ltmp10, $2  }
0x8b: {  	_ =	sdelay $0x2  }
0x8c: {  	s7 =	sadd.s32 $0x10, s7;
	s8 =	sadd.s32 s8, s26  }
0x8d: {  	[tilespmem:s5], [sflag:$0x1] =	stream.linear.gather [hbm4b:s8+s16], $0x1, $0x38;
	[tilespmem:$0x1CAA0] =	vst v63  }
.LBB2_20:
0x8e: {  	_ =	swait.ge [sflag:s3], $0x200  }
0x8f: {  	[sflag:s3] =	ssyncset.done $0x0  }
0x90: {  	[sflag:s3] =	ssyncadd.s32 $0xFFFFFE00  }
0x91: {  	_ =	swait.ge [sflag:s3], $0x200  }
0x92: {  	[sflag:s3] =	ssyncset.done $0x0  }
0x93: {  	[sflag:s3] =	ssyncadd.s32 $0xFFFFFE00  }
0x94: {  	_ =	swait.ge [sflag:s3], $0x200  }
0x95: {  	[sflag:s3] =	ssyncset.done $0x0  }
0x96: {  	[sflag:s3] =	ssyncadd.s32 $0xFFFFFE00  }
0x97: {  	_ =	swait.ge [sflag:s3], $0x200  }
0x98: {  	[sflag:s3] =	ssyncset.done $0x0  }
0x99: {  	[sflag:s3] =	ssyncadd.s32 $0xFFFFFE00  }
0x9a: {  	_ =	swait.ge [sflag:s3], $0x200  }
0x9b: {  	[sflag:s3] =	ssyncset.done $0x0  }
0x9c: {  	[sflag:s3] =	ssyncadd.s32 $0xFFFFFE00  }
0x9d: {  	_ =	swait.ge [sflag:s3], $0x200  }
0x9e: {  	[sflag:s3] =	ssyncset.done $0x0  }
0x9f: {  	[sflag:s3] =	ssyncadd.s32 $0xFFFFFE00  }
0xa0: {  	_ =	swait.ge [sflag:s3], $0x200  }
0xa1: {  	[sflag:s3] =	ssyncset.done $0x0  }
0xa2: {  	[sflag:s3] =	ssyncadd.s32 $0xFFFFFE00  }
0xa3: {  	_ =	swait.ge [sflag:s3], $0x200  }
0xa4: {  	[sflag:s3] =	ssyncset.done $0x0  }
0xa5: {  	[sflag:s3] =	ssyncadd.s32 $0xFFFFFE00  }
0xa6: {  	_ =	swait.ge [sflag:s3], $0x200  }
0xa7: {  	[sflag:s3] =	ssyncset.done $0x0  }
0xa8: {  	[sflag:s3] =	ssyncadd.s32 $0xFFFFFE00  }
0xa9: {  	_ =	swait.ge [sflag:s3], $0x200  }
0xaa: {  	p2 =	seq.s32 s16, $0x0;
	[sflag:s3] =	ssyncset.done $0x0  }
0xab: {  	s6 =	simm.s32 @!p2 $0x2;
	[sflag:s3] =	ssyncadd.s32 $0xFFFFFE00  }
0xac: {  	_ =	swait.ge @!p2 [sflag:s6], $0x2000  }
0xad: {  	s5 =	sshll.u32 s16, $0x6;
	s7 =	rddreg [dreg:$0x13]  }
0xae: {  	s13 =	smov.u32 s11;
	s7 =	sor.u32 s7, s5  }
0xaf: {  	[sflag:s6] =	ssyncset.done @!p2 $0x0;
	s11 =	rddreg [dreg:$0x5];
	s8 =	sshll.u32 s7, $0x6  }
0xb0: {  	s10 =	simm.s32 $0x0;
	[sflag:s6] =	ssyncadd.s32 @!p2 $0xFFFFE000;
	s6 =	sadd.s32 s11, s8  }
0xb1: {  	[tilespmem:s9], [sflag:$0x1] =	stream.linear.gather [hbm4b:s6+s10], $0x200, $0x38;
	[tilespmem:$0x1CAA0] =	vst v63  }
0xb2: {  	s11 =	rddreg [dreg:$0x6];
	s6 =	sshll.u32 s7, $0x9  }
0xb3: {  	s8 =	simm.s32 $0x1AAA0;
	s7 =	sadd.s32 s11, s6  }
0xb4: {  	s9 =	simm.s32 $0x1;
	s10 =	simm.s32 $0x1AAB0;
	s11 =	sadd.s32 $0x0, s7  }
.LBB2_21:
0xb5: {  	[tilespmem:s8], [sflag:$0x1] =	stream.linear.gather [hbm4b:s11+s4], $0x1, $0x38;
	[tilespmem:$0x1CAA0] =	vst v63  }
0xb6: {  	s11 =	smov.u32 s9;
	s8 =	smov.u32 s10;
	p2 =	sne.s32 s9, $0x1FF  }
.Ltmp11:
0xb7: {  	s9 =	sadd.s32 $0x1, s9;
	(pc) =	sbr.rel @p2 .LBB2_21-.Ltmp11, $2  }
0xb8: {  	_ =	sdelay $0x2  }
0xb9: {  	s10 =	sadd.s32 $0x10, s10;
	s11 =	sadd.s32 s11, s7  }
0xba: {  	[tilespmem:s8], [sflag:$0x1] =	stream.linear.gather [hbm4b:s11+s4], $0x1, $0x38;
	[tilespmem:$0x1CAA0] =	vst v63  }
0xbb: {  	s7 =	rddreg [dreg:$0x7]  }
0xbc: {  	s8 =	simm.s32 $0x1AAA1;
	s7 =	sadd.s32 s7, s6  }
0xbd: {  	s9 =	simm.s32 $0x1;
	s10 =	simm.s32 $0x1AAB1;
	s11 =	sadd.s32 $0x0, s7  }
.LBB2_23:
0xbe: {  	[tilespmem:s8], [sflag:$0x1] =	stream.linear.gather [hbm4b:s11+s4], $0x1, $0x38;
	[tilespmem:$0x1CAA0] =	vst v63  }
0xbf: {  	s11 =	smov.u32 s9;
	s8 =	smov.u32 s10;
	p2 =	sne.s32 s9, $0x1FF  }
.Ltmp12:
0xc0: {  	s9 =	sadd.s32 $0x1, s9;
	(pc) =	sbr.rel @p2 .LBB2_23-.Ltmp12, $2  }
0xc1: {  	_ =	sdelay $0x2  }
0xc2: {  	s10 =	sadd.s32 $0x10, s10;
	s11 =	sadd.s32 s11, s7  }
0xc3: {  	[tilespmem:s8], [sflag:$0x1] =	stream.linear.gather [hbm4b:s11+s4], $0x1, $0x38;
	[tilespmem:$0x1CAA0] =	vst v63  }
0xc4: {  	s7 =	rddreg [dreg:$0x8]  }
0xc5: {  	s8 =	simm.s32 $0x1AAA2;
	s7 =	sadd.s32 s7, s6  }
0xc6: {  	s9 =	simm.s32 $0x1;
	s10 =	simm.s32 $0x1AAB2;
	s11 =	sadd.s32 $0x0, s7  }
.LBB2_25:
0xc7: {  	[tilespmem:s8], [sflag:$0x1] =	stream.linear.gather [hbm4b:s11+s4], $0x1, $0x38;
	[tilespmem:$0x1CAA0] =	vst v63  }
0xc8: {  	s11 =	smov.u32 s9;
	s8 =	smov.u32 s10;
	p2 =	sne.s32 s9, $0x1FF  }
.Ltmp13:
0xc9: {  	s9 =	sadd.s32 $0x1, s9;
	(pc) =	sbr.rel @p2 .LBB2_25-.Ltmp13, $2  }
0xca: {  	_ =	sdelay $0x2  }
0xcb: {  	s10 =	sadd.s32 $0x10, s10;
	s11 =	sadd.s32 s11, s7  }
0xcc: {  	[tilespmem:s8], [sflag:$0x1] =	stream.linear.gather [hbm4b:s11+s4], $0x1, $0x38;
	[tilespmem:$0x1CAA0] =	vst v63  }
0xcd: {  	s7 =	rddreg [dreg:$0x9]  }
0xce: {  	s8 =	simm.s32 $0x1AAA3;
	s7 =	sadd.s32 s7, s6  }
0xcf: {  	s9 =	simm.s32 $0x1;
	s10 =	simm.s32 $0x1AAB3;
	s11 =	sadd.s32 $0x0, s7  }
.LBB2_27:
0xd0: {  	[tilespmem:s8], [sflag:$0x1] =	stream.linear.gather [hbm4b:s11+s4], $0x1, $0x38;
	[tilespmem:$0x1CAA0] =	vst v63  }
0xd1: {  	s11 =	smov.u32 s9;
	s8 =	smov.u32 s10;
	p2 =	sne.s32 s9, $0x1FF  }
.Ltmp14:
0xd2: {  	s9 =	sadd.s32 $0x1, s9;
	(pc) =	sbr.rel @p2 .LBB2_27-.Ltmp14, $2  }
0xd3: {  	_ =	sdelay $0x2  }
0xd4: {  	s10 =	sadd.s32 $0x10, s10;
	s11 =	sadd.s32 s11, s7  }
0xd5: {  	[tilespmem:s8], [sflag:$0x1] =	stream.linear.gather [hbm4b:s11+s4], $0x1, $0x38;
	[tilespmem:$0x1CAA0] =	vst v63  }
0xd6: {  	s7 =	rddreg [dreg:$0xa]  }
0xd7: {  	s8 =	simm.s32 $0x1AAA4;
	s7 =	sadd.s32 s7, s6  }
0xd8: {  	s9 =	simm.s32 $0x1;
	s10 =	simm.s32 $0x1AAB4;
	s11 =	sadd.s32 $0x0, s7  }
.LBB2_29:
0xd9: {  	[tilespmem:s8], [sflag:$0x1] =	stream.linear.gather [hbm4b:s11+s4], $0x1, $0x38;
	[tilespmem:$0x1CAA0] =	vst v63  }
0xda: {  	s11 =	smov.u32 s9;
	s8 =	smov.u32 s10;
	p2 =	sne.s32 s9, $0x1FF  }
.Ltmp15:
0xdb: {  	s9 =	sadd.s32 $0x1, s9;
	(pc) =	sbr.rel @p2 .LBB2_29-.Ltmp15, $2  }
0xdc: {  	_ =	sdelay $0x2  }
0xdd: {  	s10 =	sadd.s32 $0x10, s10;
	s11 =	sadd.s32 s11, s7  }
0xde: {  	[tilespmem:s8], [sflag:$0x1] =	stream.linear.gather [hbm4b:s11+s4], $0x1, $0x38;
	[tilespmem:$0x1CAA0] =	vst v63  }
0xdf: {  	s7 =	rddreg [dreg:$0xb]  }
0xe0: {  	s8 =	simm.s32 $0x1AAA5;
	s7 =	sadd.s32 s7, s6  }
0xe1: {  	s9 =	simm.s32 $0x1;
	s10 =	simm.s32 $0x1AAB5;
	s11 =	sadd.s32 $0x0, s7  }
.LBB2_31:
0xe2: {  	[tilespmem:s8], [sflag:$0x1] =	stream.linear.gather [hbm4b:s11+s4], $0x1, $0x38;
	[tilespmem:$0x1CAA0] =	vst v63  }
0xe3: {  	s11 =	smov.u32 s9;
	s8 =	smov.u32 s10;
	p2 =	sne.s32 s9, $0x1FF  }
.Ltmp16:
0xe4: {  	s9 =	sadd.s32 $0x1, s9;
	(pc) =	sbr.rel @p2 .LBB2_31-.Ltmp16, $2  }
0xe5: {  	_ =	sdelay $0x2  }
0xe6: {  	s10 =	sadd.s32 $0x10, s10;
	s11 =	sadd.s32 s11, s7  }
0xe7: {  	[tilespmem:s8], [sflag:$0x1] =	stream.linear.gather [hbm4b:s11+s4], $0x1, $0x38;
	[tilespmem:$0x1CAA0] =	vst v63  }
0xe8: {  	s7 =	rddreg [dreg:$0xc]  }
0xe9: {  	s8 =	simm.s32 $0x1AAA8;
	s7 =	sadd.s32 s7, s6  }
0xea: {  	s9 =	simm.s32 $0x1;
	s10 =	simm.s32 $0x1AAB8;
	s11 =	sadd.s32 $0x0, s7  }
.LBB2_33:
0xeb: {  	[tilespmem:s8], [sflag:$0x1] =	stream.linear.gather [hbm4b:s11+s4], $0x1, $0x38;
	[tilespmem:$0x1CAA0] =	vst v63  }
0xec: {  	s11 =	smov.u32 s9;
	s8 =	smov.u32 s10;
	p2 =	sne.s32 s9, $0x1FF  }
.Ltmp17:
0xed: {  	s9 =	sadd.s32 $0x1, s9;
	(pc) =	sbr.rel @p2 .LBB2_33-.Ltmp17, $2  }
0xee: {  	_ =	sdelay $0x2  }
0xef: {  	s10 =	sadd.s32 $0x10, s10;
	s11 =	sadd.s32 s11, s7  }
0xf0: {  	[tilespmem:s8], [sflag:$0x1] =	stream.linear.gather [hbm4b:s11+s4], $0x1, $0x38;
	[tilespmem:$0x1CAA0] =	vst v63  }
0xf1: {  	s7 =	rddreg [dreg:$0x17]  }
0xf2: {  	s8 =	simm.s32 $0x1AAA9;
	s7 =	sadd.s32 s7, s6  }
0xf3: {  	s9 =	simm.s32 $0x1;
	s10 =	simm.s32 $0x1AAB9;
	s11 =	sadd.s32 $0x0, s7  }
.LBB2_35:
0xf4: {  	[tilespmem:s8], [sflag:$0x1] =	stream.linear.gather [hbm4b:s11+s4], $0x1, $0x38;
	[tilespmem:$0x1CAA0] =	vst v63  }
0xf5: {  	s11 =	smov.u32 s9;
	s8 =	smov.u32 s10;
	p2 =	sne.s32 s9, $0x1FF  }
.Ltmp18:
0xf6: {  	s9 =	sadd.s32 $0x1, s9;
	(pc) =	sbr.rel @p2 .LBB2_35-.Ltmp18, $2  }
0xf7: {  	_ =	sdelay $0x2  }
0xf8: {  	s10 =	sadd.s32 $0x10, s10;
	s11 =	sadd.s32 s11, s7  }
0xf9: {  	[tilespmem:s8], [sflag:$0x1] =	stream.linear.gather [hbm4b:s11+s4], $0x1, $0x38;
	[tilespmem:$0x1CAA0] =	vst v63  }
0xfa: {  	s6 =	sadd.s32 s15, s6;
	s7 =	simm.s32 $0x1AAAA  }
0xfb: {  	s8 =	simm.s32 $0x1;
	s9 =	simm.s32 $0x1AABA;
	s10 =	sadd.s32 $0x0, s6  }
.LBB2_37:
0xfc: {  	[tilespmem:s7], [sflag:$0x1] =	stream.linear.gather [hbm4b:s10+s4], $0x1, $0x38;
	[tilespmem:$0x1CAA0] =	vst v63  }
0xfd: {  	s10 =	smov.u32 s8;
	s7 =	smov.u32 s9;
	p2 =	sne.s32 s8, $0x1FF  }
.Ltmp19:
0xfe: {  	s8 =	sadd.s32 $0x1, s8;
	(pc) =	sbr.rel @p2 .LBB2_37-.Ltmp19, $2  }
0xff: {  	_ =	sdelay $0x2  }
0x100: {  	s9 =	sadd.s32 $0x10, s9;
	s10 =	sadd.s32 s10, s6  }
0x101: {  	[tilespmem:s7], [sflag:$0x1] =	stream.linear.gather [hbm4b:s10+s4], $0x1, $0x38;
	[tilespmem:$0x1CAA0] =	vst v63  }
0x102: {  	s6 =	simm.s32 $0x18AA0;
	s9 =	simm.s32 $0x186A0  }
0x103: {  	[spmem:s13] =	stream.indirect.scatter.add.f32 [tilespmem:s6], [sflag:$0x2], $0x10, s9, s14, $0xb8;
	[tilespmem:$0x1CAA0] =	vst v63  }
0x104: {  	_ =	swait.ge [sflag:s3], $0x200  }
0x105: {  	[sflag:s3] =	ssyncset.done $0x0  }
0x106: {  	[sflag:s3] =	ssyncadd.s32 $0xFFFFFE00  }
0x107: {  	_ =	swait.ge [sflag:s3], $0x200  }
0x108: {  	[sflag:s3] =	ssyncset.done $0x0  }
0x109: {  	[sflag:s3] =	ssyncadd.s32 $0xFFFFFE00  }
0x10a: {  	_ =	swait.ge [sflag:s3], $0x200  }
0x10b: {  	[sflag:s3] =	ssyncset.done $0x0  }
0x10c: {  	[sflag:s3] =	ssyncadd.s32 $0xFFFFFE00  }
0x10d: {  	_ =	swait.ge [sflag:s3], $0x200  }
0x10e: {  	[sflag:s3] =	ssyncset.done $0x0  }
0x10f: {  	[sflag:s3] =	ssyncadd.s32 $0xFFFFFE00  }
0x110: {  	_ =	swait.ge [sflag:s3], $0x200  }
0x111: {  	[sflag:s3] =	ssyncset.done $0x0  }
0x112: {  	[sflag:s3] =	ssyncadd.s32 $0xFFFFFE00  }
0x113: {  	_ =	swait.ge [sflag:s3], $0x200  }
0x114: {  	[sflag:s3] =	ssyncset.done $0x0  }
0x115: {  	[sflag:s3] =	ssyncadd.s32 $0xFFFFFE00  }
0x116: {  	_ =	swait.ge [sflag:s3], $0x200  }
0x117: {  	[sflag:s3] =	ssyncset.done $0x0  }
0x118: {  	[sflag:s3] =	ssyncadd.s32 $0xFFFFFE00  }
0x119: {  	_ =	swait.ge [sflag:s3], $0x200  }
0x11a: {  	[sflag:s3] =	ssyncset.done $0x0  }
0x11b: {  	[sflag:s3] =	ssyncadd.s32 $0xFFFFFE00  }
0x11c: {  	_ =	swait.ge [sflag:s3], $0x200  }
0x11d: {  	[sflag:s3] =	ssyncset.done $0x0  }
0x11e: {  	[sflag:s3] =	ssyncadd.s32 $0xFFFFFE00  }
0x11f: {  	_ =	swait.ge [sflag:s3], $0x200  }
0x120: {  	[sflag:s3] =	ssyncset.done $0x0  }
0x121: {  	s8 =	simm.s32 $0x2;
	[sflag:s3] =	ssyncadd.s32 $0xFFFFFE00  }
0x122: {  	_ =	swait.ge [sflag:s8], $0x2000  }
0x123: {  	s10 =	rddreg [dreg:$0x12]  }
0x124: {  	s11 =	smov.u32 s13;
	s5 =	sadd.s32 s10, s5  }
0x125: {  	[sflag:s8] =	ssyncset.done $0x0;
	s13 =	rddreg [dreg:$0x5];
	s7 =	sshll.u32 s5, $0x6  }
0x126: {  	[sflag:s8] =	ssyncadd.s32 $0xFFFFE000;
	s10 =	simm.s32 $0x0;
	s7 =	sadd.s32 s13, s7  }
0x127: {  	[tilespmem:s9], [sflag:$0x1] =	stream.linear.gather [hbm4b:s7+s10], $0x200, $0x38;
	[tilespmem:$0x1CAA0] =	vst v63  }
0x128: {  	s5 =	sshll.u32 s5, $0x9;
	s10 =	rddreg [dreg:$0x6]  }
0x129: {  	s8 =	simm.s32 $0x1;
	s7 =	sadd.s32 s10, s5  }
0x12a: {  	s13 =	simm.s32 $0x186A0;
	s9 =	simm.s32 $0x18AB0;
	s10 =	sadd.s32 $0x0, s7  }
.LBB2_39:
0x12b: {  	[tilespmem:s6], [sflag:$0x1] =	stream.linear.gather [hbm4b:s10+s4], $0x1, $0x38;
	[tilespmem:$0x1CAA0] =	vst v63  }
0x12c: {  	s10 =	smov.u32 s8;
	s6 =	smov.u32 s9;
	p2 =	sne.s32 s8, $0x1FF  }
.Ltmp20:
0x12d: {  	s8 =	sadd.s32 $0x1, s8;
	(pc) =	sbr.rel @p2 .LBB2_39-.Ltmp20, $2  }
0x12e: {  	_ =	sdelay $0x2  }
0x12f: {  	s9 =	sadd.s32 $0x10, s9;
	s10 =	sadd.s32 s10, s7  }
0x130: {  	[tilespmem:s6], [sflag:$0x1] =	stream.linear.gather [hbm4b:s10+s4], $0x1, $0x38;
	[tilespmem:$0x1CAA0] =	vst v63  }
0x131: {  	s10 =	rddreg [dreg:$0x7]  }
0x132: {  	s7 =	simm.s32 $0x18AA1;
	s6 =	sadd.s32 s10, s5  }
0x133: {  	s8 =	simm.s32 $0x1;
	s9 =	simm.s32 $0x18AB1;
	s10 =	sadd.s32 $0x0, s6  }
.LBB2_41:
0x134: {  	[tilespmem:s7], [sflag:$0x1] =	stream.linear.gather [hbm4b:s10+s4], $0x1, $0x38;
	[tilespmem:$0x1CAA0] =	vst v63  }
0x135: {  	s10 =	smov.u32 s8;
	s7 =	smov.u32 s9;
	p2 =	sne.s32 s8, $0x1FF  }
.Ltmp21:
0x136: {  	s8 =	sadd.s32 $0x1, s8;
	(pc) =	sbr.rel @p2 .LBB2_41-.Ltmp21, $2  }
0x137: {  	_ =	sdelay $0x2  }
0x138: {  	s9 =	sadd.s32 $0x10, s9;
	s10 =	sadd.s32 s10, s6  }
0x139: {  	[tilespmem:s7], [sflag:$0x1] =	stream.linear.gather [hbm4b:s10+s4], $0x1, $0x38;
	[tilespmem:$0x1CAA0] =	vst v63  }
0x13a: {  	s6 =	rddreg [dreg:$0x8]  }
0x13b: {  	s7 =	simm.s32 $0x18AA2;
	s6 =	sadd.s32 s6, s5  }
0x13c: {  	s8 =	simm.s32 $0x1;
	s9 =	simm.s32 $0x18AB2;
	s10 =	sadd.s32 $0x0, s6  }
.LBB2_43:
0x13d: {  	[tilespmem:s7], [sflag:$0x1] =	stream.linear.gather [hbm4b:s10+s4], $0x1, $0x38;
	[tilespmem:$0x1CAA0] =	vst v63  }
0x13e: {  	s10 =	smov.u32 s8;
	s7 =	smov.u32 s9;
	p2 =	sne.s32 s8, $0x1FF  }
.Ltmp22:
0x13f: {  	s8 =	sadd.s32 $0x1, s8;
	(pc) =	sbr.rel @p2 .LBB2_43-.Ltmp22, $2  }
0x140: {  	_ =	sdelay $0x2  }
0x141: {  	s9 =	sadd.s32 $0x10, s9;
	s10 =	sadd.s32 s10, s6  }
0x142: {  	[tilespmem:s7], [sflag:$0x1] =	stream.linear.gather [hbm4b:s10+s4], $0x1, $0x38;
	[tilespmem:$0x1CAA0] =	vst v63  }
0x143: {  	s6 =	rddreg [dreg:$0x9]  }
0x144: {  	s7 =	simm.s32 $0x18AA3;
	s6 =	sadd.s32 s6, s5  }
0x145: {  	s8 =	simm.s32 $0x1;
	s9 =	simm.s32 $0x18AB3;
	s10 =	sadd.s32 $0x0, s6  }
.LBB2_45:
0x146: {  	[tilespmem:s7], [sflag:$0x1] =	stream.linear.gather [hbm4b:s10+s4], $0x1, $0x38;
	[tilespmem:$0x1CAA0] =	vst v63  }
0x147: {  	s10 =	smov.u32 s8;
	s7 =	smov.u32 s9;
	p2 =	sne.s32 s8, $0x1FF  }
.Ltmp23:
0x148: {  	s8 =	sadd.s32 $0x1, s8;
	(pc) =	sbr.rel @p2 .LBB2_45-.Ltmp23, $2  }
0x149: {  	_ =	sdelay $0x2  }
0x14a: {  	s9 =	sadd.s32 $0x10, s9;
	s10 =	sadd.s32 s10, s6  }
0x14b: {  	[tilespmem:s7], [sflag:$0x1] =	stream.linear.gather [hbm4b:s10+s4], $0x1, $0x38;
	[tilespmem:$0x1CAA0] =	vst v63  }
0x14c: {  	s6 =	rddreg [dreg:$0xa]  }
0x14d: {  	s7 =	simm.s32 $0x18AA4;
	s6 =	sadd.s32 s6, s5  }
0x14e: {  	s8 =	simm.s32 $0x1;
	s9 =	simm.s32 $0x18AB4;
	s10 =	sadd.s32 $0x0, s6  }
.LBB2_47:
0x14f: {  	[tilespmem:s7], [sflag:$0x1] =	stream.linear.gather [hbm4b:s10+s4], $0x1, $0x38;
	[tilespmem:$0x1CAA0] =	vst v63  }
0x150: {  	s10 =	smov.u32 s8;
	s7 =	smov.u32 s9;
	p2 =	sne.s32 s8, $0x1FF  }
.Ltmp24:
0x151: {  	s8 =	sadd.s32 $0x1, s8;
	(pc) =	sbr.rel @p2 .LBB2_47-.Ltmp24, $2  }
0x152: {  	_ =	sdelay $0x2  }
0x153: {  	s9 =	sadd.s32 $0x10, s9;
	s10 =	sadd.s32 s10, s6  }
0x154: {  	[tilespmem:s7], [sflag:$0x1] =	stream.linear.gather [hbm4b:s10+s4], $0x1, $0x38;
	[tilespmem:$0x1CAA0] =	vst v63  }
0x155: {  	s6 =	rddreg [dreg:$0xb]  }
0x156: {  	s7 =	simm.s32 $0x18AA5;
	s6 =	sadd.s32 s6, s5  }
0x157: {  	s8 =	simm.s32 $0x1;
	s9 =	simm.s32 $0x18AB5;
	s10 =	sadd.s32 $0x0, s6  }
.LBB2_49:
0x158: {  	[tilespmem:s7], [sflag:$0x1] =	stream.linear.gather [hbm4b:s10+s4], $0x1, $0x38;
	[tilespmem:$0x1CAA0] =	vst v63  }
0x159: {  	s10 =	smov.u32 s8;
	s7 =	smov.u32 s9;
	p2 =	sne.s32 s8, $0x1FF  }
.Ltmp25:
0x15a: {  	s8 =	sadd.s32 $0x1, s8;
	(pc) =	sbr.rel @p2 .LBB2_49-.Ltmp25, $2  }
0x15b: {  	_ =	sdelay $0x2  }
0x15c: {  	s9 =	sadd.s32 $0x10, s9;
	s10 =	sadd.s32 s10, s6  }
0x15d: {  	[tilespmem:s7], [sflag:$0x1] =	stream.linear.gather [hbm4b:s10+s4], $0x1, $0x38;
	[tilespmem:$0x1CAA0] =	vst v63  }
0x15e: {  	s6 =	rddreg [dreg:$0xc]  }
0x15f: {  	s7 =	simm.s32 $0x18AA8;
	s6 =	sadd.s32 s6, s5  }
0x160: {  	s8 =	simm.s32 $0x1;
	s9 =	simm.s32 $0x18AB8;
	s10 =	sadd.s32 $0x0, s6  }
.LBB2_51:
0x161: {  	[tilespmem:s7], [sflag:$0x1] =	stream.linear.gather [hbm4b:s10+s4], $0x1, $0x38;
	[tilespmem:$0x1CAA0] =	vst v63  }
0x162: {  	s10 =	smov.u32 s8;
	s7 =	smov.u32 s9;
	p2 =	sne.s32 s8, $0x1FF  }
.Ltmp26:
0x163: {  	s8 =	sadd.s32 $0x1, s8;
	(pc) =	sbr.rel @p2 .LBB2_51-.Ltmp26, $2  }
0x164: {  	_ =	sdelay $0x2  }
0x165: {  	s9 =	sadd.s32 $0x10, s9;
	s10 =	sadd.s32 s10, s6  }
0x166: {  	[tilespmem:s7], [sflag:$0x1] =	stream.linear.gather [hbm4b:s10+s4], $0x1, $0x38;
	[tilespmem:$0x1CAA0] =	vst v63  }
0x167: {  	s6 =	rddreg [dreg:$0x17]  }
0x168: {  	s7 =	simm.s32 $0x18AA9;
	s6 =	sadd.s32 s6, s5  }
0x169: {  	s8 =	simm.s32 $0x1;
	s9 =	simm.s32 $0x18AB9;
	s10 =	sadd.s32 $0x0, s6  }
.LBB2_53:
0x16a: {  	[tilespmem:s7], [sflag:$0x1] =	stream.linear.gather [hbm4b:s10+s4], $0x1, $0x38;
	[tilespmem:$0x1CAA0] =	vst v63  }
0x16b: {  	s10 =	smov.u32 s8;
	s7 =	smov.u32 s9;
	p2 =	sne.s32 s8, $0x1FF  }
.Ltmp27:
0x16c: {  	s8 =	sadd.s32 $0x1, s8;
	(pc) =	sbr.rel @p2 .LBB2_53-.Ltmp27, $2  }
0x16d: {  	_ =	sdelay $0x2  }
0x16e: {  	s9 =	sadd.s32 $0x10, s9;
	s10 =	sadd.s32 s10, s6  }
0x16f: {  	[tilespmem:s7], [sflag:$0x1] =	stream.linear.gather [hbm4b:s10+s4], $0x1, $0x38;
	[tilespmem:$0x1CAA0] =	vst v63  }
0x170: {  	s5 =	sadd.s32 s15, s5;
	s6 =	simm.s32 $0x18AAA  }
0x171: {  	s7 =	simm.s32 $0x1;
	s8 =	simm.s32 $0x18ABA;
	s9 =	sadd.s32 $0x0, s5  }
.LBB2_55:
0x172: {  	[tilespmem:s6], [sflag:$0x1] =	stream.linear.gather [hbm4b:s9+s4], $0x1, $0x38;
	[tilespmem:$0x1CAA0] =	vst v63  }
0x173: {  	s9 =	smov.u32 s7;
	s6 =	smov.u32 s8;
	p2 =	sne.s32 s7, $0x1FF  }
.Ltmp28:
0x174: {  	s7 =	sadd.s32 $0x1, s7;
	(pc) =	sbr.rel @p2 .LBB2_55-.Ltmp28, $2  }
0x175: {  	_ =	sdelay $0x2  }
0x176: {  	s8 =	sadd.s32 $0x10, s8;
	s9 =	sadd.s32 s9, s5  }
0x177: {  	s16 =	sadd.s32 $0x1, s16  }
0x178: {  	p2 =	sne.s32 s16, $0x61  }
.Ltmp29:
0x179: {  	_ = 	snop;
	(pc) =	sbr.rel @p2 .LBB2_20-.Ltmp29, $4  }
0x17a: {  	_ = 	snop  }
0x17b: {  	[tilespmem:s6], [sflag:$0x1] =	stream.linear.gather [hbm4b:s9+s4], $0x1, $0x38;
	[tilespmem:$0x1CAA0] =	vst v63  }
0x17c: {  	s5 =	simm.s32 $0x1AAA0;
	s9 =	simm.s32 $0x188A0  }
0x17d: {  	[spmem:s11] =	stream.indirect.scatter.add.f32 [tilespmem:s5], [sflag:$0x2], $0x10, s9, s14, $0xb8;
	[tilespmem:$0x1CAA0] =	vst v63  }
0x17e: {  	_ =	swait.ge [sflag:s3], $0x200  }
0x17f: {  	[sflag:s3] =	ssyncset.done $0x0  }
0x180: {  	[sflag:s3] =	ssyncadd.s32 $0xFFFFFE00  }
0x181: {  	_ =	swait.ge [sflag:s3], $0x200  }
0x182: {  	[sflag:s3] =	ssyncset.done $0x0  }
0x183: {  	[sflag:s3] =	ssyncadd.s32 $0xFFFFFE00  }
0x184: {  	_ =	swait.ge [sflag:s3], $0x200  }
0x185: {  	[sflag:s3] =	ssyncset.done $0x0  }
0x186: {  	[sflag:s3] =	ssyncadd.s32 $0xFFFFFE00  }
0x187: {  	_ =	swait.ge [sflag:s3], $0x200  }
0x188: {  	[sflag:s3] =	ssyncset.done $0x0  }
0x189: {  	[sflag:s3] =	ssyncadd.s32 $0xFFFFFE00  }
0x18a: {  	_ =	swait.ge [sflag:s3], $0x200  }
0x18b: {  	[sflag:s3] =	ssyncset.done $0x0  }
0x18c: {  	[sflag:s3] =	ssyncadd.s32 $0xFFFFFE00  }
0x18d: {  	_ =	swait.ge [sflag:s3], $0x200  }
0x18e: {  	[sflag:s3] =	ssyncset.done $0x0  }
0x18f: {  	[sflag:s3] =	ssyncadd.s32 $0xFFFFFE00  }
0x190: {  	_ =	swait.ge [sflag:s3], $0x200  }
0x191: {  	[sflag:s3] =	ssyncset.done $0x0  }
0x192: {  	[sflag:s3] =	ssyncadd.s32 $0xFFFFFE00  }
0x193: {  	_ =	swait.ge [sflag:s3], $0x200  }
0x194: {  	[sflag:s3] =	ssyncset.done $0x0  }
0x195: {  	[sflag:s3] =	ssyncadd.s32 $0xFFFFFE00  }
0x196: {  	_ =	swait.ge [sflag:s3], $0x200  }
0x197: {  	[sflag:s3] =	ssyncset.done $0x0  }
0x198: {  	[sflag:s3] =	ssyncadd.s32 $0xFFFFFE00  }
0x199: {  	_ =	swait.ge [sflag:s3], $0x200  }
.Ltmp30:
0x19a: {  	[sflag:s3] =	ssyncset.done $0x0;
	(pc) =	sbr.rel @p1 .LBB2_78-.Ltmp30, $4  }
0x19b: {  	s10 =	simm.s32 $0x2;
	[sflag:s3] =	ssyncadd.s32 $0xFFFFFE00  }
0x19c: {  	_ =	swait.ge [sflag:s10], $0x2000  }
0x19d: {  	[sflag:s10] =	ssyncset.done $0x0  }
0x19e: {  	[sflag:s10] =	ssyncadd.s32 $0xFFFFE000  }
0x19f: {  	s5 =	simm.s32 $0x0  }
0x1a0: {  	s6 =	rddreg [dreg:$0x10];
	s8 =	sadd.s32 $0x0, s30;
	s7 =	simm.s32 $0x1AAB0  }
0x1a1: {  	[tilespmem:s9], [sflag:$0x1] =	stream.linear.gather [hbm4b:s6+s5], $0x200, $0x38;
	[tilespmem:$0x1CAA0] =	vst v63  }
0x1a2: {  	s16 =	simm.s32 $0x18AA0;
	s5 =	simm.s32 $0x1AAA0;
	s6 =	simm.s32 $0x1  }
.LBB2_59:
0x1a3: {  	[tilespmem:s5], [sflag:$0x1] =	stream.linear.gather [hbm4b:s8+s4], $0x1, $0x38;
	[tilespmem:$0x1CAA0] =	vst v63  }
0x1a4: {  	s8 =	smov.u32 s6;
	s5 =	smov.u32 s7;
	p2 =	sne.s32 s6, $0x1FF  }
.Ltmp31:
0x1a5: {  	s6 =	sadd.s32 $0x1, s6;
	(pc) =	sbr.rel @p2 .LBB2_59-.Ltmp31, $2  }
0x1a6: {  	_ =	sdelay $0x2  }
0x1a7: {  	s7 =	sadd.s32 $0x10, s7;
	s8 =	sadd.s32 s8, s30  }
0x1a8: {  	[tilespmem:s5], [sflag:$0x1] =	stream.linear.gather [hbm4b:s8+s4], $0x1, $0x38;
	[tilespmem:$0x1CAA0] =	vst v63  }
0x1a9: {  	s5 =	simm.s32 $0x1AAA1  }
0x1aa: {  	s6 =	simm.s32 $0x1;
	s8 =	sadd.s32 $0x0, s31;
	s7 =	simm.s32 $0x1AAB1  }
.LBB2_61:
0x1ab: {  	[tilespmem:s5], [sflag:$0x1] =	stream.linear.gather [hbm4b:s8+s4], $0x1, $0x38;
	[tilespmem:$0x1CAA0] =	vst v63  }
0x1ac: {  	s8 =	smov.u32 s6;
	s5 =	smov.u32 s7;
	p2 =	sne.s32 s6, $0x1FF  }
.Ltmp32:
0x1ad: {  	s6 =	sadd.s32 $0x1, s6;
	(pc) =	sbr.rel @p2 .LBB2_61-.Ltmp32, $2  }
0x1ae: {  	_ =	sdelay $0x2  }
0x1af: {  	s7 =	sadd.s32 $0x10, s7;
	s8 =	sadd.s32 s8, s31  }
0x1b0: {  	[tilespmem:s5], [sflag:$0x1] =	stream.linear.gather [hbm4b:s8+s4], $0x1, $0x38;
	[tilespmem:$0x1CAA0] =	vst v63  }
0x1b1: {  	s5 =	simm.s32 $0x1AAA2  }
0x1b2: {  	s6 =	simm.s32 $0x1;
	s8 =	sadd.s32 $0x0, s0;
	s7 =	simm.s32 $0x1AAB2  }
.LBB2_63:
0x1b3: {  	[tilespmem:s5], [sflag:$0x1] =	stream.linear.gather [hbm4b:s8+s4], $0x1, $0x38;
	[tilespmem:$0x1CAA0] =	vst v63  }
0x1b4: {  	s8 =	smov.u32 s6;
	s5 =	smov.u32 s7;
	p2 =	sne.s32 s6, $0x1FF  }
.Ltmp33:
0x1b5: {  	s6 =	sadd.s32 $0x1, s6;
	(pc) =	sbr.rel @p2 .LBB2_63-.Ltmp33, $2  }
0x1b6: {  	_ =	sdelay $0x2  }
0x1b7: {  	s7 =	sadd.s32 $0x10, s7;
	s8 =	sadd.s32 s8, s0  }
0x1b8: {  	[tilespmem:s5], [sflag:$0x1] =	stream.linear.gather [hbm4b:s8+s4], $0x1, $0x38;
	[tilespmem:$0x1CAA0] =	vst v63  }
0x1b9: {  	s5 =	simm.s32 $0x1AAA3  }
0x1ba: {  	s6 =	simm.s32 $0x1;
	s8 =	sadd.s32 $0x0, s28;
	s7 =	simm.s32 $0x1AAB3  }
.LBB2_65:
0x1bb: {  	[tilespmem:s5], [sflag:$0x1] =	stream.linear.gather [hbm4b:s8+s4], $0x1, $0x38;
	[tilespmem:$0x1CAA0] =	vst v63  }
0x1bc: {  	s8 =	smov.u32 s6;
	s5 =	smov.u32 s7;
	p2 =	sne.s32 s6, $0x1FF  }
.Ltmp34:
0x1bd: {  	s6 =	sadd.s32 $0x1, s6;
	(pc) =	sbr.rel @p2 .LBB2_65-.Ltmp34, $2  }
0x1be: {  	_ =	sdelay $0x2  }
0x1bf: {  	s7 =	sadd.s32 $0x10, s7;
	s8 =	sadd.s32 s8, s28  }
0x1c0: {  	[tilespmem:s5], [sflag:$0x1] =	stream.linear.gather [hbm4b:s8+s4], $0x1, $0x38;
	[tilespmem:$0x1CAA0] =	vst v63  }
0x1c1: {  	s5 =	simm.s32 $0x1AAA4  }
0x1c2: {  	s6 =	simm.s32 $0x1;
	s8 =	sadd.s32 $0x0, s29;
	s7 =	simm.s32 $0x1AAB4  }
.LBB2_67:
0x1c3: {  	[tilespmem:s5], [sflag:$0x1] =	stream.linear.gather [hbm4b:s8+s4], $0x1, $0x38;
	[tilespmem:$0x1CAA0] =	vst v63  }
0x1c4: {  	s8 =	smov.u32 s6;
	s5 =	smov.u32 s7;
	p2 =	sne.s32 s6, $0x1FF  }
.Ltmp35:
0x1c5: {  	s6 =	sadd.s32 $0x1, s6;
	(pc) =	sbr.rel @p2 .LBB2_67-.Ltmp35, $2  }
0x1c6: {  	_ =	sdelay $0x2  }
0x1c7: {  	s7 =	sadd.s32 $0x10, s7;
	s8 =	sadd.s32 s8, s29  }
0x1c8: {  	[tilespmem:s5], [sflag:$0x1] =	stream.linear.gather [hbm4b:s8+s4], $0x1, $0x38;
	[tilespmem:$0x1CAA0] =	vst v63  }
0x1c9: {  	s5 =	simm.s32 $0x1AAA5  }
0x1ca: {  	s6 =	simm.s32 $0x1;
	s8 =	sadd.s32 $0x0, s18;
	s7 =	simm.s32 $0x1AAB5  }
.LBB2_69:
0x1cb: {  	[tilespmem:s5], [sflag:$0x1] =	stream.linear.gather [hbm4b:s8+s4], $0x1, $0x38;
	[tilespmem:$0x1CAA0] =	vst v63  }
0x1cc: {  	s8 =	smov.u32 s6;
	s5 =	smov.u32 s7;
	p2 =	sne.s32 s6, $0x1FF  }
.Ltmp36:
0x1cd: {  	s6 =	sadd.s32 $0x1, s6;
	(pc) =	sbr.rel @p2 .LBB2_69-.Ltmp36, $2  }
0x1ce: {  	_ =	sdelay $0x2  }
0x1cf: {  	s7 =	sadd.s32 $0x10, s7;
	s8 =	sadd.s32 s8, s18  }
0x1d0: {  	[tilespmem:s5], [sflag:$0x1] =	stream.linear.gather [hbm4b:s8+s4], $0x1, $0x38;
	[tilespmem:$0x1CAA0] =	vst v63  }
0x1d1: {  	s5 =	simm.s32 $0x1AAA8  }
0x1d2: {  	s6 =	simm.s32 $0x1;
	s8 =	sadd.s32 $0x0, s12;
	s7 =	simm.s32 $0x1AAB8  }
.LBB2_71:
0x1d3: {  	[tilespmem:s5], [sflag:$0x1] =	stream.linear.gather [hbm4b:s8+s4], $0x1, $0x38;
	[tilespmem:$0x1CAA0] =	vst v63  }
0x1d4: {  	s8 =	smov.u32 s6;
	s5 =	smov.u32 s7;
	p2 =	sne.s32 s6, $0x1FF  }
.Ltmp37:
0x1d5: {  	s6 =	sadd.s32 $0x1, s6;
	(pc) =	sbr.rel @p2 .LBB2_71-.Ltmp37, $2  }
0x1d6: {  	_ =	sdelay $0x2  }
0x1d7: {  	s7 =	sadd.s32 $0x10, s7;
	s8 =	sadd.s32 s8, s12  }
0x1d8: {  	[tilespmem:s5], [sflag:$0x1] =	stream.linear.gather [hbm4b:s8+s4], $0x1, $0x38;
	[tilespmem:$0x1CAA0] =	vst v63  }
0x1d9: {  	s5 =	simm.s32 $0x1AAA9  }
0x1da: {  	s6 =	simm.s32 $0x1;
	s8 =	sadd.s32 $0x0, s1;
	s7 =	simm.s32 $0x1AAB9  }
.LBB2_73:
0x1db: {  	[tilespmem:s5], [sflag:$0x1] =	stream.linear.gather [hbm4b:s8+s4], $0x1, $0x38;
	[tilespmem:$0x1CAA0] =	vst v63  }
0x1dc: {  	s8 =	smov.u32 s6;
	s5 =	smov.u32 s7;
	p2 =	sne.s32 s6, $0x1FF  }
.Ltmp38:
0x1dd: {  	s6 =	sadd.s32 $0x1, s6;
	(pc) =	sbr.rel @p2 .LBB2_73-.Ltmp38, $2  }
0x1de: {  	_ =	sdelay $0x2  }
0x1df: {  	s7 =	sadd.s32 $0x10, s7;
	s8 =	sadd.s32 s8, s1  }
0x1e0: {  	[tilespmem:s5], [sflag:$0x1] =	stream.linear.gather [hbm4b:s8+s4], $0x1, $0x38;
	[tilespmem:$0x1CAA0] =	vst v63  }
0x1e1: {  	s5 =	simm.s32 $0x1AAAA  }
0x1e2: {  	s6 =	simm.s32 $0x1;
	s8 =	sadd.s32 $0x0, s2;
	s7 =	simm.s32 $0x1AABA  }
.LBB2_75:
0x1e3: {  	[tilespmem:s5], [sflag:$0x1] =	stream.linear.gather [hbm4b:s8+s4], $0x1, $0x38;
	[tilespmem:$0x1CAA0] =	vst v63  }
0x1e4: {  	s8 =	smov.u32 s6;
	s5 =	smov.u32 s7;
	p2 =	seq.s32 s6, $0x1FF  }
.Ltmp39:
0x1e5: {  	s6 =	sadd.s32 $0x1, s6;
	(pc) =	sbr.rel @!p2 .LBB2_75-.Ltmp39, $2  }
0x1e6: {  	_ =	sdelay $0x2  }
0x1e7: {  	s7 =	sadd.s32 $0x10, s7;
	s8 =	sadd.s32 s8, s2  }
0x1e8: {  	[tilespmem:s5], [sflag:$0x1] =	stream.linear.gather [hbm4b:s8+s4], $0x1, $0x38;
	[tilespmem:$0x1CAA0] =	vst v63  }
0x1e9: {  	s6 =	simm.s32 $0x200  }
0x1ea: {  	[spmem:s11] =	stream.indirect.scatter.add.f32 [tilespmem:s16], [sflag:$0x2], $0x10, s13, s6, $0xb8;
	[tilespmem:$0x1CAA0] =	vst v63  }
0x1eb: {  	_ =	swait.ge [sflag:s3], $0x200  }
0x1ec: {  	[sflag:s3] =	ssyncset.done $0x0  }
0x1ed: {  	[sflag:s3] =	ssyncadd.s32 $0xFFFFFE00  }
0x1ee: {  	_ =	swait.ge [sflag:s3], $0x200  }
0x1ef: {  	[sflag:s3] =	ssyncset.done $0x0  }
0x1f0: {  	[sflag:s3] =	ssyncadd.s32 $0xFFFFFE00  }
0x1f1: {  	_ =	swait.ge [sflag:s3], $0x200  }
0x1f2: {  	[sflag:s3] =	ssyncset.done $0x0  }
0x1f3: {  	[sflag:s3] =	ssyncadd.s32 $0xFFFFFE00  }
0x1f4: {  	_ =	swait.ge [sflag:s3], $0x200  }
0x1f5: {  	[sflag:s3] =	ssyncset.done $0x0  }
0x1f6: {  	[sflag:s3] =	ssyncadd.s32 $0xFFFFFE00  }
0x1f7: {  	_ =	swait.ge [sflag:s3], $0x200  }
0x1f8: {  	[sflag:s3] =	ssyncset.done $0x0  }
0x1f9: {  	[sflag:s3] =	ssyncadd.s32 $0xFFFFFE00  }
0x1fa: {  	_ =	swait.ge [sflag:s3], $0x200  }
0x1fb: {  	[sflag:s3] =	ssyncset.done $0x0  }
0x1fc: {  	[sflag:s3] =	ssyncadd.s32 $0xFFFFFE00  }
0x1fd: {  	_ =	swait.ge [sflag:s3], $0x200  }
0x1fe: {  	[sflag:s3] =	ssyncset.done $0x0  }
0x1ff: {  	[sflag:s3] =	ssyncadd.s32 $0xFFFFFE00  }
0x200: {  	_ =	swait.ge [sflag:s3], $0x200  }
0x201: {  	[sflag:s3] =	ssyncset.done $0x0  }
0x202: {  	[sflag:s3] =	ssyncadd.s32 $0xFFFFFE00  }
0x203: {  	_ =	swait.ge [sflag:s3], $0x200  }
0x204: {  	[sflag:s3] =	ssyncset.done $0x0  }
0x205: {  	[sflag:s3] =	ssyncadd.s32 $0xFFFFFE00  }
0x206: {  	_ =	swait.ge [sflag:s3], $0x200  }
0x207: {  	[sflag:s3] =	ssyncset.done $0x0  }
0x208: {  	[sflag:s3] =	ssyncadd.s32 $0xFFFFFE00  }
0x209: {  	_ =	swait.ge [sflag:s10], $0x2000  }
0x20a: {  	[sflag:s10] =	ssyncset.done $0x0  }
0x20b: {  	s8 =	simm.s32 $0x1AAA0;
	[sflag:s10] =	ssyncadd.s32 $0xFFFFE000  }
0x20c: {  	[spmem:s11] =	stream.indirect.scatter.add.f32 [tilespmem:s8], [sflag:$0x2], $0x10, s9, s6, $0xb8;
	[tilespmem:$0x1CAA0] =	vst v63  }
.Ltmp40:
0x20d: {  	_ =	swait.ge [sflag:s10], $0x2000;
	(pc) =	sbr.rel .LBB2_77-.Ltmp40, $4  }
0x20e: {  	[sflag:s10] =	ssyncset.done $0x0  }
0x20f: {  	[sflag:s10] =	ssyncadd.s32 $0xFFFFE000  }
0x210: {  	[bflag:$0x0] =	sbarrier.arrive $0xFFFF  }
0x211: {  	s14 =	simm.s32 $0x200;
	s8 =	simm.s32 $0x3  }
.LBB2_78:
0x212: {  	s16 =	simm.s32 $0x18AA0  }
0x213: {  	[spmem:s11] =	stream.indirect.scatter.add.f32 [tilespmem:s16], [sflag:$0x2], $0x10, s13, s14, $0xb8;
	[tilespmem:$0x1CAA0] =	vst v63  }
.Ltmp41:
0x214: {  	_ =	swait.ge [sflag:s10], $0x2000;
	(pc) =	sbr.rel @p0 .LBB2_79-.Ltmp41, $4  }
0x215: {  	[sflag:s10] =	ssyncset.done $0x0  }
0x216: {  	[sflag:s10] =	ssyncadd.s32 $0xFFFFE000  }
0x217: {  	[bflag:$0x0] =	sbarrier.arrive $0xFFFF  }
0x218: {  	s8 =	simm.s32 $0x3  }
.LBB2_77:
0x219: {  	s5 =	stileid.u32  }
0x21a: {  	s6 =	rddreg [dreg:$0xe];
	s5 =	sshll.u32 s5, $0x6  }
.Ltmp42:
0x21b: {  	s7 =	rddreg [dreg:$0x15];
	s5 =	sor.u32 $0x1C03, s5;
	(pc) =	sbr.rel .LBB2_80-.Ltmp42, $4  }
0x21c: {  	[hbm:s6], [sflag:s5] =	dma.local [spmem:s7], $0x30E0  }
0x21d: {  	_ =	swait.ge [sflag:s8], $0x30E0  }
0x21e: {  	[sflag:s8] =	ssyncset.done $0x0  }
0x21f: {  	s6 =	rddreg [dreg:$0x18];
	[sflag:s8] =	ssyncadd.s32 $0xFFFFCF20  }
.LBB2_81:
0x220: {  	_ =	sfence.sel $0x180000  }
0x221: {  	[bflag:$0x0] =	sbarrier.arrive $0xFFFF  }
0x222: {  	_ =	strace $0x90000047  }
0x223: {  	s0 =	stileid.u32;
	[bflag:$0x2] =	sbarrier.arrive $0xFFFF  }
0x224: {  	p0 =	sne.s32 s0, $0x0;
	s0 =	rddreg [dreg:$0x4]  }
0x225: {  	s0 =	sadd.s32 @!p0 $0x100000, s0  }
0x226: {  	[sflag:s0] =	ssyncadd.tile.s32 @!p0 $0x1;
	_ =	shalt  }
.Lfunc_end2:
_tile_overlayer_lowered:
.L_overlay_start_2:
0x227: {  	(tag) =	ssettag $0x2  }
0x228: {  	s0 =	rddreg [dreg:$0x0];
	s2 =	stileid.u32  }
0x229: {  	s1 =	rddreg [dreg:$0x1];
	p0 =	sne.s32 s2, $0x0  }
0x22a: {  	s3 =	rddreg [dreg:$0x2];
	[bflag:$0x3] =	sbarrier.arrive $0xFFFF;
	s2 =	simm.s32 @!p0 $0x1C03  }
0x22b: {  	[timem:s3], [sflag:s2] =	dma.local @!p0 [hbm:s0], s1  }
0x22c: {  	s0 =	simm.s32 @!p0 $0x3  }
0x22d: {  	_ =	swait.ge @!p0 [sflag:s0], s1  }
0x22e: {  	s1 =	ssub.s32 @!p0 $0x0, s1;
	[sflag:s0] =	ssyncset.done @!p0 $0x0  }
0x22f: {  	[sflag:s0] =	ssyncadd.s32 @!p0 s1  }
0x230: {  	[bflag:$0x3] =	sbarrier.arrive $0xFFFF  }
0x231: {  	_ =	shalt  }

</sc_bundles>
